<compile_context>
chip_gen: v7x
topology: tpu7x:2x2x1
jax: 0.10.2.dev20260603
libtpu: 0.0.44.dev20260713+nightly
codegen_flags: <defaults>
</compile_context>

<pallas_src>
import functools

import jax
import jax.numpy as jnp
from jax import lax
from jax.experimental import pallas as pl
from jax.experimental.pallas import tpu as pltpu
from jax.experimental.pallas import tpu_sc as plsc

N = 10000
E = 320000
G = 64
DIN = 128
DH = 64
DOUT = 10

NC = 2
NS = 16
L = 16
CHUNK = 128
NCHW = 80
NCH0 = NC * NCHW
NCHD = 80
EPAD = NC * NS * NCHW * CHUNK
NPAD = 10112
STRIPE = NPAD // NS
NBUF = 8

_mesh = plsc.VectorSubcoreMesh(core_axis_name="c", subcore_axis_name="s")
_sc_params = pltpu.CompilerParams(use_tc_tiling_on_sc=False)


def _zero_vmem_2d(buf, rows, cols):
    z = jnp.zeros((L,), jnp.float32)

    @pl.loop(0, rows)
    def _(r):
        @pl.loop(0, cols, step=L)
        def _(j):
            buf[r, pl.ds(j, L)] = z


def _init_acc_from(zb, acc, base, rows):
    @pl.loop(0, rows // CHUNK)
    def _(k):
        pltpu.sync_copy(zb, acc.at[pl.ds(base + k * CHUNK, CHUNK)])

    rem = rows % CHUNK
    if rem:
        pltpu.sync_copy(
            zb.at[pl.ds(0, rem)],
            acc.at[pl.ds(base + (rows // CHUNK) * CHUNK, rem)],
        )


@functools.partial(
    pl.kernel,
    out_type=jax.ShapeDtypeStruct((NC, NPAD, 8), jnp.float32),
    mesh=_mesh,
    compiler_params=_sc_params,
    scratch_types=[
        pltpu.VMEM((NCHD, CHUNK), jnp.int32),
        pltpu.VMEM((CHUNK, L), jnp.float32),
        pltpu.VMEM_SHARED((NPAD, L), jnp.float32),
        pltpu.SemaphoreType.DMA,
    ],
)
def _sc_degree(dst_hbm, out_hbm, dstv, ones_v, acc, ssem):
    cid = lax.axis_index("c")
    sid = lax.axis_index("s")
    nch = NCHD

    _zero_vmem_2d(ones_v, CHUNK, L)
    _init_acc_from(ones_v, acc, sid * STRIPE, STRIPE)

    one = jnp.ones((L,), jnp.float32)

    @pl.loop(0, CHUNK)
    def _(r):
        ones_v[r, pl.ds(0, L)] = one

    pltpu.sync_copy(dst_hbm.at[cid, sid], dstv)
    plsc.subcore_barrier()

    @pl.loop(0, nch)
    def _(c):
        pltpu.async_copy(ones_v, acc.at[dstv.at[c]], ssem, add=True)

    @pl.loop(0, nch)
    def _(c):
        pltpu.make_async_copy(ones_v, acc.at[dstv.at[c]], ssem).wait()

    plsc.subcore_barrier()
    sl = pl.ds(sid * STRIPE, STRIPE)
    pltpu.sync_copy(acc.at[sl, pl.ds(0, 8)], out_hbm.at[cid, sl])


@functools.partial(
    pl.kernel,
    out_type=jax.ShapeDtypeStruct((NC, NPAD, DH), jnp.float32),
    mesh=_mesh,
    compiler_params=_sc_params,
    scratch_types=[
        pltpu.VMEM((NCHW, CHUNK), jnp.int32),
        pltpu.VMEM((NCHW, CHUNK), jnp.int32),
        [pltpu.VMEM((CHUNK, DH), jnp.float32)] * NBUF,
        pltpu.VMEM_SHARED((NPAD, DH), jnp.float32),
        [pltpu.SemaphoreType.DMA] * NBUF,
        [pltpu.SemaphoreType.DMA] * NBUF,
    ],
)
def _sc_scatter(hs_hbm, src_hbm, dst_hbm, out_hbm,
                srcv, dstv, bufs, acc, gsems, ssems):
    cid = lax.axis_index("c")
    sid = lax.axis_index("s")

    _zero_vmem_2d(bufs[0], CHUNK, DH)
    _init_acc_from(bufs[0], acc, sid * STRIPE, STRIPE)
    pltpu.sync_copy(src_hbm.at[cid, sid], srcv)
    pltpu.sync_copy(dst_hbm.at[cid, sid], dstv)
    plsc.subcore_barrier()

    def gather(c, b):
        pltpu.async_copy(hs_hbm.at[srcv.at[c]], bufs[b], gsems[b])

    def wait_gather(c, b):
        pltpu.make_async_copy(hs_hbm.at[srcv.at[c]], bufs[b], gsems[b]).wait()

    def scatter(c, b):
        pltpu.async_copy(bufs[b], acc.at[dstv.at[c]], ssems[b], add=True)

    def wait_scatter(c, b):
        pltpu.make_async_copy(bufs[b], acc.at[dstv.at[c]], ssems[b]).wait()

    for b in range(NBUF):
        gather(b, b)

    @pl.loop(0, NCHW, step=NBUF)
    def _(c):
        for b in range(NBUF):
            wait_gather(c + b, b)
            scatter(c + b, b)
        for b in range(NBUF):
            wait_scatter(c + b, b)

            @pl.when(c + NBUF + b < NCHW)
            def _():
                gather(c + NBUF + b, b)

    plsc.subcore_barrier()
    sl = pl.ds(sid * STRIPE, STRIPE)
    pltpu.sync_copy(acc.at[sl], out_hbm.at[cid, sl])


def _dinv_col(degp):
    deg = degp[0] + degp[1]
    dinv = jnp.where(deg > 0.0, lax.rsqrt(jnp.maximum(deg, 1e-12)), 0.0)
    return lax.slice(dinv, (0, 0), (NPAD, 1))


def _tc1_body(x_ref, w1_ref, degp_ref, hs_ref):
    dinv = _dinv_col(degp_ref[...])
    xw = jnp.dot(x_ref[...], w1_ref[...], preferred_element_type=jnp.float32)
    xw = jnp.concatenate(
        [xw, jnp.zeros((NPAD - N, DH), jnp.float32)], axis=0)
    hs_ref[...] = xw * dinv


def _tc2_body(agg_ref, degp_ref, b1_ref, w2_ref, hs_ref):
    dinv = _dinv_col(degp_ref[...])
    aggp = agg_ref[...]
    h1 = jax.nn.relu(dinv * (aggp[0] + aggp[1]) + b1_ref[...])
    hw = jnp.dot(h1, w2_ref[...], preferred_element_type=jnp.float32)
    hs_ref[...] = hw * dinv


def _tc3_body(agg_ref, degp_ref, b2_ref, batch_ref, wfc_ref, bfc_ref, out_ref):
    dinv = _dinv_col(degp_ref[...])
    aggp = agg_ref[...]
    h2 = jax.nn.relu(dinv * (aggp[0] + aggp[1]) + b2_ref[...])
    gids = lax.broadcasted_iota(jnp.int32, (G, NPAD), 0)
    onehot_t = (gids == batch_ref[...]).astype(jnp.float32)
    g = jnp.dot(onehot_t, h2, preferred_element_type=jnp.float32)
    logits = jnp.dot(g, wfc_ref[...], preferred_element_type=jnp.float32)
    logits = logits + bfc_ref[...]
    m = jnp.max(logits, axis=1, keepdims=True)
    z = logits - m
    lse = jnp.log(jnp.sum(jnp.exp(z), axis=1, keepdims=True))
    out_ref[...] = z - lse


_tc1 = pl.pallas_call(
    _tc1_body, out_shape=jax.ShapeDtypeStruct((NPAD, DH), jnp.float32))
_tc2 = pl.pallas_call(
    _tc2_body, out_shape=jax.ShapeDtypeStruct((NPAD, DH), jnp.float32))
_tc3 = pl.pallas_call(
    _tc3_body, out_shape=jax.ShapeDtypeStruct((G, DOUT), jnp.float32))


def _chunked(idx, shape):
    pad = N + (jnp.arange(EPAD - E, dtype=jnp.int32) % (NPAD - N))
    return jnp.concatenate([idx, pad]).reshape(shape)


def kernel(x, edge_index, batch, W1, b1, W2, b2, Wfc, bfc):
    src3 = _chunked(edge_index[0], (NC, NS, NCHW, CHUNK))
    dst3 = _chunked(edge_index[1], (NC, NS, NCHW, CHUNK))
    batch2 = jnp.concatenate(
        [batch.astype(jnp.int32), jnp.full((NPAD - N,), G, jnp.int32)]
    ).reshape(1, NPAD)

    degp = _sc_degree(dst3)
    hs1 = _tc1(x, W1, degp)
    agg1 = _sc_scatter(hs1, src3, dst3)
    hs2 = _tc2(agg1, degp, b1.reshape(1, DH), W2)
    agg2 = _sc_scatter(hs2, src3, dst3)
    return _tc3(agg2, degp, b2.reshape(1, DH), batch2, Wfc, bfc.reshape(1, DOUT))

# --- scband reference (transcript-rebuilt; emitter-appended) ---
"""Pipeline reference for scband-gcngraph-classifier-4947802325329 (READ-ONLY COPY).

The authoritative reference and input builder live on the scoring server;
editing this copy changes nothing except your own understanding.
"""

import jax, jax.numpy as jnp
import numpy as np

N_NODES = 10000
N_EDGES = 320000
NUM_GRAPHS = 64
D_IN = 128
D_HID = 64
D_OUT = 10


def setup_inputs(seed: int = 0) -> dict:
    key = jax.random.key(seed)
    ks = jax.random.split(key, 10)
    x = jax.random.normal(ks[0], (N_NODES, D_IN), dtype=jnp.float32)
    edge_index = jax.random.randint(ks[1], (2, N_EDGES), 0, N_NODES, dtype=jnp.int32)
    batch = jnp.sort(jax.random.randint(ks[2], (N_NODES,), 0, NUM_GRAPHS, dtype=jnp.int32))
    W1 = jax.random.normal(ks[3], (D_IN, D_HID), dtype=jnp.float32) * (1.0 / np.sqrt(D_IN))
    b1 = jnp.zeros((D_HID,), dtype=jnp.float32)
    W2 = jax.random.normal(ks[4], (D_HID, D_HID), dtype=jnp.float32) * (1.0 / np.sqrt(D_HID))
    b2 = jnp.zeros((D_HID,), dtype=jnp.float32)
    Wfc = jax.random.normal(ks[5], (D_HID, D_OUT), dtype=jnp.float32) * (1.0 / np.sqrt(D_HID))
    bfc = jnp.zeros((D_OUT,), dtype=jnp.float32)
    return {"x": x, "edge_index": edge_index, "batch": batch,
            "W1": W1, "b1": b1, "W2": W2, "b2": b2, "Wfc": Wfc, "bfc": bfc}


def _gcn_conv(h, edge_index, W, b):
    # PyG GCNConv with add_self_loops=False: h' = D^{-1/2} A D^{-1/2} (h W) + b
    h = h @ W
    src = edge_index[0]
    dst = edge_index[1]
    ones = jnp.ones((edge_index.shape[1],), dtype=h.dtype)
    deg = jax.ops.segment_sum(ones, dst, num_segments=N_NODES)
    deg_inv_sqrt = jnp.where(deg > 0, 1.0 / jnp.sqrt(jnp.maximum(deg, 1e-12)), 0.0)
    norm = deg_inv_sqrt[src] * deg_inv_sqrt[dst]
    msg = h[src] * norm[:, None]
    agg = jax.ops.segment_sum(msg, dst, num_segments=N_NODES)
    return agg + b


def reference(x, edge_index, batch, W1, b1, W2, b2, Wfc, bfc):
    h = jax.nn.relu(_gcn_conv(x, edge_index, W1, b1))
    h = jax.nn.relu(_gcn_conv(h, edge_index, W2, b2))
    g = jax.ops.segment_sum(h, batch, num_segments=NUM_GRAPHS)  # global_add_pool
    logits = g @ Wfc + bfc
    return jax.nn.log_softmax(logits, axis=1)

if __name__ == "__main__":
    import jax
    _d = setup_inputs()
    print(jax.jit(kernel)(*tuple(_d.values())))

</pallas_src>

<mosaic_0001>
#map = affine_map<(d0, d1) -> (0, 0, 0, 0)>
#map1 = affine_map<(d0, d1) -> (0, 0, 0)>
module attributes {stable_mosaic.version = 14 : i64} {
  func.func @_sc_degree(%arg0: i32, %arg1: i32, %arg2: memref<2x16x80x128xi32, #tpu.memory_space<hbm>>, %arg3: memref<2x10112x8xf32, #tpu.memory_space<hbm>>, %arg4: memref<80x128xi32, #tpu.memory_space<vmem>>, %arg5: memref<128x16xf32, #tpu.memory_space<vmem>>, %arg6: memref<10112x16xf32, #tpu.memory_space<vmem_shared>>, %arg7: memref<!tpu.dma_semaphore, #tpu.memory_space<semaphore_mem>>) attributes {dimension_semantics = [#tpu.dimension_semantics<core_parallel>, #tpu.dimension_semantics<subcore_parallel>], iteration_bounds = array<i64: 2, 16>, scalar_prefetch = 0 : i64, scratch_operands = 4 : i64, tpu.core_type = #tpu.core_type<sc_vector_subcore>, window_params = [{transform_indices = #map}, {transform_indices = #map1}]} {
    %broadcast_in_dim3A = arith.constant 0.000000e+00 : f32
    %broadcast_in_dim3A_0 = vector.broadcast %broadcast_in_dim3A : f32 to vector<16xf32>
    %scan3A = arith.constant 0 : i32
    %scan3A_1 = arith.constant 128 : i32
    %scan3A_2 = arith.addi %scan3A, %scan3A_1 : i32
    %scan3A_3 = arith.constant 1 : i32
    scf.for %scan3A_32 = %scan3A to %scan3A_2 step %scan3A_3  : i32 {
      %mul3A_33 = arith.constant 1 : i32
      %mul3A_34 = arith.muli %scan3A_32, %mul3A_33 : i32
      %add3A_35 = arith.constant 0 : i32
      %add3A_36 = arith.addi %add3A_35, %mul3A_34 : i32
      %scan3A_37 = arith.constant 0 : i32
      %mul3A_38 = arith.constant 16 : i32
      %mul3A_39 = arith.muli %scan3A_37, %mul3A_38 : i32
      %add3A_40 = arith.constant 0 : i32
      %add3A_41 = arith.addi %add3A_40, %mul3A_39 : i32
      %swap3A = arith.index_cast %add3A_36 : i32 to index
      %swap3A_42 = arith.index_cast %add3A_41 : i32 to index
      %swap3A_43 = tpu.vector_load %arg5[%swap3A, %swap3A_42] {strides = array<i32>} : memref<128x16xf32, #tpu.memory_space<vmem>>, vector<1x16xf32>,
      %swap3A_44 = vector.shape_cast %swap3A_43 : vector<1x16xf32> to vector<16xf32>
      %swap3A_45 = vector.shape_cast %broadcast_in_dim3A_0 : vector<16xf32> to vector<1x16xf32>
      tpu.vector_store %arg5[%swap3A, %swap3A_42], %swap3A_45 {strides = array<i32>} : memref<128x16xf32, #tpu.memory_space<vmem>>, vector<1x16xf32>,
      %scan3A_46 = arith.constant 1 : i32
    }
    %scan3A_4 = arith.constant 128 : i32
    %mul3A = arith.constant 632 : i32
    %mul3A_5 = arith.muli %arg1, %mul3A : i32
    %scan3A_6 = arith.constant 0 : i32
    %scan3A_7 = arith.constant 4 : i32
    %scan3A_8 = arith.addi %scan3A_6, %scan3A_7 : i32
    %scan3A_9 = arith.constant 1 : i32
    scf.for %scan3A_32 = %scan3A_6 to %scan3A_8 step %scan3A_9  : i32 {
      %mul3A_33 = arith.constant 1 : i32
      %mul3A_34 = arith.muli %scan3A_32, %mul3A_33 : i32
      %add3A_35 = arith.constant 0 : i32
      %add3A_36 = arith.addi %add3A_35, %mul3A_34 : i32
      %mul3A_37 = arith.constant 128 : i32
      %mul3A_38 = arith.muli %add3A_36, %mul3A_37 : i32
      %add3A_39 = arith.addi %mul3A_5, %mul3A_38 : i32
      "tpu.region"() ({
        %run_scoped3A = tpu.sem_alloc : memref<!tpu.dma_semaphore, #tpu.memory_space<semaphore_mem>>
        %dma_start3A = arith.constant 0 : i32
        %dma_start3A_40 = tpu.memref_slice %arg6[%add3A_39, %dma_start3A] : memref<10112x16xf32, #tpu.memory_space<vmem_shared>> -> memref<128x16xf32, #tpu.memory_space<vmem_shared>>
        %dma_start3A_41 = arith.constant 0 : i32
        %dma_start3A_42 = tpu.memref_slice %arg6[%add3A_39, %dma_start3A_41] : memref<10112x16xf32, #tpu.memory_space<vmem_shared>> -> memref<128x16xf32, #tpu.memory_space<vmem_shared>>
        tpu.enqueue_dma source(%arg5 : memref<128x16xf32, #tpu.memory_space<vmem>>) target(%dma_start3A_42 : memref<128x16xf32, #tpu.memory_space<vmem_shared>>) target_semaphore(%run_scoped3A : memref<!tpu.dma_semaphore, #tpu.memory_space<semaphore_mem>>)
        %dma_wait3A = arith.constant 0 : i32
        %dma_wait3A_43 = tpu.memref_slice %arg6[%add3A_39, %dma_wait3A] : memref<10112x16xf32, #tpu.memory_space<vmem_shared>> -> memref<128x16xf32, #tpu.memory_space<vmem_shared>>
        %dma_wait3A_44 = arith.constant 0 : i32
        %dma_wait3A_45 = tpu.memref_slice %arg6[%add3A_39, %dma_wait3A_44] : memref<10112x16xf32, #tpu.memory_space<vmem_shared>> -> memref<128x16xf32, #tpu.memory_space<vmem_shared>>
        tpu.wait_dma2 semaphore(%run_scoped3A : memref<!tpu.dma_semaphore, #tpu.memory_space<semaphore_mem>>) src(%arg5 : memref<128x16xf32, #tpu.memory_space<vmem>>) dst(%dma_wait3A_45 : memref<128x16xf32, #tpu.memory_space<vmem_shared>>)
        tpu.yield
      }) : () -> ()
    }
    %scan3A_10 = arith.constant 4 : i32
    %add3A = arith.constant 512 : i32
    %add3A_11 = arith.addi %mul3A_5, %add3A : i32
    "tpu.region"() ({
      %run_scoped3A = tpu.sem_alloc : memref<!tpu.dma_semaphore, #tpu.memory_space<semaphore_mem>>
      %dma_start3A = arith.constant 0 : i32
      %dma_start3A_32 = arith.constant 0 : i32
      %dma_start3A_33 = tpu.memref_slice %arg5[%dma_start3A, %dma_start3A_32] : memref<128x16xf32, #tpu.memory_space<vmem>> -> memref<120x16xf32, #tpu.memory_space<vmem>>
      %dma_start3A_34 = arith.constant 0 : i32
      %dma_start3A_35 = tpu.memref_slice %arg6[%add3A_11, %dma_start3A_34] : memref<10112x16xf32, #tpu.memory_space<vmem_shared>> -> memref<120x16xf32, #tpu.memory_space<vmem_shared>>
      %dma_start3A_36 = arith.constant 0 : i32
      %dma_start3A_37 = tpu.memref_slice %arg6[%add3A_11, %dma_start3A_36] : memref<10112x16xf32, #tpu.memory_space<vmem_shared>> -> memref<120x16xf32, #tpu.memory_space<vmem_shared>>
      %dma_start3A_38 = arith.constant 0 : i32
      %dma_start3A_39 = arith.constant 0 : i32
      %dma_start3A_40 = tpu.memref_slice %arg5[%dma_start3A_38, %dma_start3A_39] : memref<128x16xf32, #tpu.memory_space<vmem>> -> memref<120x16xf32, #tpu.memory_space<vmem>>
      tpu.enqueue_dma source(%dma_start3A_40 : memref<120x16xf32, #tpu.memory_space<vmem>>) target(%dma_start3A_37 : memref<120x16xf32, #tpu.memory_space<vmem_shared>>) target_semaphore(%run_scoped3A : memref<!tpu.dma_semaphore, #tpu.memory_space<semaphore_mem>>)
      %dma_wait3A = arith.constant 0 : i32
      %dma_wait3A_41 = arith.constant 0 : i32
      %dma_wait3A_42 = tpu.memref_slice %arg5[%dma_wait3A, %dma_wait3A_41] : memref<128x16xf32, #tpu.memory_space<vmem>> -> memref<120x16xf32, #tpu.memory_space<vmem>>
      %dma_wait3A_43 = arith.constant 0 : i32
      %dma_wait3A_44 = tpu.memref_slice %arg6[%add3A_11, %dma_wait3A_43] : memref<10112x16xf32, #tpu.memory_space<vmem_shared>> -> memref<120x16xf32, #tpu.memory_space<vmem_shared>>
      %dma_wait3A_45 = arith.constant 0 : i32
      %dma_wait3A_46 = tpu.memref_slice %arg6[%add3A_11, %dma_wait3A_45] : memref<10112x16xf32, #tpu.memory_space<vmem_shared>> -> memref<120x16xf32, #tpu.memory_space<vmem_shared>>
      %dma_wait3A_47 = arith.constant 0 : i32
      %dma_wait3A_48 = arith.constant 0 : i32
      %dma_wait3A_49 = tpu.memref_slice %arg5[%dma_wait3A_47, %dma_wait3A_48] : memref<128x16xf32, #tpu.memory_space<vmem>> -> memref<120x16xf32, #tpu.memory_space<vmem>>
      tpu.wait_dma2 semaphore(%run_scoped3A : memref<!tpu.dma_semaphore, #tpu.memory_space<semaphore_mem>>) src(%dma_wait3A_49 : memref<120x16xf32, #tpu.memory_space<vmem>>) dst(%dma_wait3A_46 : memref<120x16xf32, #tpu.memory_space<vmem_shared>>)
      tpu.yield
    }) : () -> ()
    %broadcast_in_dim3A_12 = arith.constant 1.000000e+00 : f32
    %broadcast_in_dim3A_13 = vector.broadcast %broadcast_in_dim3A_12 : f32 to vector<16xf32>
    %scan3A_14 = arith.constant 0 : i32
    %scan3A_15 = arith.constant 128 : i32
    %scan3A_16 = arith.addi %scan3A_14, %scan3A_15 : i32
    %scan3A_17 = arith.constant 1 : i32
    scf.for %scan3A_32 = %scan3A_14 to %scan3A_16 step %scan3A_17  : i32 {
      %mul3A_33 = arith.constant 1 : i32
      %mul3A_34 = arith.muli %scan3A_32, %mul3A_33 : i32
      %add3A_35 = arith.constant 0 : i32
      %add3A_36 = arith.addi %add3A_35, %mul3A_34 : i32
      %swap3A = arith.index_cast %add3A_36 : i32 to index
      %swap3A_37 = arith.constant 0 : index
      %swap3A_38 = tpu.vector_load %arg5[%swap3A, %swap3A_37] {strides = array<i32>} : memref<128x16xf32, #tpu.memory_space<vmem>>, vector<1x16xf32>,
      %swap3A_39 = vector.shape_cast %swap3A_38 : vector<1x16xf32> to vector<16xf32>
      %swap3A_40 = vector.shape_cast %broadcast_in_dim3A_13 : vector<16xf32> to vector<1x16xf32>
      tpu.vector_store %arg5[%swap3A, %swap3A_37], %swap3A_40 {strides = array<i32>} : memref<128x16xf32, #tpu.memory_space<vmem>>, vector<1x16xf32>,
    }
    %scan3A_18 = arith.constant 128 : i32
    "tpu.region"() ({
      %run_scoped3A = tpu.sem_alloc : memref<!tpu.dma_semaphore, #tpu.memory_space<semaphore_mem>>
      %dma_start3A = arith.constant 0 : i32
      %dma_start3A_32 = arith.constant 0 : i32
      %dma_start3A_33 = tpu.memref_slice %arg2[%arg0, %arg1, %dma_start3A, %dma_start3A_32] : memref<2x16x80x128xi32, #tpu.memory_space<hbm>> -> memref<1x1x80x128xi32, #tpu.memory_space<hbm>>
      %dma_start3A_34 = tpu.memref_squeeze %dma_start3A_33 : memref<1x1x80x128xi32, #tpu.memory_space<hbm>> -> memref<80x128xi32, #tpu.memory_space<hbm>>
      %dma_start3A_35 = arith.constant 0 : i32
      %dma_start3A_36 = arith.constant 0 : i32
      %dma_start3A_37 = tpu.memref_slice %arg2[%arg0, %arg1, %dma_start3A_35, %dma_start3A_36] : memref<2x16x80x128xi32, #tpu.memory_space<hbm>> -> memref<1x1x80x128xi32, #tpu.memory_space<hbm>>
      %dma_start3A_38 = tpu.memref_squeeze %dma_start3A_37 : memref<1x1x80x128xi32, #tpu.memory_space<hbm>> -> memref<80x128xi32, #tpu.memory_space<hbm>>
      tpu.enqueue_dma source(%dma_start3A_38 : memref<80x128xi32, #tpu.memory_space<hbm>>) target(%arg4 : memref<80x128xi32, #tpu.memory_space<vmem>>) target_semaphore(%run_scoped3A : memref<!tpu.dma_semaphore, #tpu.memory_space<semaphore_mem>>)
      %dma_wait3A = arith.constant 0 : i32
      %dma_wait3A_39 = arith.constant 0 : i32
      %dma_wait3A_40 = tpu.memref_slice %arg2[%arg0, %arg1, %dma_wait3A, %dma_wait3A_39] : memref<2x16x80x128xi32, #tpu.memory_space<hbm>> -> memref<1x1x80x128xi32, #tpu.memory_space<hbm>>
      %dma_wait3A_41 = tpu.memref_squeeze %dma_wait3A_40 : memref<1x1x80x128xi32, #tpu.memory_space<hbm>> -> memref<80x128xi32, #tpu.memory_space<hbm>>
      %dma_wait3A_42 = arith.constant 0 : i32
      %dma_wait3A_43 = arith.constant 0 : i32
      %dma_wait3A_44 = tpu.memref_slice %arg2[%arg0, %arg1, %dma_wait3A_42, %dma_wait3A_43] : memref<2x16x80x128xi32, #tpu.memory_space<hbm>> -> memref<1x1x80x128xi32, #tpu.memory_space<hbm>>
      %dma_wait3A_45 = tpu.memref_squeeze %dma_wait3A_44 : memref<1x1x80x128xi32, #tpu.memory_space<hbm>> -> memref<80x128xi32, #tpu.memory_space<hbm>>
      tpu.wait_dma2 semaphore(%run_scoped3A : memref<!tpu.dma_semaphore, #tpu.memory_space<semaphore_mem>>) src(%dma_wait3A_45 : memref<80x128xi32, #tpu.memory_space<hbm>>) dst(%arg4 : memref<80x128xi32, #tpu.memory_space<vmem>>)
      tpu.yield
    }) : () -> ()
    %barrier3A = arith.constant 0 : index
    tpu.barrier barrier_id(%barrier3A)
    %scan3A_19 = arith.constant 0 : i32
    %scan3A_20 = arith.constant 80 : i32
    %scan3A_21 = arith.addi %scan3A_19, %scan3A_20 : i32
    %scan3A_22 = arith.constant 1 : i32
    scf.for %scan3A_32 = %scan3A_19 to %scan3A_21 step %scan3A_22  : i32 {
      %mul3A_33 = arith.constant 1 : i32
      %mul3A_34 = arith.muli %scan3A_32, %mul3A_33 : i32
      %add3A_35 = arith.constant 0 : i32
      %add3A_36 = arith.addi %add3A_35, %mul3A_34 : i32
      %dma_start3A = arith.constant 0 : i32
      %dma_start3A_37 = tpu.memref_slice %arg4[%add3A_36, %dma_start3A] : memref<80x128xi32, #tpu.memory_space<vmem>> -> memref<1x128xi32, #tpu.memory_space<vmem>>
      %dma_start3A_38 = tpu.memref_squeeze %dma_start3A_37 : memref<1x128xi32, #tpu.memory_space<vmem>> -> memref<128xi32, #tpu.memory_space<vmem>>
      %dma_start3A_39 = arith.constant 0 : i32
      %dma_start3A_40 = arith.constant 0 : i32
      %dma_start3A_41 = tpu.memref_slice %arg6[%dma_start3A_39, %dma_start3A_40] : memref<10112x16xf32, #tpu.memory_space<vmem_shared>> -> memref<10112x16xf32, #tpu.memory_space<vmem_shared>>
      tpu.enqueue_indirect_dma source(%arg5 : memref<128x16xf32, #tpu.memory_space<vmem>>) target(%dma_start3A_41 : memref<10112x16xf32, #tpu.memory_space<vmem_shared>>) offsets(%dma_start3A_38 : memref<128xi32, #tpu.memory_space<vmem>>) semaphore(%arg7 : memref<!tpu.dma_semaphore, #tpu.memory_space<semaphore_mem>>) {add = true}
    }
    %scan3A_23 = arith.constant 80 : i32
    %scan3A_24 = arith.constant 0 : i32
    %scan3A_25 = arith.constant 80 : i32
    %scan3A_26 = arith.addi %scan3A_24, %scan3A_25 : i32
    %scan3A_27 = arith.constant 1 : i32
    scf.for %scan3A_32 = %scan3A_24 to %scan3A_26 step %scan3A_27  : i32 {
      %mul3A_33 = arith.constant 1 : i32
      %mul3A_34 = arith.muli %scan3A_32, %mul3A_33 : i32
      %add3A_35 = arith.constant 0 : i32
      %add3A_36 = arith.addi %add3A_35, %mul3A_34 : i32
      %dma_wait3A = arith.constant 0 : i32
      %dma_wait3A_37 = tpu.memref_slice %arg4[%add3A_36, %dma_wait3A] : memref<80x128xi32, #tpu.memory_space<vmem>> -> memref<1x128xi32, #tpu.memory_space<vmem>>
      %dma_wait3A_38 = tpu.memref_squeeze %dma_wait3A_37 : memref<1x128xi32, #tpu.memory_space<vmem>> -> memref<128xi32, #tpu.memory_space<vmem>>
      %dma_wait3A_39 = arith.constant 0 : i32
      %dma_wait3A_40 = arith.constant 0 : i32
      %dma_wait3A_41 = tpu.memref_slice %arg6[%dma_wait3A_39, %dma_wait3A_40] : memref<10112x16xf32, #tpu.memory_space<vmem_shared>> -> memref<10112x16xf32, #tpu.memory_space<vmem_shared>>
      tpu.wait_indirect_dma semaphore(%arg7 : memref<!tpu.dma_semaphore, #tpu.memory_space<semaphore_mem>>) src(%arg5 : memref<128x16xf32, #tpu.memory_space<vmem>>) dst(%dma_wait3A_41 : memref<10112x16xf32, #tpu.memory_space<vmem_shared>>)
    }
    %scan3A_28 = arith.constant 80 : i32
    %barrier3A_29 = arith.constant 0 : index
    tpu.barrier barrier_id(%barrier3A_29)
    %mul3A_30 = arith.constant 632 : i32
    %mul3A_31 = arith.muli %arg1, %mul3A_30 : i32
    "tpu.region"() ({
      %run_scoped3A = tpu.sem_alloc : memref<!tpu.dma_semaphore, #tpu.memory_space<semaphore_mem>>
      %dma_start3A = arith.constant 0 : i32
      %dma_start3A_32 = tpu.memref_slice %arg3[%arg0, %mul3A_31, %dma_start3A] : memref<2x10112x8xf32, #tpu.memory_space<hbm>> -> memref<1x632x8xf32, #tpu.memory_space<hbm>>
      %dma_start3A_33 = tpu.memref_squeeze %dma_start3A_32 : memref<1x632x8xf32, #tpu.memory_space<hbm>> -> memref<632x8xf32, #tpu.memory_space<hbm>>
      %dma_start3A_34 = arith.constant 0 : i32
      %dma_start3A_35 = tpu.memref_slice %arg6[%mul3A_31, %dma_start3A_34] : memref<10112x16xf32, #tpu.memory_space<vmem_shared>> -> memref<632x8xf32, #tpu.memory_space<vmem_shared>>
      tpu.enqueue_dma source(%dma_start3A_35 : memref<632x8xf32, #tpu.memory_space<vmem_shared>>) target(%dma_start3A_33 : memref<632x8xf32, #tpu.memory_space<hbm>>) target_semaphore(%run_scoped3A : memref<!tpu.dma_semaphore, #tpu.memory_space<semaphore_mem>>)
      %dma_wait3A = arith.constant 0 : i32
      %dma_wait3A_36 = tpu.memref_slice %arg3[%arg0, %mul3A_31, %dma_wait3A] : memref<2x10112x8xf32, #tpu.memory_space<hbm>> -> memref<1x632x8xf32, #tpu.memory_space<hbm>>
      %dma_wait3A_37 = tpu.memref_squeeze %dma_wait3A_36 : memref<1x632x8xf32, #tpu.memory_space<hbm>> -> memref<632x8xf32, #tpu.memory_space<hbm>>
      %dma_wait3A_38 = arith.constant 0 : i32
      %dma_wait3A_39 = tpu.memref_slice %arg6[%mul3A_31, %dma_wait3A_38] : memref<10112x16xf32, #tpu.memory_space<vmem_shared>> -> memref<632x8xf32, #tpu.memory_space<vmem_shared>>
      tpu.wait_dma2 semaphore(%run_scoped3A : memref<!tpu.dma_semaphore, #tpu.memory_space<semaphore_mem>>) src(%dma_wait3A_39 : memref<632x8xf32, #tpu.memory_space<vmem_shared>>) dst(%dma_wait3A_37 : memref<632x8xf32, #tpu.memory_space<hbm>>)
      tpu.yield
    }) : () -> ()
    return
  }
}

#map = affine_map<(d0, d1) -> (0, 0)>
#map1 = affine_map<(d0, d1) -> (0, 0, 0, 0)>
#map2 = affine_map<(d0, d1) -> (0, 0, 0)>
module attributes {stable_mosaic.version = 14 : i64} {
  func.func @_sc_scatter(%arg0: i32, %arg1: i32, %arg2: memref<10112x64xf32, #tpu.memory_space<hbm>>, %arg3: memref<2x16x80x128xi32, #tpu.memory_space<hbm>>, %arg4: memref<2x16x80x128xi32, #tpu.memory_space<hbm>>, %arg5: memref<2x10112x64xf32, #tpu.memory_space<hbm>>, %arg6: memref<80x128xi32, #tpu.memory_space<vmem>>, %arg7: memref<80x128xi32, #tpu.memory_space<vmem>>, %arg8: memref<128x64xf32, #tpu.memory_space<vmem>>, %arg9: memref<128x64xf32, #tpu.memory_space<vmem>>, %arg10: memref<128x64xf32, #tpu.memory_space<vmem>>, %arg11: memref<128x64xf32, #tpu.memory_space<vmem>>, %arg12: memref<128x64xf32, #tpu.memory_space<vmem>>, %arg13: memref<128x64xf32, #tpu.memory_space<vmem>>, %arg14: memref<128x64xf32, #tpu.memory_space<vmem>>, %arg15: memref<128x64xf32, #tpu.memory_space<vmem>>, %arg16: memref<10112x64xf32, #tpu.memory_space<vmem_shared>>, %arg17: memref<!tpu.dma_semaphore, #tpu.memory_space<semaphore_mem>>, %arg18: memref<!tpu.dma_semaphore, #tpu.memory_space<semaphore_mem>>, %arg19: memref<!tpu.dma_semaphore, #tpu.memory_space<semaphore_mem>>, %arg20: memref<!tpu.dma_semaphore, #tpu.memory_space<semaphore_mem>>, %arg21: memref<!tpu.dma_semaphore, #tpu.memory_space<semaphore_mem>>, %arg22: memref<!tpu.dma_semaphore, #tpu.memory_space<semaphore_mem>>, %arg23: memref<!tpu.dma_semaphore, #tpu.memory_space<semaphore_mem>>, %arg24: memref<!tpu.dma_semaphore, #tpu.memory_space<semaphore_mem>>, %arg25: memref<!tpu.dma_semaphore, #tpu.memory_space<semaphore_mem>>, %arg26: memref<!tpu.dma_semaphore, #tpu.memory_space<semaphore_mem>>, %arg27: memref<!tpu.dma_semaphore, #tpu.memory_space<semaphore_mem>>, %arg28: memref<!tpu.dma_semaphore, #tpu.memory_space<semaphore_mem>>, %arg29: memref<!tpu.dma_semaphore, #tpu.memory_space<semaphore_mem>>, %arg30: memref<!tpu.dma_semaphore, #tpu.memory_space<semaphore_mem>>, %arg31: memref<!tpu.dma_semaphore, #tpu.memory_space<semaphore_mem>>, %arg32: memref<!tpu.dma_semaphore, #tpu.memory_space<semaphore_mem>>) attributes {dimension_semantics = [#tpu.dimension_semantics<core_parallel>, #tpu.dimension_semantics<subcore_parallel>], iteration_bounds = array<i64: 2, 16>, scalar_prefetch = 0 : i64, scratch_operands = 27 : i64, tpu.core_type = #tpu.core_type<sc_vector_subcore>, window_params = [{transform_indices = #map}, {transform_indices = #map1}, {transform_indices = #map1}, {transform_indices = #map2}]} {
    %broadcast_in_dim3A = arith.constant 0.000000e+00 : f32
    %broadcast_in_dim3A_0 = vector.broadcast %broadcast_in_dim3A : f32 to vector<16xf32>
    %scan3A = arith.constant 0 : i32
    %scan3A_1 = arith.constant 128 : i32
    %scan3A_2 = arith.addi %scan3A, %scan3A_1 : i32
    %scan3A_3 = arith.constant 1 : i32
    scf.for %scan3A_75 = %scan3A to %scan3A_2 step %scan3A_3  : i32 {
      %mul3A_76 = arith.constant 1 : i32
      %mul3A_77 = arith.muli %scan3A_75, %mul3A_76 : i32
      %add3A_78 = arith.constant 0 : i32
      %add3A_79 = arith.addi %add3A_78, %mul3A_77 : i32
      %scan3A_80 = arith.constant 0 : i32
      %scan3A_81 = arith.constant 4 : i32
      %scan3A_82 = arith.addi %scan3A_80, %scan3A_81 : i32
      %scan3A_83 = arith.constant 1 : i32
      scf.for %scan3A_85 = %scan3A_80 to %scan3A_82 step %scan3A_83  : i32 {
        %mul3A_86 = arith.constant 16 : i32
        %mul3A_87 = arith.muli %scan3A_85, %mul3A_86 : i32
        %add3A_88 = arith.constant 0 : i32
        %add3A_89 = arith.addi %add3A_88, %mul3A_87 : i32
        %swap3A = arith.index_cast %add3A_79 : i32 to index
        %swap3A_90 = arith.index_cast %add3A_89 : i32 to index
        %swap3A_91 = tpu.vector_load %arg8[%swap3A, %swap3A_90] {strides = array<i32>} : memref<128x64xf32, #tpu.memory_space<vmem>>, vector<1x16xf32>,
        %swap3A_92 = vector.shape_cast %swap3A_91 : vector<1x16xf32> to vector<16xf32>
        %swap3A_93 = vector.shape_cast %broadcast_in_dim3A_0 : vector<16xf32> to vector<1x16xf32>
        tpu.vector_store %arg8[%swap3A, %swap3A_90], %swap3A_93 {strides = array<i32>} : memref<128x64xf32, #tpu.memory_space<vmem>>, vector<1x16xf32>,
      }
      %scan3A_84 = arith.constant 4 : i32
    }
    %scan3A_4 = arith.constant 128 : i32
    %mul3A = arith.constant 632 : i32
    %mul3A_5 = arith.muli %arg1, %mul3A : i32
    %scan3A_6 = arith.constant 0 : i32
    %scan3A_7 = arith.constant 4 : i32
    %scan3A_8 = arith.addi %scan3A_6, %scan3A_7 : i32
    %scan3A_9 = arith.constant 1 : i32
    scf.for %scan3A_75 = %scan3A_6 to %scan3A_8 step %scan3A_9  : i32 {
      %mul3A_76 = arith.constant 1 : i32
      %mul3A_77 = arith.muli %scan3A_75, %mul3A_76 : i32
      %add3A_78 = arith.constant 0 : i32
      %add3A_79 = arith.addi %add3A_78, %mul3A_77 : i32
      %mul3A_80 = arith.constant 128 : i32
      %mul3A_81 = arith.muli %add3A_79, %mul3A_80 : i32
      %add3A_82 = arith.addi %mul3A_5, %mul3A_81 : i32
      "tpu.region"() ({
        %run_scoped3A = tpu.sem_alloc : memref<!tpu.dma_semaphore, #tpu.memory_space<semaphore_mem>>
        %dma_start3A_83 = arith.constant 0 : i32
        %dma_start3A_84 = tpu.memref_slice %arg16[%add3A_82, %dma_start3A_83] : memref<10112x64xf32, #tpu.memory_space<vmem_shared>> -> memref<128x64xf32, #tpu.memory_space<vmem_shared>>
        %dma_start3A_85 = arith.constant 0 : i32
        %dma_start3A_86 = tpu.memref_slice %arg16[%add3A_82, %dma_start3A_85] : memref<10112x64xf32, #tpu.memory_space<vmem_shared>> -> memref<128x64xf32, #tpu.memory_space<vmem_shared>>
        tpu.enqueue_dma source(%arg8 : memref<128x64xf32, #tpu.memory_space<vmem>>) target(%dma_start3A_86 : memref<128x64xf32, #tpu.memory_space<vmem_shared>>) target_semaphore(%run_scoped3A : memref<!tpu.dma_semaphore, #tpu.memory_space<semaphore_mem>>)
        %dma_wait3A = arith.constant 0 : i32
        %dma_wait3A_87 = tpu.memref_slice %arg16[%add3A_82, %dma_wait3A] : memref<10112x64xf32, #tpu.memory_space<vmem_shared>> -> memref<128x64xf32, #tpu.memory_space<vmem_shared>>
        %dma_wait3A_88 = arith.constant 0 : i32
        %dma_wait3A_89 = tpu.memref_slice %arg16[%add3A_82, %dma_wait3A_88] : memref<10112x64xf32, #tpu.memory_space<vmem_shared>> -> memref<128x64xf32, #tpu.memory_space<vmem_shared>>
        tpu.wait_dma2 semaphore(%run_scoped3A : memref<!tpu.dma_semaphore, #tpu.memory_space<semaphore_mem>>) src(%arg8 : memref<128x64xf32, #tpu.memory_space<vmem>>) dst(%dma_wait3A_89 : memref<128x64xf32, #tpu.memory_space<vmem_shared>>)
        tpu.yield
      }) : () -> ()
    }
    %scan3A_10 = arith.constant 4 : i32
    %add3A = arith.constant 512 : i32
    %add3A_11 = arith.addi %mul3A_5, %add3A : i32
    "tpu.region"() ({
      %run_scoped3A = tpu.sem_alloc : memref<!tpu.dma_semaphore, #tpu.memory_space<semaphore_mem>>
      %dma_start3A_75 = arith.constant 0 : i32
      %dma_start3A_76 = arith.constant 0 : i32
      %dma_start3A_77 = tpu.memref_slice %arg8[%dma_start3A_75, %dma_start3A_76] : memref<128x64xf32, #tpu.memory_space<vmem>> -> memref<120x64xf32, #tpu.memory_space<vmem>>
      %dma_start3A_78 = arith.constant 0 : i32
      %dma_start3A_79 = tpu.memref_slice %arg16[%add3A_11, %dma_start3A_78] : memref<10112x64xf32, #tpu.memory_space<vmem_shared>> -> memref<120x64xf32, #tpu.memory_space<vmem_shared>>
      %dma_start3A_80 = arith.constant 0 : i32
      %dma_start3A_81 = tpu.memref_slice %arg16[%add3A_11, %dma_start3A_80] : memref<10112x64xf32, #tpu.memory_space<vmem_shared>> -> memref<120x64xf32, #tpu.memory_space<vmem_shared>>
      %dma_start3A_82 = arith.constant 0 : i32
      %dma_start3A_83 = arith.constant 0 : i32
      %dma_start3A_84 = tpu.memref_slice %arg8[%dma_start3A_82, %dma_start3A_83] : memref<128x64xf32, #tpu.memory_space<vmem>> -> memref<120x64xf32, #tpu.memory_space<vmem>>
      tpu.enqueue_dma source(%dma_start3A_84 : memref<120x64xf32, #tpu.memory_space<vmem>>) target(%dma_start3A_81 : memref<120x64xf32, #tpu.memory_space<vmem_shared>>) target_semaphore(%run_scoped3A : memref<!tpu.dma_semaphore, #tpu.memory_space<semaphore_mem>>)
      %dma_wait3A = arith.constant 0 : i32
      %dma_wait3A_85 = arith.constant 0 : i32
      %dma_wait3A_86 = tpu.memref_slice %arg8[%dma_wait3A, %dma_wait3A_85] : memref<128x64xf32, #tpu.memory_space<vmem>> -> memref<120x64xf32, #tpu.memory_space<vmem>>
      %dma_wait3A_87 = arith.constant 0 : i32
      %dma_wait3A_88 = tpu.memref_slice %arg16[%add3A_11, %dma_wait3A_87] : memref<10112x64xf32, #tpu.memory_space<vmem_shared>> -> memref<120x64xf32, #tpu.memory_space<vmem_shared>>
      %dma_wait3A_89 = arith.constant 0 : i32
      %dma_wait3A_90 = tpu.memref_slice %arg16[%add3A_11, %dma_wait3A_89] : memref<10112x64xf32, #tpu.memory_space<vmem_shared>> -> memref<120x64xf32, #tpu.memory_space<vmem_shared>>
      %dma_wait3A_91 = arith.constant 0 : i32
      %dma_wait3A_92 = arith.constant 0 : i32
      %dma_wait3A_93 = tpu.memref_slice %arg8[%dma_wait3A_91, %dma_wait3A_92] : memref<128x64xf32, #tpu.memory_space<vmem>> -> memref<120x64xf32, #tpu.memory_space<vmem>>
      tpu.wait_dma2 semaphore(%run_scoped3A : memref<!tpu.dma_semaphore, #tpu.memory_space<semaphore_mem>>) src(%dma_wait3A_93 : memref<120x64xf32, #tpu.memory_space<vmem>>) dst(%dma_wait3A_90 : memref<120x64xf32, #tpu.memory_space<vmem_shared>>)
      tpu.yield
    }) : () -> ()
    "tpu.region"() ({
      %run_scoped3A = tpu.sem_alloc : memref<!tpu.dma_semaphore, #tpu.memory_space<semaphore_mem>>
      %dma_start3A_75 = arith.constant 0 : i32
      %dma_start3A_76 = arith.constant 0 : i32
      %dma_start3A_77 = tpu.memref_slice %arg3[%arg0, %arg1, %dma_start3A_75, %dma_start3A_76] : memref<2x16x80x128xi32, #tpu.memory_space<hbm>> -> memref<1x1x80x128xi32, #tpu.memory_space<hbm>>
      %dma_start3A_78 = tpu.memref_squeeze %dma_start3A_77 : memref<1x1x80x128xi32, #tpu.memory_space<hbm>> -> memref<80x128xi32, #tpu.memory_space<hbm>>
      %dma_start3A_79 = arith.constant 0 : i32
      %dma_start3A_80 = arith.constant 0 : i32
      %dma_start3A_81 = tpu.memref_slice %arg3[%arg0, %arg1, %dma_start3A_79, %dma_start3A_80] : memref<2x16x80x128xi32, #tpu.memory_space<hbm>> -> memref<1x1x80x128xi32, #tpu.memory_space<hbm>>
      %dma_start3A_82 = tpu.memref_squeeze %dma_start3A_81 : memref<1x1x80x128xi32, #tpu.memory_space<hbm>> -> memref<80x128xi32, #tpu.memory_space<hbm>>
      tpu.enqueue_dma source(%dma_start3A_82 : memref<80x128xi32, #tpu.memory_space<hbm>>) target(%arg6 : memref<80x128xi32, #tpu.memory_space<vmem>>) target_semaphore(%run_scoped3A : memref<!tpu.dma_semaphore, #tpu.memory_space<semaphore_mem>>)
      %dma_wait3A = arith.constant 0 : i32
      %dma_wait3A_83 = arith.constant 0 : i32
      %dma_wait3A_84 = tpu.memref_slice %arg3[%arg0, %arg1, %dma_wait3A, %dma_wait3A_83] : memref<2x16x80x128xi32, #tpu.memory_space<hbm>> -> memref<1x1x80x128xi32, #tpu.memory_space<hbm>>
      %dma_wait3A_85 = tpu.memref_squeeze %dma_wait3A_84 : memref<1x1x80x128xi32, #tpu.memory_space<hbm>> -> memref<80x128xi32, #tpu.memory_space<hbm>>
      %dma_wait3A_86 = arith.constant 0 : i32
      %dma_wait3A_87 = arith.constant 0 : i32
      %dma_wait3A_88 = tpu.memref_slice %arg3[%arg0, %arg1, %dma_wait3A_86, %dma_wait3A_87] : memref<2x16x80x128xi32, #tpu.memory_space<hbm>> -> memref<1x1x80x128xi32, #tpu.memory_space<hbm>>
      %dma_wait3A_89 = tpu.memref_squeeze %dma_wait3A_88 : memref<1x1x80x128xi32, #tpu.memory_space<hbm>> -> memref<80x128xi32, #tpu.memory_space<hbm>>
      tpu.wait_dma2 semaphore(%run_scoped3A : memref<!tpu.dma_semaphore, #tpu.memory_space<semaphore_mem>>) src(%dma_wait3A_89 : memref<80x128xi32, #tpu.memory_space<hbm>>) dst(%arg6 : memref<80x128xi32, #tpu.memory_space<vmem>>)
      tpu.yield
    }) : () -> ()
    "tpu.region"() ({
      %run_scoped3A = tpu.sem_alloc : memref<!tpu.dma_semaphore, #tpu.memory_space<semaphore_mem>>
      %dma_start3A_75 = arith.constant 0 : i32
      %dma_start3A_76 = arith.constant 0 : i32
      %dma_start3A_77 = tpu.memref_slice %arg4[%arg0, %arg1, %dma_start3A_75, %dma_start3A_76] : memref<2x16x80x128xi32, #tpu.memory_space<hbm>> -> memref<1x1x80x128xi32, #tpu.memory_space<hbm>>
      %dma_start3A_78 = tpu.memref_squeeze %dma_start3A_77 : memref<1x1x80x128xi32, #tpu.memory_space<hbm>> -> memref<80x128xi32, #tpu.memory_space<hbm>>
      %dma_start3A_79 = arith.constant 0 : i32
      %dma_start3A_80 = arith.constant 0 : i32
      %dma_start3A_81 = tpu.memref_slice %arg4[%arg0, %arg1, %dma_start3A_79, %dma_start3A_80] : memref<2x16x80x128xi32, #tpu.memory_space<hbm>> -> memref<1x1x80x128xi32, #tpu.memory_space<hbm>>
      %dma_start3A_82 = tpu.memref_squeeze %dma_start3A_81 : memref<1x1x80x128xi32, #tpu.memory_space<hbm>> -> memref<80x128xi32, #tpu.memory_space<hbm>>
      tpu.enqueue_dma source(%dma_start3A_82 : memref<80x128xi32, #tpu.memory_space<hbm>>) target(%arg7 : memref<80x128xi32, #tpu.memory_space<vmem>>) target_semaphore(%run_scoped3A : memref<!tpu.dma_semaphore, #tpu.memory_space<semaphore_mem>>)
      %dma_wait3A = arith.constant 0 : i32
      %dma_wait3A_83 = arith.constant 0 : i32
      %dma_wait3A_84 = tpu.memref_slice %arg4[%arg0, %arg1, %dma_wait3A, %dma_wait3A_83] : memref<2x16x80x128xi32, #tpu.memory_space<hbm>> -> memref<1x1x80x128xi32, #tpu.memory_space<hbm>>
      %dma_wait3A_85 = tpu.memref_squeeze %dma_wait3A_84 : memref<1x1x80x128xi32, #tpu.memory_space<hbm>> -> memref<80x128xi32, #tpu.memory_space<hbm>>
      %dma_wait3A_86 = arith.constant 0 : i32
      %dma_wait3A_87 = arith.constant 0 : i32
      %dma_wait3A_88 = tpu.memref_slice %arg4[%arg0, %arg1, %dma_wait3A_86, %dma_wait3A_87] : memref<2x16x80x128xi32, #tpu.memory_space<hbm>> -> memref<1x1x80x128xi32, #tpu.memory_space<hbm>>
      %dma_wait3A_89 = tpu.memref_squeeze %dma_wait3A_88 : memref<1x1x80x128xi32, #tpu.memory_space<hbm>> -> memref<80x128xi32, #tpu.memory_space<hbm>>
      tpu.wait_dma2 semaphore(%run_scoped3A : memref<!tpu.dma_semaphore, #tpu.memory_space<semaphore_mem>>) src(%dma_wait3A_89 : memref<80x128xi32, #tpu.memory_space<hbm>>) dst(%arg7 : memref<80x128xi32, #tpu.memory_space<vmem>>)
      tpu.yield
    }) : () -> ()
    %barrier3A = arith.constant 0 : index
    tpu.barrier barrier_id(%barrier3A)
    %dma_start3A = arith.constant 0 : i32
    %dma_start3A_12 = arith.constant 0 : i32
    %dma_start3A_13 = tpu.memref_slice %arg6[%dma_start3A, %dma_start3A_12] : memref<80x128xi32, #tpu.memory_space<vmem>> -> memref<1x128xi32, #tpu.memory_space<vmem>>
    %dma_start3A_14 = tpu.memref_squeeze %dma_start3A_13 : memref<1x128xi32, #tpu.memory_space<vmem>> -> memref<128xi32, #tpu.memory_space<vmem>>
    %dma_start3A_15 = arith.constant 0 : i32
    %dma_start3A_16 = arith.constant 0 : i32
    %dma_start3A_17 = tpu.memref_slice %arg2[%dma_start3A_15, %dma_start3A_16] : memref<10112x64xf32, #tpu.memory_space<hbm>> -> memref<10112x64xf32, #tpu.memory_space<hbm>>
    tpu.enqueue_indirect_dma source(%dma_start3A_17 : memref<10112x64xf32, #tpu.memory_space<hbm>>) target(%arg8 : memref<128x64xf32, #tpu.memory_space<vmem>>) offsets(%dma_start3A_14 : memref<128xi32, #tpu.memory_space<vmem>>) semaphore(%arg17 : memref<!tpu.dma_semaphore, #tpu.memory_space<semaphore_mem>>)
    %dma_start3A_18 = arith.constant 1 : i32
    %dma_start3A_19 = arith.constant 0 : i32
    %dma_start3A_20 = tpu.memref_slice %arg6[%dma_start3A_18, %dma_start3A_19] : memref<80x128xi32, #tpu.memory_space<vmem>> -> memref<1x128xi32, #tpu.memory_space<vmem>>
    %dma_start3A_21 = tpu.memref_squeeze %dma_start3A_20 : memref<1x128xi32, #tpu.memory_space<vmem>> -> memref<128xi32, #tpu.memory_space<vmem>>
    %dma_start3A_22 = arith.constant 0 : i32
    %dma_start3A_23 = arith.constant 0 : i32
    %dma_start3A_24 = tpu.memref_slice %arg2[%dma_start3A_22, %dma_start3A_23] : memref<10112x64xf32, #tpu.memory_space<hbm>> -> memref<10112x64xf32, #tpu.memory_space<hbm>>
    tpu.enqueue_indirect_dma source(%dma_start3A_24 : memref<10112x64xf32, #tpu.memory_space<hbm>>) target(%arg9 : memref<128x64xf32, #tpu.memory_space<vmem>>) offsets(%dma_start3A_21 : memref<128xi32, #tpu.memory_space<vmem>>) semaphore(%arg18 : memref<!tpu.dma_semaphore, #tpu.memory_space<semaphore_mem>>)
    %dma_start3A_25 = arith.constant 2 : i32
    %dma_start3A_26 = arith.constant 0 : i32
    %dma_start3A_27 = tpu.memref_slice %arg6[%dma_start3A_25, %dma_start3A_26] : memref<80x128xi32, #tpu.memory_space<vmem>> -> memref<1x128xi32, #tpu.memory_space<vmem>>
    %dma_start3A_28 = tpu.memref_squeeze %dma_start3A_27 : memref<1x128xi32, #tpu.memory_space<vmem>> -> memref<128xi32, #tpu.memory_space<vmem>>
    %dma_start3A_29 = arith.constant 0 : i32
    %dma_start3A_30 = arith.constant 0 : i32
    %dma_start3A_31 = tpu.memref_slice %arg2[%dma_start3A_29, %dma_start3A_30] : memref<10112x64xf32, #tpu.memory_space<hbm>> -> memref<10112x64xf32, #tpu.memory_space<hbm>>
    tpu.enqueue_indirect_dma source(%dma_start3A_31 : memref<10112x64xf32, #tpu.memory_space<hbm>>) target(%arg10 : memref<128x64xf32, #tpu.memory_space<vmem>>) offsets(%dma_start3A_28 : memref<128xi32, #tpu.memory_space<vmem>>) semaphore(%arg19 : memref<!tpu.dma_semaphore, #tpu.memory_space<semaphore_mem>>)
    %dma_start3A_32 = arith.constant 3 : i32
    %dma_start3A_33 = arith.constant 0 : i32
    %dma_start3A_34 = tpu.memref_slice %arg6[%dma_start3A_32, %dma_start3A_33] : memref<80x128xi32, #tpu.memory_space<vmem>> -> memref<1x128xi32, #tpu.memory_space<vmem>>
    %dma_start3A_35 = tpu.memref_squeeze %dma_start3A_34 : memref<1x128xi32, #tpu.memory_space<vmem>> -> memref<128xi32, #tpu.memory_space<vmem>>
    %dma_start3A_36 = arith.constant 0 : i32
    %dma_start3A_37 = arith.constant 0 : i32
    %dma_start3A_38 = tpu.memref_slice %arg2[%dma_start3A_36, %dma_start3A_37] : memref<10112x64xf32, #tpu.memory_space<hbm>> -> memref<10112x64xf32, #tpu.memory_space<hbm>>
    tpu.enqueue_indirect_dma source(%dma_start3A_38 : memref<10112x64xf32, #tpu.memory_space<hbm>>) target(%arg11 : memref<128x64xf32, #tpu.memory_space<vmem>>) offsets(%dma_start3A_35 : memref<128xi32, #tpu.memory_space<vmem>>) semaphore(%arg20 : memref<!tpu.dma_semaphore, #tpu.memory_space<semaphore_mem>>)
    %dma_start3A_39 = arith.constant 4 : i32
    %dma_start3A_40 = arith.constant 0 : i32
    %dma_start3A_41 = tpu.memref_slice %arg6[%dma_start3A_39, %dma_start3A_40] : memref<80x128xi32, #tpu.memory_space<vmem>> -> memref<1x128xi32, #tpu.memory_space<vmem>>
    %dma_start3A_42 = tpu.memref_squeeze %dma_start3A_41 : memref<1x128xi32, #tpu.memory_space<vmem>> -> memref<128xi32, #tpu.memory_space<vmem>>
    %dma_start3A_43 = arith.constant 0 : i32
    %dma_start3A_44 = arith.constant 0 : i32
    %dma_start3A_45 = tpu.memref_slice %arg2[%dma_start3A_43, %dma_start3A_44] : memref<10112x64xf32, #tpu.memory_space<hbm>> -> memref<10112x64xf32, #tpu.memory_space<hbm>>
    tpu.enqueue_indirect_dma source(%dma_start3A_45 : memref<10112x64xf32, #tpu.memory_space<hbm>>) target(%arg12 : memref<128x64xf32, #tpu.memory_space<vmem>>) offsets(%dma_start3A_42 : memref<128xi32, #tpu.memory_space<vmem>>) semaphore(%arg21 : memref<!tpu.dma_semaphore, #tpu.memory_space<semaphore_mem>>)
    %dma_start3A_46 = arith.constant 5 : i32
    %dma_start3A_47 = arith.constant 0 : i32
    %dma_start3A_48 = tpu.memref_slice %arg6[%dma_start3A_46, %dma_start3A_47] : memref<80x128xi32, #tpu.memory_space<vmem>> -> memref<1x128xi32, #tpu.memory_space<vmem>>
    %dma_start3A_49 = tpu.memref_squeeze %dma_start3A_48 : memref<1x128xi32, #tpu.memory_space<vmem>> -> memref<128xi32, #tpu.memory_space<vmem>>
    %dma_start3A_50 = arith.constant 0 : i32
    %dma_start3A_51 = arith.constant 0 : i32
    %dma_start3A_52 = tpu.memref_slice %arg2[%dma_start3A_50, %dma_start3A_51] : memref<10112x64xf32, #tpu.memory_space<hbm>> -> memref<10112x64xf32, #tpu.memory_space<hbm>>
    tpu.enqueue_indirect_dma source(%dma_start3A_52 : memref<10112x64xf32, #tpu.memory_space<hbm>>) target(%arg13 : memref<128x64xf32, #tpu.memory_space<vmem>>) offsets(%dma_start3A_49 : memref<128xi32, #tpu.memory_space<vmem>>) semaphore(%arg22 : memref<!tpu.dma_semaphore, #tpu.memory_space<semaphore_mem>>)
    %dma_start3A_53 = arith.constant 6 : i32
    %dma_start3A_54 = arith.constant 0 : i32
    %dma_start3A_55 = tpu.memref_slice %arg6[%dma_start3A_53, %dma_start3A_54] : memref<80x128xi32, #tpu.memory_space<vmem>> -> memref<1x128xi32, #tpu.memory_space<vmem>>
    %dma_start3A_56 = tpu.memref_squeeze %dma_start3A_55 : memref<1x128xi32, #tpu.memory_space<vmem>> -> memref<128xi32, #tpu.memory_space<vmem>>
    %dma_start3A_57 = arith.constant 0 : i32
    %dma_start3A_58 = arith.constant 0 : i32
    %dma_start3A_59 = tpu.memref_slice %arg2[%dma_start3A_57, %dma_start3A_58] : memref<10112x64xf32, #tpu.memory_space<hbm>> -> memref<10112x64xf32, #tpu.memory_space<hbm>>
    tpu.enqueue_indirect_dma source(%dma_start3A_59 : memref<10112x64xf32, #tpu.memory_space<hbm>>) target(%arg14 : memref<128x64xf32, #tpu.memory_space<vmem>>) offsets(%dma_start3A_56 : memref<128xi32, #tpu.memory_space<vmem>>) semaphore(%arg23 : memref<!tpu.dma_semaphore, #tpu.memory_space<semaphore_mem>>)
    %dma_start3A_60 = arith.constant 7 : i32
    %dma_start3A_61 = arith.constant 0 : i32
    %dma_start3A_62 = tpu.memref_slice %arg6[%dma_start3A_60, %dma_start3A_61] : memref<80x128xi32, #tpu.memory_space<vmem>> -> memref<1x128xi32, #tpu.memory_space<vmem>>
    %dma_start3A_63 = tpu.memref_squeeze %dma_start3A_62 : memref<1x128xi32, #tpu.memory_space<vmem>> -> memref<128xi32, #tpu.memory_space<vmem>>
    %dma_start3A_64 = arith.constant 0 : i32
    %dma_start3A_65 = arith.constant 0 : i32
    %dma_start3A_66 = tpu.memref_slice %arg2[%dma_start3A_64, %dma_start3A_65] : memref<10112x64xf32, #tpu.memory_space<hbm>> -> memref<10112x64xf32, #tpu.memory_space<hbm>>
    tpu.enqueue_indirect_dma source(%dma_start3A_66 : memref<10112x64xf32, #tpu.memory_space<hbm>>) target(%arg15 : memref<128x64xf32, #tpu.memory_space<vmem>>) offsets(%dma_start3A_63 : memref<128xi32, #tpu.memory_space<vmem>>) semaphore(%arg24 : memref<!tpu.dma_semaphore, #tpu.memory_space<semaphore_mem>>)
    %scan3A_67 = arith.constant 0 : i32
    %scan3A_68 = arith.constant 10 : i32
    %scan3A_69 = arith.addi %scan3A_67, %scan3A_68 : i32
    %scan3A_70 = arith.constant 1 : i32
    scf.for %scan3A_75 = %scan3A_67 to %scan3A_69 step %scan3A_70  : i32 {
      %mul3A_76 = arith.constant 8 : i32
      %mul3A_77 = arith.muli %scan3A_75, %mul3A_76 : i32
      %add3A_78 = arith.constant 0 : i32
      %add3A_79 = arith.addi %add3A_78, %mul3A_77 : i32
      %add3A_80 = arith.constant 0 : i32
      %add3A_81 = arith.addi %add3A_79, %add3A_80 : i32
      %dma_wait3A = arith.constant 0 : i32
      %dma_wait3A_82 = tpu.memref_slice %arg6[%add3A_81, %dma_wait3A] : memref<80x128xi32, #tpu.memory_space<vmem>> -> memref<1x128xi32, #tpu.memory_space<vmem>>
      %dma_wait3A_83 = tpu.memref_squeeze %dma_wait3A_82 : memref<1x128xi32, #tpu.memory_space<vmem>> -> memref<128xi32, #tpu.memory_space<vmem>>
      %dma_wait3A_84 = arith.constant 0 : i32
      %dma_wait3A_85 = arith.constant 0 : i32
      %dma_wait3A_86 = tpu.memref_slice %arg2[%dma_wait3A_84, %dma_wait3A_85] : memref<10112x64xf32, #tpu.memory_space<hbm>> -> memref<10112x64xf32, #tpu.memory_space<hbm>>
      tpu.wait_indirect_dma semaphore(%arg17 : memref<!tpu.dma_semaphore, #tpu.memory_space<semaphore_mem>>) src(%dma_wait3A_86 : memref<10112x64xf32, #tpu.memory_space<hbm>>) dst(%arg8 : memref<128x64xf32, #tpu.memory_space<vmem>>)
      %add3A_87 = arith.constant 0 : i32
      %add3A_88 = arith.addi %add3A_79, %add3A_87 : i32
      %dma_start3A_89 = arith.constant 0 : i32
      %dma_start3A_90 = tpu.memref_slice %arg7[%add3A_88, %dma_start3A_89] : memref<80x128xi32, #tpu.memory_space<vmem>> -> memref<1x128xi32, #tpu.memory_space<vmem>>
      %dma_start3A_91 = tpu.memref_squeeze %dma_start3A_90 : memref<1x128xi32, #tpu.memory_space<vmem>> -> memref<128xi32, #tpu.memory_space<vmem>>
      %dma_start3A_92 = arith.constant 0 : i32
      %dma_start3A_93 = arith.constant 0 : i32
      %dma_start3A_94 = tpu.memref_slice %arg16[%dma_start3A_92, %dma_start3A_93] : memref<10112x64xf32, #tpu.memory_space<vmem_shared>> -> memref<10112x64xf32, #tpu.memory_space<vmem_shared>>
      tpu.enqueue_indirect_dma source(%arg8 : memref<128x64xf32, #tpu.memory_space<vmem>>) target(%dma_start3A_94 : memref<10112x64xf32, #tpu.memory_space<vmem_shared>>) offsets(%dma_start3A_91 : memref<128xi32, #tpu.memory_space<vmem>>) semaphore(%arg25 : memref<!tpu.dma_semaphore, #tpu.memory_space<semaphore_mem>>) {add = true}
      %add3A_95 = arith.constant 1 : i32
      %add3A_96 = arith.addi %add3A_79, %add3A_95 : i32
      %dma_wait3A_97 = arith.constant 0 : i32
      %dma_wait3A_98 = tpu.memref_slice %arg6[%add3A_96, %dma_wait3A_97] : memref<80x128xi32, #tpu.memory_space<vmem>> -> memref<1x128xi32, #tpu.memory_space<vmem>>
      %dma_wait3A_99 = tpu.memref_squeeze %dma_wait3A_98 : memref<1x128xi32, #tpu.memory_space<vmem>> -> memref<128xi32, #tpu.memory_space<vmem>>
      %dma_wait3A_100 = arith.constant 0 : i32
      %dma_wait3A_101 = arith.constant 0 : i32
      %dma_wait3A_102 = tpu.memref_slice %arg2[%dma_wait3A_100, %dma_wait3A_101] : memref<10112x64xf32, #tpu.memory_space<hbm>> -> memref<10112x64xf32, #tpu.memory_space<hbm>>
      tpu.wait_indirect_dma semaphore(%arg18 : memref<!tpu.dma_semaphore, #tpu.memory_space<semaphore_mem>>) src(%dma_wait3A_102 : memref<10112x64xf32, #tpu.memory_space<hbm>>) dst(%arg9 : memref<128x64xf32, #tpu.memory_space<vmem>>)
      %add3A_103 = arith.constant 1 : i32
      %add3A_104 = arith.addi %add3A_79, %add3A_103 : i32
      %dma_start3A_105 = arith.constant 0 : i32
      %dma_start3A_106 = tpu.memref_slice %arg7[%add3A_104, %dma_start3A_105] : memref<80x128xi32, #tpu.memory_space<vmem>> -> memref<1x128xi32, #tpu.memory_space<vmem>>
      %dma_start3A_107 = tpu.memref_squeeze %dma_start3A_106 : memref<1x128xi32, #tpu.memory_space<vmem>> -> memref<128xi32, #tpu.memory_space<vmem>>
      %dma_start3A_108 = arith.constant 0 : i32
      %dma_start3A_109 = arith.constant 0 : i32
      %dma_start3A_110 = tpu.memref_slice %arg16[%dma_start3A_108, %dma_start3A_109] : memref<10112x64xf32, #tpu.memory_space<vmem_shared>> -> memref<10112x64xf32, #tpu.memory_space<vmem_shared>>
      tpu.enqueue_indirect_dma source(%arg9 : memref<128x64xf32, #tpu.memory_space<vmem>>) target(%dma_start3A_110 : memref<10112x64xf32, #tpu.memory_space<vmem_shared>>) offsets(%dma_start3A_107 : memref<128xi32, #tpu.memory_space<vmem>>) semaphore(%arg26 : memref<!tpu.dma_semaphore, #tpu.memory_space<semaphore_mem>>) {add = true}
      %add3A_111 = arith.constant 2 : i32
      %add3A_112 = arith.addi %add3A_79, %add3A_111 : i32
      %dma_wait3A_113 = arith.constant 0 : i32
      %dma_wait3A_114 = tpu.memref_slice %arg6[%add3A_112, %dma_wait3A_113] : memref<80x128xi32, #tpu.memory_space<vmem>> -> memref<1x128xi32, #tpu.memory_space<vmem>>
      %dma_wait3A_115 = tpu.memref_squeeze %dma_wait3A_114 : memref<1x128xi32, #tpu.memory_space<vmem>> -> memref<128xi32, #tpu.memory_space<vmem>>
      %dma_wait3A_116 = arith.constant 0 : i32
      %dma_wait3A_117 = arith.constant 0 : i32
      %dma_wait3A_118 = tpu.memref_slice %arg2[%dma_wait3A_116, %dma_wait3A_117] : memref<10112x64xf32, #tpu.memory_space<hbm>> -> memref<10112x64xf32, #tpu.memory_space<hbm>>
      tpu.wait_indirect_dma semaphore(%arg19 : memref<!tpu.dma_semaphore, #tpu.memory_space<semaphore_mem>>) src(%dma_wait3A_118 : memref<10112x64xf32, #tpu.memory_space<hbm>>) dst(%arg10 : memref<128x64xf32, #tpu.memory_space<vmem>>)
      %add3A_119 = arith.constant 2 : i32
      %add3A_120 = arith.addi %add3A_79, %add3A_119 : i32
      %dma_start3A_121 = arith.constant 0 : i32
      %dma_start3A_122 = tpu.memref_slice %arg7[%add3A_120, %dma_start3A_121] : memref<80x128xi32, #tpu.memory_space<vmem>> -> memref<1x128xi32, #tpu.memory_space<vmem>>
      %dma_start3A_123 = tpu.memref_squeeze %dma_start3A_122 : memref<1x128xi32, #tpu.memory_space<vmem>> -> memref<128xi32, #tpu.memory_space<vmem>>
      %dma_start3A_124 = arith.constant 0 : i32
      %dma_start3A_125 = arith.constant 0 : i32
      %dma_start3A_126 = tpu.memref_slice %arg16[%dma_start3A_124, %dma_start3A_125] : memref<10112x64xf32, #tpu.memory_space<vmem_shared>> -> memref<10112x64xf32, #tpu.memory_space<vmem_shared>>
      tpu.enqueue_indirect_dma source(%arg10 : memref<128x64xf32, #tpu.memory_space<vmem>>) target(%dma_start3A_126 : memref<10112x64xf32, #tpu.memory_space<vmem_shared>>) offsets(%dma_start3A_123 : memref<128xi32, #tpu.memory_space<vmem>>) semaphore(%arg27 : memref<!tpu.dma_semaphore, #tpu.memory_space<semaphore_mem>>) {add = true}
      %add3A_127 = arith.constant 3 : i32
      %add3A_128 = arith.addi %add3A_79, %add3A_127 : i32
      %dma_wait3A_129 = arith.constant 0 : i32
      %dma_wait3A_130 = tpu.memref_slice %arg6[%add3A_128, %dma_wait3A_129] : memref<80x128xi32, #tpu.memory_space<vmem>> -> memref<1x128xi32, #tpu.memory_space<vmem>>
      %dma_wait3A_131 = tpu.memref_squeeze %dma_wait3A_130 : memref<1x128xi32, #tpu.memory_space<vmem>> -> memref<128xi32, #tpu.memory_space<vmem>>
      %dma_wait3A_132 = arith.constant 0 : i32
      %dma_wait3A_133 = arith.constant 0 : i32
      %dma_wait3A_134 = tpu.memref_slice %arg2[%dma_wait3A_132, %dma_wait3A_133] : memref<10112x64xf32, #tpu.memory_space<hbm>> -> memref<10112x64xf32, #tpu.memory_space<hbm>>
      tpu.wait_indirect_dma semaphore(%arg20 : memref<!tpu.dma_semaphore, #tpu.memory_space<semaphore_mem>>) src(%dma_wait3A_134 : memref<10112x64xf32, #tpu.memory_space<hbm>>) dst(%arg11 : memref<128x64xf32, #tpu.memory_space<vmem>>)
      %add3A_135 = arith.constant 3 : i32
      %add3A_136 = arith.addi %add3A_79, %add3A_135 : i32
      %dma_start3A_137 = arith.constant 0 : i32
      %dma_start3A_138 = tpu.memref_slice %arg7[%add3A_136, %dma_start3A_137] : memref<80x128xi32, #tpu.memory_space<vmem>> -> memref<1x128xi32, #tpu.memory_space<vmem>>
      %dma_start3A_139 = tpu.memref_squeeze %dma_start3A_138 : memref<1x128xi32, #tpu.memory_space<vmem>> -> memref<128xi32, #tpu.memory_space<vmem>>
      %dma_start3A_140 = arith.constant 0 : i32
      %dma_start3A_141 = arith.constant 0 : i32
      %dma_start3A_142 = tpu.memref_slice %arg16[%dma_start3A_140, %dma_start3A_141] : memref<10112x64xf32, #tpu.memory_space<vmem_shared>> -> memref<10112x64xf32, #tpu.memory_space<vmem_shared>>
      tpu.enqueue_indirect_dma source(%arg11 : memref<128x64xf32, #tpu.memory_space<vmem>>) target(%dma_start3A_142 : memref<10112x64xf32, #tpu.memory_space<vmem_shared>>) offsets(%dma_start3A_139 : memref<128xi32, #tpu.memory_space<vmem>>) semaphore(%arg28 : memref<!tpu.dma_semaphore, #tpu.memory_space<semaphore_mem>>) {add = true}
      %add3A_143 = arith.constant 4 : i32
      %add3A_144 = arith.addi %add3A_79, %add3A_143 : i32
      %dma_wait3A_145 = arith.constant 0 : i32
      %dma_wait3A_146 = tpu.memref_slice %arg6[%add3A_144, %dma_wait3A_145] : memref<80x128xi32, #tpu.memory_space<vmem>> -> memref<1x128xi32, #tpu.memory_space<vmem>>
      %dma_wait3A_147 = tpu.memref_squeeze %dma_wait3A_146 : memref<1x128xi32, #tpu.memory_space<vmem>> -> memref<128xi32, #tpu.memory_space<vmem>>
      %dma_wait3A_148 = arith.constant 0 : i32
      %dma_wait3A_149 = arith.constant 0 : i32
      %dma_wait3A_150 = tpu.memref_slice %arg2[%dma_wait3A_148, %dma_wait3A_149] : memref<10112x64xf32, #tpu.memory_space<hbm>> -> memref<10112x64xf32, #tpu.memory_space<hbm>>
      tpu.wait_indirect_dma semaphore(%arg21 : memref<!tpu.dma_semaphore, #tpu.memory_space<semaphore_mem>>) src(%dma_wait3A_150 : memref<10112x64xf32, #tpu.memory_space<hbm>>) dst(%arg12 : memref<128x64xf32, #tpu.memory_space<vmem>>)
      %add3A_151 = arith.constant 4 : i32
      %add3A_152 = arith.addi %add3A_79, %add3A_151 : i32
      %dma_start3A_153 = arith.constant 0 : i32
      %dma_start3A_154 = tpu.memref_slice %arg7[%add3A_152, %dma_start3A_153] : memref<80x128xi32, #tpu.memory_space<vmem>> -> memref<1x128xi32, #tpu.memory_space<vmem>>
      %dma_start3A_155 = tpu.memref_squeeze %dma_start3A_154 : memref<1x128xi32, #tpu.memory_space<vmem>> -> memref<128xi32, #tpu.memory_space<vmem>>
      %dma_start3A_156 = arith.constant 0 : i32
      %dma_start3A_157 = arith.constant 0 : i32
      %dma_start3A_158 = tpu.memref_slice %arg16[%dma_start3A_156, %dma_start3A_157] : memref<10112x64xf32, #tpu.memory_space<vmem_shared>> -> memref<10112x64xf32, #tpu.memory_space<vmem_shared>>
      tpu.enqueue_indirect_dma source(%arg12 : memref<128x64xf32, #tpu.memory_space<vmem>>) target(%dma_start3A_158 : memref<10112x64xf32, #tpu.memory_space<vmem_shared>>) offsets(%dma_start3A_155 : memref<128xi32, #tpu.memory_space<vmem>>) semaphore(%arg29 : memref<!tpu.dma_semaphore, #tpu.memory_space<semaphore_mem>>) {add = true}
      %add3A_159 = arith.constant 5 : i32
      %add3A_160 = arith.addi %add3A_79, %add3A_159 : i32
      %dma_wait3A_161 = arith.constant 0 : i32
      %dma_wait3A_162 = tpu.memref_slice %arg6[%add3A_160, %dma_wait3A_161] : memref<80x128xi32, #tpu.memory_space<vmem>> -> memref<1x128xi32, #tpu.memory_space<vmem>>
      %dma_wait3A_163 = tpu.memref_squeeze %dma_wait3A_162 : memref<1x128xi32, #tpu.memory_space<vmem>> -> memref<128xi32, #tpu.memory_space<vmem>>
      %dma_wait3A_164 = arith.constant 0 : i32
      %dma_wait3A_165 = arith.constant 0 : i32
      %dma_wait3A_166 = tpu.memref_slice %arg2[%dma_wait3A_164, %dma_wait3A_165] : memref<10112x64xf32, #tpu.memory_space<hbm>> -> memref<10112x64xf32, #tpu.memory_space<hbm>>
      tpu.wait_indirect_dma semaphore(%arg22 : memref<!tpu.dma_semaphore, #tpu.memory_space<semaphore_mem>>) src(%dma_wait3A_166 : memref<10112x64xf32, #tpu.memory_space<hbm>>) dst(%arg13 : memref<128x64xf32, #tpu.memory_space<vmem>>)
      %add3A_167 = arith.constant 5 : i32
      %add3A_168 = arith.addi %add3A_79, %add3A_167 : i32
      %dma_start3A_169 = arith.constant 0 : i32
      %dma_start3A_170 = tpu.memref_slice %arg7[%add3A_168, %dma_start3A_169] : memref<80x128xi32, #tpu.memory_space<vmem>> -> memref<1x128xi32, #tpu.memory_space<vmem>>
      %dma_start3A_171 = tpu.memref_squeeze %dma_start3A_170 : memref<1x128xi32, #tpu.memory_space<vmem>> -> memref<128xi32, #tpu.memory_space<vmem>>
      %dma_start3A_172 = arith.constant 0 : i32
      %dma_start3A_173 = arith.constant 0 : i32
      %dma_start3A_174 = tpu.memref_slice %arg16[%dma_start3A_172, %dma_start3A_173] : memref<10112x64xf32, #tpu.memory_space<vmem_shared>> -> memref<10112x64xf32, #tpu.memory_space<vmem_shared>>
      tpu.enqueue_indirect_dma source(%arg13 : memref<128x64xf32, #tpu.memory_space<vmem>>) target(%dma_start3A_174 : memref<10112x64xf32, #tpu.memory_space<vmem_shared>>) offsets(%dma_start3A_171 : memref<128xi32, #tpu.memory_space<vmem>>) semaphore(%arg30 : memref<!tpu.dma_semaphore, #tpu.memory_space<semaphore_mem>>) {add = true}
      %add3A_175 = arith.constant 6 : i32
      %add3A_176 = arith.addi %add3A_79, %add3A_175 : i32
      %dma_wait3A_177 = arith.constant 0 : i32
      %dma_wait3A_178 = tpu.memref_slice %arg6[%add3A_176, %dma_wait3A_177] : memref<80x128xi32, #tpu.memory_space<vmem>> -> memref<1x128xi32, #tpu.memory_space<vmem>>
      %dma_wait3A_179 = tpu.memref_squeeze %dma_wait3A_178 : memref<1x128xi32, #tpu.memory_space<vmem>> -> memref<128xi32, #tpu.memory_space<vmem>>
      %dma_wait3A_180 = arith.constant 0 : i32
      %dma_wait3A_181 = arith.constant 0 : i32
      %dma_wait3A_182 = tpu.memref_slice %arg2[%dma_wait3A_180, %dma_wait3A_181] : memref<10112x64xf32, #tpu.memory_space<hbm>> -> memref<10112x64xf32, #tpu.memory_space<hbm>>
      tpu.wait_indirect_dma semaphore(%arg23 : memref<!tpu.dma_semaphore, #tpu.memory_space<semaphore_mem>>) src(%dma_wait3A_182 : memref<10112x64xf32, #tpu.memory_space<hbm>>) dst(%arg14 : memref<128x64xf32, #tpu.memory_space<vmem>>)
      %add3A_183 = arith.constant 6 : i32
      %add3A_184 = arith.addi %add3A_79, %add3A_183 : i32
      %dma_start3A_185 = arith.constant 0 : i32
      %dma_start3A_186 = tpu.memref_slice %arg7[%add3A_184, %dma_start3A_185] : memref<80x128xi32, #tpu.memory_space<vmem>> -> memref<1x128xi32, #tpu.memory_space<vmem>>
      %dma_start3A_187 = tpu.memref_squeeze %dma_start3A_186 : memref<1x128xi32, #tpu.memory_space<vmem>> -> memref<128xi32, #tpu.memory_space<vmem>>
      %dma_start3A_188 = arith.constant 0 : i32
      %dma_start3A_189 = arith.constant 0 : i32
      %dma_start3A_190 = tpu.memref_slice %arg16[%dma_start3A_188, %dma_start3A_189] : memref<10112x64xf32, #tpu.memory_space<vmem_shared>> -> memref<10112x64xf32, #tpu.memory_space<vmem_shared>>
      tpu.enqueue_indirect_dma source(%arg14 : memref<128x64xf32, #tpu.memory_space<vmem>>) target(%dma_start3A_190 : memref<10112x64xf32, #tpu.memory_space<vmem_shared>>) offsets(%dma_start3A_187 : memref<128xi32, #tpu.memory_space<vmem>>) semaphore(%arg31 : memref<!tpu.dma_semaphore, #tpu.memory_space<semaphore_mem>>) {add = true}
      %add3A_191 = arith.constant 7 : i32
      %add3A_192 = arith.addi %add3A_79, %add3A_191 : i32
      %dma_wait3A_193 = arith.constant 0 : i32
      %dma_wait3A_194 = tpu.memref_slice %arg6[%add3A_192, %dma_wait3A_193] : memref<80x128xi32, #tpu.memory_space<vmem>> -> memref<1x128xi32, #tpu.memory_space<vmem>>
      %dma_wait3A_195 = tpu.memref_squeeze %dma_wait3A_194 : memref<1x128xi32, #tpu.memory_space<vmem>> -> memref<128xi32, #tpu.memory_space<vmem>>
      %dma_wait3A_196 = arith.constant 0 : i32
      %dma_wait3A_197 = arith.constant 0 : i32
      %dma_wait3A_198 = tpu.memref_slice %arg2[%dma_wait3A_196, %dma_wait3A_197] : memref<10112x64xf32, #tpu.memory_space<hbm>> -> memref<10112x64xf32, #tpu.memory_space<hbm>>
      tpu.wait_indirect_dma semaphore(%arg24 : memref<!tpu.dma_semaphore, #tpu.memory_space<semaphore_mem>>) src(%dma_wait3A_198 : memref<10112x64xf32, #tpu.memory_space<hbm>>) dst(%arg15 : memref<128x64xf32, #tpu.memory_space<vmem>>)
      %add3A_199 = arith.constant 7 : i32
      %add3A_200 = arith.addi %add3A_79, %add3A_199 : i32
      %dma_start3A_201 = arith.constant 0 : i32
      %dma_start3A_202 = tpu.memref_slice %arg7[%add3A_200, %dma_start3A_201] : memref<80x128xi32, #tpu.memory_space<vmem>> -> memref<1x128xi32, #tpu.memory_space<vmem>>
      %dma_start3A_203 = tpu.memref_squeeze %dma_start3A_202 : memref<1x128xi32, #tpu.memory_space<vmem>> -> memref<128xi32, #tpu.memory_space<vmem>>
      %dma_start3A_204 = arith.constant 0 : i32
      %dma_start3A_205 = arith.constant 0 : i32
      %dma_start3A_206 = tpu.memref_slice %arg16[%dma_start3A_204, %dma_start3A_205] : memref<10112x64xf32, #tpu.memory_space<vmem_shared>> -> memref<10112x64xf32, #tpu.memory_space<vmem_shared>>
      tpu.enqueue_indirect_dma source(%arg15 : memref<128x64xf32, #tpu.memory_space<vmem>>) target(%dma_start3A_206 : memref<10112x64xf32, #tpu.memory_space<vmem_shared>>) offsets(%dma_start3A_203 : memref<128xi32, #tpu.memory_space<vmem>>) semaphore(%arg32 : memref<!tpu.dma_semaphore, #tpu.memory_space<semaphore_mem>>) {add = true}
      %add3A_207 = arith.constant 0 : i32
      %add3A_208 = arith.addi %add3A_79, %add3A_207 : i32
      %dma_wait3A_209 = arith.constant 0 : i32
      %dma_wait3A_210 = tpu.memref_slice %arg7[%add3A_208, %dma_wait3A_209] : memref<80x128xi32, #tpu.memory_space<vmem>> -> memref<1x128xi32, #tpu.memory_space<vmem>>
      %dma_wait3A_211 = tpu.memref_squeeze %dma_wait3A_210 : memref<1x128xi32, #tpu.memory_space<vmem>> -> memref<128xi32, #tpu.memory_space<vmem>>
      %dma_wait3A_212 = arith.constant 0 : i32
      %dma_wait3A_213 = arith.constant 0 : i32
      %dma_wait3A_214 = tpu.memref_slice %arg16[%dma_wait3A_212, %dma_wait3A_213] : memref<10112x64xf32, #tpu.memory_space<vmem_shared>> -> memref<10112x64xf32, #tpu.memory_space<vmem_shared>>
      tpu.wait_indirect_dma semaphore(%arg25 : memref<!tpu.dma_semaphore, #tpu.memory_space<semaphore_mem>>) src(%arg8 : memref<128x64xf32, #tpu.memory_space<vmem>>) dst(%dma_wait3A_214 : memref<10112x64xf32, #tpu.memory_space<vmem_shared>>)
      %add3A_215 = arith.constant 8 : i32
      %add3A_216 = arith.addi %add3A_79, %add3A_215 : i32
      %add3A_217 = arith.constant 0 : i32
      %add3A_218 = arith.addi %add3A_216, %add3A_217 : i32
      %lt3A = arith.constant 80 : i32
      %lt3A_219 = arith.cmpi slt, %add3A_218, %lt3A : i32
      %convert_element_type3A = arith.extui %lt3A_219 : i1 to i32
      %cond3A = arith.constant 0 : i32
      %cond3A_220 = arith.cmpi ne, %convert_element_type3A, %cond3A : i32
      scf.if %cond3A_220 {
        %add3A_340 = arith.constant 8 : i32
        %add3A_341 = arith.addi %add3A_79, %add3A_340 : i32
        %add3A_342 = arith.constant 0 : i32
        %add3A_343 = arith.addi %add3A_341, %add3A_342 : i32
        %dma_start3A_344 = arith.constant 0 : i32
        %dma_start3A_345 = tpu.memref_slice %arg6[%add3A_343, %dma_start3A_344] : memref<80x128xi32, #tpu.memory_space<vmem>> -> memref<1x128xi32, #tpu.memory_space<vmem>>
        %dma_start3A_346 = tpu.memref_squeeze %dma_start3A_345 : memref<1x128xi32, #tpu.memory_space<vmem>> -> memref<128xi32, #tpu.memory_space<vmem>>
        %dma_start3A_347 = arith.constant 0 : i32
        %dma_start3A_348 = arith.constant 0 : i32
        %dma_start3A_349 = tpu.memref_slice %arg2[%dma_start3A_347, %dma_start3A_348] : memref<10112x64xf32, #tpu.memory_space<hbm>> -> memref<10112x64xf32, #tpu.memory_space<hbm>>
        tpu.enqueue_indirect_dma source(%dma_start3A_349 : memref<10112x64xf32, #tpu.memory_space<hbm>>) target(%arg8 : memref<128x64xf32, #tpu.memory_space<vmem>>) offsets(%dma_start3A_346 : memref<128xi32, #tpu.memory_space<vmem>>) semaphore(%arg17 : memref<!tpu.dma_semaphore, #tpu.memory_space<semaphore_mem>>)
      } else {
      }
      %add3A_221 = arith.constant 1 : i32
      %add3A_222 = arith.addi %add3A_79, %add3A_221 : i32
      %dma_wait3A_223 = arith.constant 0 : i32
      %dma_wait3A_224 = tpu.memref_slice %arg7[%add3A_222, %dma_wait3A_223] : memref<80x128xi32, #tpu.memory_space<vmem>> -> memref<1x128xi32, #tpu.memory_space<vmem>>
      %dma_wait3A_225 = tpu.memref_squeeze %dma_wait3A_224 : memref<1x128xi32, #tpu.memory_space<vmem>> -> memref<128xi32, #tpu.memory_space<vmem>>
      %dma_wait3A_226 = arith.constant 0 : i32
      %dma_wait3A_227 = arith.constant 0 : i32
      %dma_wait3A_228 = tpu.memref_slice %arg16[%dma_wait3A_226, %dma_wait3A_227] : memref<10112x64xf32, #tpu.memory_space<vmem_shared>> -> memref<10112x64xf32, #tpu.memory_space<vmem_shared>>
      tpu.wait_indirect_dma semaphore(%arg26 : memref<!tpu.dma_semaphore, #tpu.memory_space<semaphore_mem>>) src(%arg9 : memref<128x64xf32, #tpu.memory_space<vmem>>) dst(%dma_wait3A_228 : memref<10112x64xf32, #tpu.memory_space<vmem_shared>>)
      %add3A_229 = arith.constant 8 : i32
      %add3A_230 = arith.addi %add3A_79, %add3A_229 : i32
      %add3A_231 = arith.constant 1 : i32
      %add3A_232 = arith.addi %add3A_230, %add3A_231 : i32
      %lt3A_233 = arith.constant 80 : i32
      %lt3A_234 = arith.cmpi slt, %add3A_232, %lt3A_233 : i32
      %convert_element_type3A_235 = arith.extui %lt3A_234 : i1 to i32
      %cond3A_236 = arith.constant 0 : i32
      %cond3A_237 = arith.cmpi ne, %convert_element_type3A_235, %cond3A_236 : i32
      scf.if %cond3A_237 {
        %add3A_340 = arith.constant 8 : i32
        %add3A_341 = arith.addi %add3A_79, %add3A_340 : i32
        %add3A_342 = arith.constant 1 : i32
        %add3A_343 = arith.addi %add3A_341, %add3A_342 : i32
        %dma_start3A_344 = arith.constant 0 : i32
        %dma_start3A_345 = tpu.memref_slice %arg6[%add3A_343, %dma_start3A_344] : memref<80x128xi32, #tpu.memory_space<vmem>> -> memref<1x128xi32, #tpu.memory_space<vmem>>
        %dma_start3A_346 = tpu.memref_squeeze %dma_start3A_345 : memref<1x128xi32, #tpu.memory_space<vmem>> -> memref<128xi32, #tpu.memory_space<vmem>>
        %dma_start3A_347 = arith.constant 0 : i32
        %dma_start3A_348 = arith.constant 0 : i32
        %dma_start3A_349 = tpu.memref_slice %arg2[%dma_start3A_347, %dma_start3A_348] : memref<10112x64xf32, #tpu.memory_space<hbm>> -> memref<10112x64xf32, #tpu.memory_space<hbm>>
        tpu.enqueue_indirect_dma source(%dma_start3A_349 : memref<10112x64xf32, #tpu.memory_space<hbm>>) target(%arg9 : memref<128x64xf32, #tpu.memory_space<vmem>>) offsets(%dma_start3A_346 : memref<128xi32, #tpu.memory_space<vmem>>) semaphore(%arg18 : memref<!tpu.dma_semaphore, #tpu.memory_space<semaphore_mem>>)
      } else {
      }
      %add3A_238 = arith.constant 2 : i32
      %add3A_239 = arith.addi %add3A_79, %add3A_238 : i32
      %dma_wait3A_240 = arith.constant 0 : i32
      %dma_wait3A_241 = tpu.memref_slice %arg7[%add3A_239, %dma_wait3A_240] : memref<80x128xi32, #tpu.memory_space<vmem>> -> memref<1x128xi32, #tpu.memory_space<vmem>>
      %dma_wait3A_242 = tpu.memref_squeeze %dma_wait3A_241 : memref<1x128xi32, #tpu.memory_space<vmem>> -> memref<128xi32, #tpu.memory_space<vmem>>
      %dma_wait3A_243 = arith.constant 0 : i32
      %dma_wait3A_244 = arith.constant 0 : i32
      %dma_wait3A_245 = tpu.memref_slice %arg16[%dma_wait3A_243, %dma_wait3A_244] : memref<10112x64xf32, #tpu.memory_space<vmem_shared>> -> memref<10112x64xf32, #tpu.memory_space<vmem_shared>>
      tpu.wait_indirect_dma semaphore(%arg27 : memref<!tpu.dma_semaphore, #tpu.memory_space<semaphore_mem>>) src(%arg10 : memref<128x64xf32, #tpu.memory_space<vmem>>) dst(%dma_wait3A_245 : memref<10112x64xf32, #tpu.memory_space<vmem_shared>>)
      %add3A_246 = arith.constant 8 : i32
      %add3A_247 = arith.addi %add3A_79, %add3A_246 : i32
      %add3A_248 = arith.constant 2 : i32
      %add3A_249 = arith.addi %add3A_247, %add3A_248 : i32
      %lt3A_250 = arith.constant 80 : i32
      %lt3A_251 = arith.cmpi slt, %add3A_249, %lt3A_250 : i32
      %convert_element_type3A_252 = arith.extui %lt3A_251 : i1 to i32
      %cond3A_253 = arith.constant 0 : i32
      %cond3A_254 = arith.cmpi ne, %convert_element_type3A_252, %cond3A_253 : i32
      scf.if %cond3A_254 {
        %add3A_340 = arith.constant 8 : i32
        %add3A_341 = arith.addi %add3A_79, %add3A_340 : i32
        %add3A_342 = arith.constant 2 : i32
        %add3A_343 = arith.addi %add3A_341, %add3A_342 : i32
        %dma_start3A_344 = arith.constant 0 : i32
        %dma_start3A_345 = tpu.memref_slice %arg6[%add3A_343, %dma_start3A_344] : memref<80x128xi32, #tpu.memory_space<vmem>> -> memref<1x128xi32, #tpu.memory_space<vmem>>
        %dma_start3A_346 = tpu.memref_squeeze %dma_start3A_345 : memref<1x128xi32, #tpu.memory_space<vmem>> -> memref<128xi32, #tpu.memory_space<vmem>>
        %dma_start3A_347 = arith.constant 0 : i32
        %dma_start3A_348 = arith.constant 0 : i32
        %dma_start3A_349 = tpu.memref_slice %arg2[%dma_start3A_347, %dma_start3A_348] : memref<10112x64xf32, #tpu.memory_space<hbm>> -> memref<10112x64xf32, #tpu.memory_space<hbm>>
        tpu.enqueue_indirect_dma source(%dma_start3A_349 : memref<10112x64xf32, #tpu.memory_space<hbm>>) target(%arg10 : memref<128x64xf32, #tpu.memory_space<vmem>>) offsets(%dma_start3A_346 : memref<128xi32, #tpu.memory_space<vmem>>) semaphore(%arg19 : memref<!tpu.dma_semaphore, #tpu.memory_space<semaphore_mem>>)
      } else {
      }
      %add3A_255 = arith.constant 3 : i32
      %add3A_256 = arith.addi %add3A_79, %add3A_255 : i32
      %dma_wait3A_257 = arith.constant 0 : i32
      %dma_wait3A_258 = tpu.memref_slice %arg7[%add3A_256, %dma_wait3A_257] : memref<80x128xi32, #tpu.memory_space<vmem>> -> memref<1x128xi32, #tpu.memory_space<vmem>>
      %dma_wait3A_259 = tpu.memref_squeeze %dma_wait3A_258 : memref<1x128xi32, #tpu.memory_space<vmem>> -> memref<128xi32, #tpu.memory_space<vmem>>
      %dma_wait3A_260 = arith.constant 0 : i32
      %dma_wait3A_261 = arith.constant 0 : i32
      %dma_wait3A_262 = tpu.memref_slice %arg16[%dma_wait3A_260, %dma_wait3A_261] : memref<10112x64xf32, #tpu.memory_space<vmem_shared>> -> memref<10112x64xf32, #tpu.memory_space<vmem_shared>>
      tpu.wait_indirect_dma semaphore(%arg28 : memref<!tpu.dma_semaphore, #tpu.memory_space<semaphore_mem>>) src(%arg11 : memref<128x64xf32, #tpu.memory_space<vmem>>) dst(%dma_wait3A_262 : memref<10112x64xf32, #tpu.memory_space<vmem_shared>>)
      %add3A_263 = arith.constant 8 : i32
      %add3A_264 = arith.addi %add3A_79, %add3A_263 : i32
      %add3A_265 = arith.constant 3 : i32
      %add3A_266 = arith.addi %add3A_264, %add3A_265 : i32
      %lt3A_267 = arith.constant 80 : i32
      %lt3A_268 = arith.cmpi slt, %add3A_266, %lt3A_267 : i32
      %convert_element_type3A_269 = arith.extui %lt3A_268 : i1 to i32
      %cond3A_270 = arith.constant 0 : i32
      %cond3A_271 = arith.cmpi ne, %convert_element_type3A_269, %cond3A_270 : i32
      scf.if %cond3A_271 {
        %add3A_340 = arith.constant 8 : i32
        %add3A_341 = arith.addi %add3A_79, %add3A_340 : i32
        %add3A_342 = arith.constant 3 : i32
        %add3A_343 = arith.addi %add3A_341, %add3A_342 : i32
        %dma_start3A_344 = arith.constant 0 : i32
        %dma_start3A_345 = tpu.memref_slice %arg6[%add3A_343, %dma_start3A_344] : memref<80x128xi32, #tpu.memory_space<vmem>> -> memref<1x128xi32, #tpu.memory_space<vmem>>
        %dma_start3A_346 = tpu.memref_squeeze %dma_start3A_345 : memref<1x128xi32, #tpu.memory_space<vmem>> -> memref<128xi32, #tpu.memory_space<vmem>>
        %dma_start3A_347 = arith.constant 0 : i32
        %dma_start3A_348 = arith.constant 0 : i32
        %dma_start3A_349 = tpu.memref_slice %arg2[%dma_start3A_347, %dma_start3A_348] : memref<10112x64xf32, #tpu.memory_space<hbm>> -> memref<10112x64xf32, #tpu.memory_space<hbm>>
        tpu.enqueue_indirect_dma source(%dma_start3A_349 : memref<10112x64xf32, #tpu.memory_space<hbm>>) target(%arg11 : memref<128x64xf32, #tpu.memory_space<vmem>>) offsets(%dma_start3A_346 : memref<128xi32, #tpu.memory_space<vmem>>) semaphore(%arg20 : memref<!tpu.dma_semaphore, #tpu.memory_space<semaphore_mem>>)
      } else {
      }
      %add3A_272 = arith.constant 4 : i32
      %add3A_273 = arith.addi %add3A_79, %add3A_272 : i32
      %dma_wait3A_274 = arith.constant 0 : i32
      %dma_wait3A_275 = tpu.memref_slice %arg7[%add3A_273, %dma_wait3A_274] : memref<80x128xi32, #tpu.memory_space<vmem>> -> memref<1x128xi32, #tpu.memory_space<vmem>>
      %dma_wait3A_276 = tpu.memref_squeeze %dma_wait3A_275 : memref<1x128xi32, #tpu.memory_space<vmem>> -> memref<128xi32, #tpu.memory_space<vmem>>
      %dma_wait3A_277 = arith.constant 0 : i32
      %dma_wait3A_278 = arith.constant 0 : i32
      %dma_wait3A_279 = tpu.memref_slice %arg16[%dma_wait3A_277, %dma_wait3A_278] : memref<10112x64xf32, #tpu.memory_space<vmem_shared>> -> memref<10112x64xf32, #tpu.memory_space<vmem_shared>>
      tpu.wait_indirect_dma semaphore(%arg29 : memref<!tpu.dma_semaphore, #tpu.memory_space<semaphore_mem>>) src(%arg12 : memref<128x64xf32, #tpu.memory_space<vmem>>) dst(%dma_wait3A_279 : memref<10112x64xf32, #tpu.memory_space<vmem_shared>>)
      %add3A_280 = arith.constant 8 : i32
      %add3A_281 = arith.addi %add3A_79, %add3A_280 : i32
      %add3A_282 = arith.constant 4 : i32
      %add3A_283 = arith.addi %add3A_281, %add3A_282 : i32
      %lt3A_284 = arith.constant 80 : i32
      %lt3A_285 = arith.cmpi slt, %add3A_283, %lt3A_284 : i32
      %convert_element_type3A_286 = arith.extui %lt3A_285 : i1 to i32
      %cond3A_287 = arith.constant 0 : i32
      %cond3A_288 = arith.cmpi ne, %convert_element_type3A_286, %cond3A_287 : i32
      scf.if %cond3A_288 {
        %add3A_340 = arith.constant 8 : i32
        %add3A_341 = arith.addi %add3A_79, %add3A_340 : i32
        %add3A_342 = arith.constant 4 : i32
        %add3A_343 = arith.addi %add3A_341, %add3A_342 : i32
        %dma_start3A_344 = arith.constant 0 : i32
        %dma_start3A_345 = tpu.memref_slice %arg6[%add3A_343, %dma_start3A_344] : memref<80x128xi32, #tpu.memory_space<vmem>> -> memref<1x128xi32, #tpu.memory_space<vmem>>
        %dma_start3A_346 = tpu.memref_squeeze %dma_start3A_345 : memref<1x128xi32, #tpu.memory_space<vmem>> -> memref<128xi32, #tpu.memory_space<vmem>>
        %dma_start3A_347 = arith.constant 0 : i32
        %dma_start3A_348 = arith.constant 0 : i32
        %dma_start3A_349 = tpu.memref_slice %arg2[%dma_start3A_347, %dma_start3A_348] : memref<10112x64xf32, #tpu.memory_space<hbm>> -> memref<10112x64xf32, #tpu.memory_space<hbm>>
        tpu.enqueue_indirect_dma source(%dma_start3A_349 : memref<10112x64xf32, #tpu.memory_space<hbm>>) target(%arg12 : memref<128x64xf32, #tpu.memory_space<vmem>>) offsets(%dma_start3A_346 : memref<128xi32, #tpu.memory_space<vmem>>) semaphore(%arg21 : memref<!tpu.dma_semaphore, #tpu.memory_space<semaphore_mem>>)
      } else {
      }
      %add3A_289 = arith.constant 5 : i32
      %add3A_290 = arith.addi %add3A_79, %add3A_289 : i32
      %dma_wait3A_291 = arith.constant 0 : i32
      %dma_wait3A_292 = tpu.memref_slice %arg7[%add3A_290, %dma_wait3A_291] : memref<80x128xi32, #tpu.memory_space<vmem>> -> memref<1x128xi32, #tpu.memory_space<vmem>>
      %dma_wait3A_293 = tpu.memref_squeeze %dma_wait3A_292 : memref<1x128xi32, #tpu.memory_space<vmem>> -> memref<128xi32, #tpu.memory_space<vmem>>
      %dma_wait3A_294 = arith.constant 0 : i32
      %dma_wait3A_295 = arith.constant 0 : i32
      %dma_wait3A_296 = tpu.memref_slice %arg16[%dma_wait3A_294, %dma_wait3A_295] : memref<10112x64xf32, #tpu.memory_space<vmem_shared>> -> memref<10112x64xf32, #tpu.memory_space<vmem_shared>>
      tpu.wait_indirect_dma semaphore(%arg30 : memref<!tpu.dma_semaphore, #tpu.memory_space<semaphore_mem>>) src(%arg13 : memref<128x64xf32, #tpu.memory_space<vmem>>) dst(%dma_wait3A_296 : memref<10112x64xf32, #tpu.memory_space<vmem_shared>>)
      %add3A_297 = arith.constant 8 : i32
      %add3A_298 = arith.addi %add3A_79, %add3A_297 : i32
      %add3A_299 = arith.constant 5 : i32
      %add3A_300 = arith.addi %add3A_298, %add3A_299 : i32
      %lt3A_301 = arith.constant 80 : i32
      %lt3A_302 = arith.cmpi slt, %add3A_300, %lt3A_301 : i32
      %convert_element_type3A_303 = arith.extui %lt3A_302 : i1 to i32
      %cond3A_304 = arith.constant 0 : i32
      %cond3A_305 = arith.cmpi ne, %convert_element_type3A_303, %cond3A_304 : i32
      scf.if %cond3A_305 {
        %add3A_340 = arith.constant 8 : i32
        %add3A_341 = arith.addi %add3A_79, %add3A_340 : i32
        %add3A_342 = arith.constant 5 : i32
        %add3A_343 = arith.addi %add3A_341, %add3A_342 : i32
        %dma_start3A_344 = arith.constant 0 : i32
        %dma_start3A_345 = tpu.memref_slice %arg6[%add3A_343, %dma_start3A_344] : memref<80x128xi32, #tpu.memory_space<vmem>> -> memref<1x128xi32, #tpu.memory_space<vmem>>
        %dma_start3A_346 = tpu.memref_squeeze %dma_start3A_345 : memref<1x128xi32, #tpu.memory_space<vmem>> -> memref<128xi32, #tpu.memory_space<vmem>>
        %dma_start3A_347 = arith.constant 0 : i32
        %dma_start3A_348 = arith.constant 0 : i32
        %dma_start3A_349 = tpu.memref_slice %arg2[%dma_start3A_347, %dma_start3A_348] : memref<10112x64xf32, #tpu.memory_space<hbm>> -> memref<10112x64xf32, #tpu.memory_space<hbm>>
        tpu.enqueue_indirect_dma source(%dma_start3A_349 : memref<10112x64xf32, #tpu.memory_space<hbm>>) target(%arg13 : memref<128x64xf32, #tpu.memory_space<vmem>>) offsets(%dma_start3A_346 : memref<128xi32, #tpu.memory_space<vmem>>) semaphore(%arg22 : memref<!tpu.dma_semaphore, #tpu.memory_space<semaphore_mem>>)
      } else {
      }
      %add3A_306 = arith.constant 6 : i32
      %add3A_307 = arith.addi %add3A_79, %add3A_306 : i32
      %dma_wait3A_308 = arith.constant 0 : i32
      %dma_wait3A_309 = tpu.memref_slice %arg7[%add3A_307, %dma_wait3A_308] : memref<80x128xi32, #tpu.memory_space<vmem>> -> memref<1x128xi32, #tpu.memory_space<vmem>>
      %dma_wait3A_310 = tpu.memref_squeeze %dma_wait3A_309 : memref<1x128xi32, #tpu.memory_space<vmem>> -> memref<128xi32, #tpu.memory_space<vmem>>
      %dma_wait3A_311 = arith.constant 0 : i32
      %dma_wait3A_312 = arith.constant 0 : i32
      %dma_wait3A_313 = tpu.memref_slice %arg16[%dma_wait3A_311, %dma_wait3A_312] : memref<10112x64xf32, #tpu.memory_space<vmem_shared>> -> memref<10112x64xf32, #tpu.memory_space<vmem_shared>>
      tpu.wait_indirect_dma semaphore(%arg31 : memref<!tpu.dma_semaphore, #tpu.memory_space<semaphore_mem>>) src(%arg14 : memref<128x64xf32, #tpu.memory_space<vmem>>) dst(%dma_wait3A_313 : memref<10112x64xf32, #tpu.memory_space<vmem_shared>>)
      %add3A_314 = arith.constant 8 : i32
      %add3A_315 = arith.addi %add3A_79, %add3A_314 : i32
      %add3A_316 = arith.constant 6 : i32
      %add3A_317 = arith.addi %add3A_315, %add3A_316 : i32
      %lt3A_318 = arith.constant 80 : i32
      %lt3A_319 = arith.cmpi slt, %add3A_317, %lt3A_318 : i32
      %convert_element_type3A_320 = arith.extui %lt3A_319 : i1 to i32
      %cond3A_321 = arith.constant 0 : i32
      %cond3A_322 = arith.cmpi ne, %convert_element_type3A_320, %cond3A_321 : i32
      scf.if %cond3A_322 {
        %add3A_340 = arith.constant 8 : i32
        %add3A_341 = arith.addi %add3A_79, %add3A_340 : i32
        %add3A_342 = arith.constant 6 : i32
        %add3A_343 = arith.addi %add3A_341, %add3A_342 : i32
        %dma_start3A_344 = arith.constant 0 : i32
        %dma_start3A_345 = tpu.memref_slice %arg6[%add3A_343, %dma_start3A_344] : memref<80x128xi32, #tpu.memory_space<vmem>> -> memref<1x128xi32, #tpu.memory_space<vmem>>
        %dma_start3A_346 = tpu.memref_squeeze %dma_start3A_345 : memref<1x128xi32, #tpu.memory_space<vmem>> -> memref<128xi32, #tpu.memory_space<vmem>>
        %dma_start3A_347 = arith.constant 0 : i32
        %dma_start3A_348 = arith.constant 0 : i32
        %dma_start3A_349 = tpu.memref_slice %arg2[%dma_start3A_347, %dma_start3A_348] : memref<10112x64xf32, #tpu.memory_space<hbm>> -> memref<10112x64xf32, #tpu.memory_space<hbm>>
        tpu.enqueue_indirect_dma source(%dma_start3A_349 : memref<10112x64xf32, #tpu.memory_space<hbm>>) target(%arg14 : memref<128x64xf32, #tpu.memory_space<vmem>>) offsets(%dma_start3A_346 : memref<128xi32, #tpu.memory_space<vmem>>) semaphore(%arg23 : memref<!tpu.dma_semaphore, #tpu.memory_space<semaphore_mem>>)
      } else {
      }
      %add3A_323 = arith.constant 7 : i32
      %add3A_324 = arith.addi %add3A_79, %add3A_323 : i32
      %dma_wait3A_325 = arith.constant 0 : i32
      %dma_wait3A_326 = tpu.memref_slice %arg7[%add3A_324, %dma_wait3A_325] : memref<80x128xi32, #tpu.memory_space<vmem>> -> memref<1x128xi32, #tpu.memory_space<vmem>>
      %dma_wait3A_327 = tpu.memref_squeeze %dma_wait3A_326 : memref<1x128xi32, #tpu.memory_space<vmem>> -> memref<128xi32, #tpu.memory_space<vmem>>
      %dma_wait3A_328 = arith.constant 0 : i32
      %dma_wait3A_329 = arith.constant 0 : i32
      %dma_wait3A_330 = tpu.memref_slice %arg16[%dma_wait3A_328, %dma_wait3A_329] : memref<10112x64xf32, #tpu.memory_space<vmem_shared>> -> memref<10112x64xf32, #tpu.memory_space<vmem_shared>>
      tpu.wait_indirect_dma semaphore(%arg32 : memref<!tpu.dma_semaphore, #tpu.memory_space<semaphore_mem>>) src(%arg15 : memref<128x64xf32, #tpu.memory_space<vmem>>) dst(%dma_wait3A_330 : memref<10112x64xf32, #tpu.memory_space<vmem_shared>>)
      %add3A_331 = arith.constant 8 : i32
      %add3A_332 = arith.addi %add3A_79, %add3A_331 : i32
      %add3A_333 = arith.constant 7 : i32
      %add3A_334 = arith.addi %add3A_332, %add3A_333 : i32
      %lt3A_335 = arith.constant 80 : i32
      %lt3A_336 = arith.cmpi slt, %add3A_334, %lt3A_335 : i32
      %convert_element_type3A_337 = arith.extui %lt3A_336 : i1 to i32
      %cond3A_338 = arith.constant 0 : i32
      %cond3A_339 = arith.cmpi ne, %convert_element_type3A_337, %cond3A_338 : i32
      scf.if %cond3A_339 {
        %add3A_340 = arith.constant 8 : i32
        %add3A_341 = arith.addi %add3A_79, %add3A_340 : i32
        %add3A_342 = arith.constant 7 : i32
        %add3A_343 = arith.addi %add3A_341, %add3A_342 : i32
        %dma_start3A_344 = arith.constant 0 : i32
        %dma_start3A_345 = tpu.memref_slice %arg6[%add3A_343, %dma_start3A_344] : memref<80x128xi32, #tpu.memory_space<vmem>> -> memref<1x128xi32, #tpu.memory_space<vmem>>
        %dma_start3A_346 = tpu.memref_squeeze %dma_start3A_345 : memref<1x128xi32, #tpu.memory_space<vmem>> -> memref<128xi32, #tpu.memory_space<vmem>>
        %dma_start3A_347 = arith.constant 0 : i32
        %dma_start3A_348 = arith.constant 0 : i32
        %dma_start3A_349 = tpu.memref_slice %arg2[%dma_start3A_347, %dma_start3A_348] : memref<10112x64xf32, #tpu.memory_space<hbm>> -> memref<10112x64xf32, #tpu.memory_space<hbm>>
        tpu.enqueue_indirect_dma source(%dma_start3A_349 : memref<10112x64xf32, #tpu.memory_space<hbm>>) target(%arg15 : memref<128x64xf32, #tpu.memory_space<vmem>>) offsets(%dma_start3A_346 : memref<128xi32, #tpu.memory_space<vmem>>) semaphore(%arg24 : memref<!tpu.dma_semaphore, #tpu.memory_space<semaphore_mem>>)
      } else {
      }
    }
    %scan3A_71 = arith.constant 10 : i32
    %barrier3A_72 = arith.constant 0 : index
    tpu.barrier barrier_id(%barrier3A_72)
    %mul3A_73 = arith.constant 632 : i32
    %mul3A_74 = arith.muli %arg1, %mul3A_73 : i32
    "tpu.region"() ({
      %run_scoped3A = tpu.sem_alloc : memref<!tpu.dma_semaphore, #tpu.memory_space<semaphore_mem>>
      %dma_start3A_75 = arith.constant 0 : i32
      %dma_start3A_76 = tpu.memref_slice %arg5[%arg0, %mul3A_74, %dma_start3A_75] : memref<2x10112x64xf32, #tpu.memory_space<hbm>> -> memref<1x632x64xf32, #tpu.memory_space<hbm>>
      %dma_start3A_77 = tpu.memref_squeeze %dma_start3A_76 : memref<1x632x64xf32, #tpu.memory_space<hbm>> -> memref<632x64xf32, #tpu.memory_space<hbm>>
      %dma_start3A_78 = arith.constant 0 : i32
      %dma_start3A_79 = tpu.memref_slice %arg16[%mul3A_74, %dma_start3A_78] : memref<10112x64xf32, #tpu.memory_space<vmem_shared>> -> memref<632x64xf32, #tpu.memory_space<vmem_shared>>
      tpu.enqueue_dma source(%dma_start3A_79 : memref<632x64xf32, #tpu.memory_space<vmem_shared>>) target(%dma_start3A_77 : memref<632x64xf32, #tpu.memory_space<hbm>>) target_semaphore(%run_scoped3A : memref<!tpu.dma_semaphore, #tpu.memory_space<semaphore_mem>>)
      %dma_wait3A = arith.constant 0 : i32
      %dma_wait3A_80 = tpu.memref_slice %arg5[%arg0, %mul3A_74, %dma_wait3A] : memref<2x10112x64xf32, #tpu.memory_space<hbm>> -> memref<1x632x64xf32, #tpu.memory_space<hbm>>
      %dma_wait3A_81 = tpu.memref_squeeze %dma_wait3A_80 : memref<1x632x64xf32, #tpu.memory_space<hbm>> -> memref<632x64xf32, #tpu.memory_space<hbm>>
      %dma_wait3A_82 = arith.constant 0 : i32
      %dma_wait3A_83 = tpu.memref_slice %arg16[%mul3A_74, %dma_wait3A_82] : memref<10112x64xf32, #tpu.memory_space<vmem_shared>> -> memref<632x64xf32, #tpu.memory_space<vmem_shared>>
      tpu.wait_dma2 semaphore(%run_scoped3A : memref<!tpu.dma_semaphore, #tpu.memory_space<semaphore_mem>>) src(%dma_wait3A_83 : memref<632x64xf32, #tpu.memory_space<vmem_shared>>) dst(%dma_wait3A_81 : memref<632x64xf32, #tpu.memory_space<hbm>>)
      tpu.yield
    }) : () -> ()
    return
  }
}

#map = affine_map<(d0, d1) -> (0, 0)>
#map1 = affine_map<(d0, d1) -> (0, 0, 0, 0)>
#map2 = affine_map<(d0, d1) -> (0, 0, 0)>
module attributes {stable_mosaic.version = 14 : i64} {
  func.func @_sc_scatter(%arg0: i32, %arg1: i32, %arg2: memref<10112x64xf32, #tpu.memory_space<hbm>>, %arg3: memref<2x16x80x128xi32, #tpu.memory_space<hbm>>, %arg4: memref<2x16x80x128xi32, #tpu.memory_space<hbm>>, %arg5: memref<2x10112x64xf32, #tpu.memory_space<hbm>>, %arg6: memref<80x128xi32, #tpu.memory_space<vmem>>, %arg7: memref<80x128xi32, #tpu.memory_space<vmem>>, %arg8: memref<128x64xf32, #tpu.memory_space<vmem>>, %arg9: memref<128x64xf32, #tpu.memory_space<vmem>>, %arg10: memref<128x64xf32, #tpu.memory_space<vmem>>, %arg11: memref<128x64xf32, #tpu.memory_space<vmem>>, %arg12: memref<128x64xf32, #tpu.memory_space<vmem>>, %arg13: memref<128x64xf32, #tpu.memory_space<vmem>>, %arg14: memref<128x64xf32, #tpu.memory_space<vmem>>, %arg15: memref<128x64xf32, #tpu.memory_space<vmem>>, %arg16: memref<10112x64xf32, #tpu.memory_space<vmem_shared>>, %arg17: memref<!tpu.dma_semaphore, #tpu.memory_space<semaphore_mem>>, %arg18: memref<!tpu.dma_semaphore, #tpu.memory_space<semaphore_mem>>, %arg19: memref<!tpu.dma_semaphore, #tpu.memory_space<semaphore_mem>>, %arg20: memref<!tpu.dma_semaphore, #tpu.memory_space<semaphore_mem>>, %arg21: memref<!tpu.dma_semaphore, #tpu.memory_space<semaphore_mem>>, %arg22: memref<!tpu.dma_semaphore, #tpu.memory_space<semaphore_mem>>, %arg23: memref<!tpu.dma_semaphore, #tpu.memory_space<semaphore_mem>>, %arg24: memref<!tpu.dma_semaphore, #tpu.memory_space<semaphore_mem>>, %arg25: memref<!tpu.dma_semaphore, #tpu.memory_space<semaphore_mem>>, %arg26: memref<!tpu.dma_semaphore, #tpu.memory_space<semaphore_mem>>, %arg27: memref<!tpu.dma_semaphore, #tpu.memory_space<semaphore_mem>>, %arg28: memref<!tpu.dma_semaphore, #tpu.memory_space<semaphore_mem>>, %arg29: memref<!tpu.dma_semaphore, #tpu.memory_space<semaphore_mem>>, %arg30: memref<!tpu.dma_semaphore, #tpu.memory_space<semaphore_mem>>, %arg31: memref<!tpu.dma_semaphore, #tpu.memory_space<semaphore_mem>>, %arg32: memref<!tpu.dma_semaphore, #tpu.memory_space<semaphore_mem>>) attributes {dimension_semantics = [#tpu.dimension_semantics<core_parallel>, #tpu.dimension_semantics<subcore_parallel>], iteration_bounds = array<i64: 2, 16>, scalar_prefetch = 0 : i64, scratch_operands = 27 : i64, tpu.core_type = #tpu.core_type<sc_vector_subcore>, window_params = [{transform_indices = #map}, {transform_indices = #map1}, {transform_indices = #map1}, {transform_indices = #map2}]} {
    %broadcast_in_dim3A = arith.constant 0.000000e+00 : f32
    %broadcast_in_dim3A_0 = vector.broadcast %broadcast_in_dim3A : f32 to vector<16xf32>
    %scan3A = arith.constant 0 : i32
    %scan3A_1 = arith.constant 128 : i32
    %scan3A_2 = arith.addi %scan3A, %scan3A_1 : i32
    %scan3A_3 = arith.constant 1 : i32
    scf.for %scan3A_75 = %scan3A to %scan3A_2 step %scan3A_3  : i32 {
      %mul3A_76 = arith.constant 1 : i32
      %mul3A_77 = arith.muli %scan3A_75, %mul3A_76 : i32
      %add3A_78 = arith.constant 0 : i32
      %add3A_79 = arith.addi %add3A_78, %mul3A_77 : i32
      %scan3A_80 = arith.constant 0 : i32
      %scan3A_81 = arith.constant 4 : i32
      %scan3A_82 = arith.addi %scan3A_80, %scan3A_81 : i32
      %scan3A_83 = arith.constant 1 : i32
      scf.for %scan3A_85 = %scan3A_80 to %scan3A_82 step %scan3A_83  : i32 {
        %mul3A_86 = arith.constant 16 : i32
        %mul3A_87 = arith.muli %scan3A_85, %mul3A_86 : i32
        %add3A_88 = arith.constant 0 : i32
        %add3A_89 = arith.addi %add3A_88, %mul3A_87 : i32
        %swap3A = arith.index_cast %add3A_79 : i32 to index
        %swap3A_90 = arith.index_cast %add3A_89 : i32 to index
        %swap3A_91 = tpu.vector_load %arg8[%swap3A, %swap3A_90] {strides = array<i32>} : memref<128x64xf32, #tpu.memory_space<vmem>>, vector<1x16xf32>,
        %swap3A_92 = vector.shape_cast %swap3A_91 : vector<1x16xf32> to vector<16xf32>
        %swap3A_93 = vector.shape_cast %broadcast_in_dim3A_0 : vector<16xf32> to vector<1x16xf32>
        tpu.vector_store %arg8[%swap3A, %swap3A_90], %swap3A_93 {strides = array<i32>} : memref<128x64xf32, #tpu.memory_space<vmem>>, vector<1x16xf32>,
      }
      %scan3A_84 = arith.constant 4 : i32
    }
    %scan3A_4 = arith.constant 128 : i32
    %mul3A = arith.constant 632 : i32
    %mul3A_5 = arith.muli %arg1, %mul3A : i32
    %scan3A_6 = arith.constant 0 : i32
    %scan3A_7 = arith.constant 4 : i32
    %scan3A_8 = arith.addi %scan3A_6, %scan3A_7 : i32
    %scan3A_9 = arith.constant 1 : i32
    scf.for %scan3A_75 = %scan3A_6 to %scan3A_8 step %scan3A_9  : i32 {
      %mul3A_76 = arith.constant 1 : i32
      %mul3A_77 = arith.muli %scan3A_75, %mul3A_76 : i32
      %add3A_78 = arith.constant 0 : i32
      %add3A_79 = arith.addi %add3A_78, %mul3A_77 : i32
      %mul3A_80 = arith.constant 128 : i32
      %mul3A_81 = arith.muli %add3A_79, %mul3A_80 : i32
      %add3A_82 = arith.addi %mul3A_5, %mul3A_81 : i32
      "tpu.region"() ({
        %run_scoped3A = tpu.sem_alloc : memref<!tpu.dma_semaphore, #tpu.memory_space<semaphore_mem>>
        %dma_start3A_83 = arith.constant 0 : i32
        %dma_start3A_84 = tpu.memref_slice %arg16[%add3A_82, %dma_start3A_83] : memref<10112x64xf32, #tpu.memory_space<vmem_shared>> -> memref<128x64xf32, #tpu.memory_space<vmem_shared>>
        %dma_start3A_85 = arith.constant 0 : i32
        %dma_start3A_86 = tpu.memref_slice %arg16[%add3A_82, %dma_start3A_85] : memref<10112x64xf32, #tpu.memory_space<vmem_shared>> -> memref<128x64xf32, #tpu.memory_space<vmem_shared>>
        tpu.enqueue_dma source(%arg8 : memref<128x64xf32, #tpu.memory_space<vmem>>) target(%dma_start3A_86 : memref<128x64xf32, #tpu.memory_space<vmem_shared>>) target_semaphore(%run_scoped3A : memref<!tpu.dma_semaphore, #tpu.memory_space<semaphore_mem>>)
        %dma_wait3A = arith.constant 0 : i32
        %dma_wait3A_87 = tpu.memref_slice %arg16[%add3A_82, %dma_wait3A] : memref<10112x64xf32, #tpu.memory_space<vmem_shared>> -> memref<128x64xf32, #tpu.memory_space<vmem_shared>>
        %dma_wait3A_88 = arith.constant 0 : i32
        %dma_wait3A_89 = tpu.memref_slice %arg16[%add3A_82, %dma_wait3A_88] : memref<10112x64xf32, #tpu.memory_space<vmem_shared>> -> memref<128x64xf32, #tpu.memory_space<vmem_shared>>
        tpu.wait_dma2 semaphore(%run_scoped3A : memref<!tpu.dma_semaphore, #tpu.memory_space<semaphore_mem>>) src(%arg8 : memref<128x64xf32, #tpu.memory_space<vmem>>) dst(%dma_wait3A_89 : memref<128x64xf32, #tpu.memory_space<vmem_shared>>)
        tpu.yield
      }) : () -> ()
    }
    %scan3A_10 = arith.constant 4 : i32
    %add3A = arith.constant 512 : i32
    %add3A_11 = arith.addi %mul3A_5, %add3A : i32
    "tpu.region"() ({
      %run_scoped3A = tpu.sem_alloc : memref<!tpu.dma_semaphore, #tpu.memory_space<semaphore_mem>>
      %dma_start3A_75 = arith.constant 0 : i32
      %dma_start3A_76 = arith.constant 0 : i32
      %dma_start3A_77 = tpu.memref_slice %arg8[%dma_start3A_75, %dma_start3A_76] : memref<128x64xf32, #tpu.memory_space<vmem>> -> memref<120x64xf32, #tpu.memory_space<vmem>>
      %dma_start3A_78 = arith.constant 0 : i32
      %dma_start3A_79 = tpu.memref_slice %arg16[%add3A_11, %dma_start3A_78] : memref<10112x64xf32, #tpu.memory_space<vmem_shared>> -> memref<120x64xf32, #tpu.memory_space<vmem_shared>>
      %dma_start3A_80 = arith.constant 0 : i32
      %dma_start3A_81 = tpu.memref_slice %arg16[%add3A_11, %dma_start3A_80] : memref<10112x64xf32, #tpu.memory_space<vmem_shared>> -> memref<120x64xf32, #tpu.memory_space<vmem_shared>>
      %dma_start3A_82 = arith.constant 0 : i32
      %dma_start3A_83 = arith.constant 0 : i32
      %dma_start3A_84 = tpu.memref_slice %arg8[%dma_start3A_82, %dma_start3A_83] : memref<128x64xf32, #tpu.memory_space<vmem>> -> memref<120x64xf32, #tpu.memory_space<vmem>>
      tpu.enqueue_dma source(%dma_start3A_84 : memref<120x64xf32, #tpu.memory_space<vmem>>) target(%dma_start3A_81 : memref<120x64xf32, #tpu.memory_space<vmem_shared>>) target_semaphore(%run_scoped3A : memref<!tpu.dma_semaphore, #tpu.memory_space<semaphore_mem>>)
      %dma_wait3A = arith.constant 0 : i32
      %dma_wait3A_85 = arith.constant 0 : i32
      %dma_wait3A_86 = tpu.memref_slice %arg8[%dma_wait3A, %dma_wait3A_85] : memref<128x64xf32, #tpu.memory_space<vmem>> -> memref<120x64xf32, #tpu.memory_space<vmem>>
      %dma_wait3A_87 = arith.constant 0 : i32
      %dma_wait3A_88 = tpu.memref_slice %arg16[%add3A_11, %dma_wait3A_87] : memref<10112x64xf32, #tpu.memory_space<vmem_shared>> -> memref<120x64xf32, #tpu.memory_space<vmem_shared>>
      %dma_wait3A_89 = arith.constant 0 : i32
      %dma_wait3A_90 = tpu.memref_slice %arg16[%add3A_11, %dma_wait3A_89] : memref<10112x64xf32, #tpu.memory_space<vmem_shared>> -> memref<120x64xf32, #tpu.memory_space<vmem_shared>>
      %dma_wait3A_91 = arith.constant 0 : i32
      %dma_wait3A_92 = arith.constant 0 : i32
      %dma_wait3A_93 = tpu.memref_slice %arg8[%dma_wait3A_91, %dma_wait3A_92] : memref<128x64xf32, #tpu.memory_space<vmem>> -> memref<120x64xf32, #tpu.memory_space<vmem>>
      tpu.wait_dma2 semaphore(%run_scoped3A : memref<!tpu.dma_semaphore, #tpu.memory_space<semaphore_mem>>) src(%dma_wait3A_93 : memref<120x64xf32, #tpu.memory_space<vmem>>) dst(%dma_wait3A_90 : memref<120x64xf32, #tpu.memory_space<vmem_shared>>)
      tpu.yield
    }) : () -> ()
    "tpu.region"() ({
      %run_scoped3A = tpu.sem_alloc : memref<!tpu.dma_semaphore, #tpu.memory_space<semaphore_mem>>
      %dma_start3A_75 = arith.constant 0 : i32
      %dma_start3A_76 = arith.constant 0 : i32
      %dma_start3A_77 = tpu.memref_slice %arg3[%arg0, %arg1, %dma_start3A_75, %dma_start3A_76] : memref<2x16x80x128xi32, #tpu.memory_space<hbm>> -> memref<1x1x80x128xi32, #tpu.memory_space<hbm>>
      %dma_start3A_78 = tpu.memref_squeeze %dma_start3A_77 : memref<1x1x80x128xi32, #tpu.memory_space<hbm>> -> memref<80x128xi32, #tpu.memory_space<hbm>>
      %dma_start3A_79 = arith.constant 0 : i32
      %dma_start3A_80 = arith.constant 0 : i32
      %dma_start3A_81 = tpu.memref_slice %arg3[%arg0, %arg1, %dma_start3A_79, %dma_start3A_80] : memref<2x16x80x128xi32, #tpu.memory_space<hbm>> -> memref<1x1x80x128xi32, #tpu.memory_space<hbm>>
      %dma_start3A_82 = tpu.memref_squeeze %dma_start3A_81 : memref<1x1x80x128xi32, #tpu.memory_space<hbm>> -> memref<80x128xi32, #tpu.memory_space<hbm>>
      tpu.enqueue_dma source(%dma_start3A_82 : memref<80x128xi32, #tpu.memory_space<hbm>>) target(%arg6 : memref<80x128xi32, #tpu.memory_space<vmem>>) target_semaphore(%run_scoped3A : memref<!tpu.dma_semaphore, #tpu.memory_space<semaphore_mem>>)
      %dma_wait3A = arith.constant 0 : i32
      %dma_wait3A_83 = arith.constant 0 : i32
      %dma_wait3A_84 = tpu.memref_slice %arg3[%arg0, %arg1, %dma_wait3A, %dma_wait3A_83] : memref<2x16x80x128xi32, #tpu.memory_space<hbm>> -> memref<1x1x80x128xi32, #tpu.memory_space<hbm>>
      %dma_wait3A_85 = tpu.memref_squeeze %dma_wait3A_84 : memref<1x1x80x128xi32, #tpu.memory_space<hbm>> -> memref<80x128xi32, #tpu.memory_space<hbm>>
      %dma_wait3A_86 = arith.constant 0 : i32
      %dma_wait3A_87 = arith.constant 0 : i32
      %dma_wait3A_88 = tpu.memref_slice %arg3[%arg0, %arg1, %dma_wait3A_86, %dma_wait3A_87] : memref<2x16x80x128xi32, #tpu.memory_space<hbm>> -> memref<1x1x80x128xi32, #tpu.memory_space<hbm>>
      %dma_wait3A_89 = tpu.memref_squeeze %dma_wait3A_88 : memref<1x1x80x128xi32, #tpu.memory_space<hbm>> -> memref<80x128xi32, #tpu.memory_space<hbm>>
      tpu.wait_dma2 semaphore(%run_scoped3A : memref<!tpu.dma_semaphore, #tpu.memory_space<semaphore_mem>>) src(%dma_wait3A_89 : memref<80x128xi32, #tpu.memory_space<hbm>>) dst(%arg6 : memref<80x128xi32, #tpu.memory_space<vmem>>)
      tpu.yield
    }) : () -> ()
    "tpu.region"() ({
      %run_scoped3A = tpu.sem_alloc : memref<!tpu.dma_semaphore, #tpu.memory_space<semaphore_mem>>
      %dma_start3A_75 = arith.constant 0 : i32
      %dma_start3A_76 = arith.constant 0 : i32
      %dma_start3A_77 = tpu.memref_slice %arg4[%arg0, %arg1, %dma_start3A_75, %dma_start3A_76] : memref<2x16x80x128xi32, #tpu.memory_space<hbm>> -> memref<1x1x80x128xi32, #tpu.memory_space<hbm>>
      %dma_start3A_78 = tpu.memref_squeeze %dma_start3A_77 : memref<1x1x80x128xi32, #tpu.memory_space<hbm>> -> memref<80x128xi32, #tpu.memory_space<hbm>>
      %dma_start3A_79 = arith.constant 0 : i32
      %dma_start3A_80 = arith.constant 0 : i32
      %dma_start3A_81 = tpu.memref_slice %arg4[%arg0, %arg1, %dma_start3A_79, %dma_start3A_80] : memref<2x16x80x128xi32, #tpu.memory_space<hbm>> -> memref<1x1x80x128xi32, #tpu.memory_space<hbm>>
      %dma_start3A_82 = tpu.memref_squeeze %dma_start3A_81 : memref<1x1x80x128xi32, #tpu.memory_space<hbm>> -> memref<80x128xi32, #tpu.memory_space<hbm>>
      tpu.enqueue_dma source(%dma_start3A_82 : memref<80x128xi32, #tpu.memory_space<hbm>>) target(%arg7 : memref<80x128xi32, #tpu.memory_space<vmem>>) target_semaphore(%run_scoped3A : memref<!tpu.dma_semaphore, #tpu.memory_space<semaphore_mem>>)
      %dma_wait3A = arith.constant 0 : i32
      %dma_wait3A_83 = arith.constant 0 : i32
      %dma_wait3A_84 = tpu.memref_slice %arg4[%arg0, %arg1, %dma_wait3A, %dma_wait3A_83] : memref<2x16x80x128xi32, #tpu.memory_space<hbm>> -> memref<1x1x80x128xi32, #tpu.memory_space<hbm>>
      %dma_wait3A_85 = tpu.memref_squeeze %dma_wait3A_84 : memref<1x1x80x128xi32, #tpu.memory_space<hbm>> -> memref<80x128xi32, #tpu.memory_space<hbm>>
      %dma_wait3A_86 = arith.constant 0 : i32
      %dma_wait3A_87 = arith.constant 0 : i32
      %dma_wait3A_88 = tpu.memref_slice %arg4[%arg0, %arg1, %dma_wait3A_86, %dma_wait3A_87] : memref<2x16x80x128xi32, #tpu.memory_space<hbm>> -> memref<1x1x80x128xi32, #tpu.memory_space<hbm>>
      %dma_wait3A_89 = tpu.memref_squeeze %dma_wait3A_88 : memref<1x1x80x128xi32, #tpu.memory_space<hbm>> -> memref<80x128xi32, #tpu.memory_space<hbm>>
      tpu.wait_dma2 semaphore(%run_scoped3A : memref<!tpu.dma_semaphore, #tpu.memory_space<semaphore_mem>>) src(%dma_wait3A_89 : memref<80x128xi32, #tpu.memory_space<hbm>>) dst(%arg7 : memref<80x128xi32, #tpu.memory_space<vmem>>)
      tpu.yield
    }) : () -> ()
    %barrier3A = arith.constant 0 : index
    tpu.barrier barrier_id(%barrier3A)
    %dma_start3A = arith.constant 0 : i32
    %dma_start3A_12 = arith.constant 0 : i32
    %dma_start3A_13 = tpu.memref_slice %arg6[%dma_start3A, %dma_start3A_12] : memref<80x128xi32, #tpu.memory_space<vmem>> -> memref<1x128xi32, #tpu.memory_space<vmem>>
    %dma_start3A_14 = tpu.memref_squeeze %dma_start3A_13 : memref<1x128xi32, #tpu.memory_space<vmem>> -> memref<128xi32, #tpu.memory_space<vmem>>
    %dma_start3A_15 = arith.constant 0 : i32
    %dma_start3A_16 = arith.constant 0 : i32
    %dma_start3A_17 = tpu.memref_slice %arg2[%dma_start3A_15, %dma_start3A_16] : memref<10112x64xf32, #tpu.memory_space<hbm>> -> memref<10112x64xf32, #tpu.memory_space<hbm>>
    tpu.enqueue_indirect_dma source(%dma_start3A_17 : memref<10112x64xf32, #tpu.memory_space<hbm>>) target(%arg8 : memref<128x64xf32, #tpu.memory_space<vmem>>) offsets(%dma_start3A_14 : memref<128xi32, #tpu.memory_space<vmem>>) semaphore(%arg17 : memref<!tpu.dma_semaphore, #tpu.memory_space<semaphore_mem>>)
    %dma_start3A_18 = arith.constant 1 : i32
    %dma_start3A_19 = arith.constant 0 : i32
    %dma_start3A_20 = tpu.memref_slice %arg6[%dma_start3A_18, %dma_start3A_19] : memref<80x128xi32, #tpu.memory_space<vmem>> -> memref<1x128xi32, #tpu.memory_space<vmem>>
    %dma_start3A_21 = tpu.memref_squeeze %dma_start3A_20 : memref<1x128xi32, #tpu.memory_space<vmem>> -> memref<128xi32, #tpu.memory_space<vmem>>
    %dma_start3A_22 = arith.constant 0 : i32
    %dma_start3A_23 = arith.constant 0 : i32
    %dma_start3A_24 = tpu.memref_slice %arg2[%dma_start3A_22, %dma_start3A_23] : memref<10112x64xf32, #tpu.memory_space<hbm>> -> memref<10112x64xf32, #tpu.memory_space<hbm>>
    tpu.enqueue_indirect_dma source(%dma_start3A_24 : memref<10112x64xf32, #tpu.memory_space<hbm>>) target(%arg9 : memref<128x64xf32, #tpu.memory_space<vmem>>) offsets(%dma_start3A_21 : memref<128xi32, #tpu.memory_space<vmem>>) semaphore(%arg18 : memref<!tpu.dma_semaphore, #tpu.memory_space<semaphore_mem>>)
    %dma_start3A_25 = arith.constant 2 : i32
    %dma_start3A_26 = arith.constant 0 : i32
    %dma_start3A_27 = tpu.memref_slice %arg6[%dma_start3A_25, %dma_start3A_26] : memref<80x128xi32, #tpu.memory_space<vmem>> -> memref<1x128xi32, #tpu.memory_space<vmem>>
    %dma_start3A_28 = tpu.memref_squeeze %dma_start3A_27 : memref<1x128xi32, #tpu.memory_space<vmem>> -> memref<128xi32, #tpu.memory_space<vmem>>
    %dma_start3A_29 = arith.constant 0 : i32
    %dma_start3A_30 = arith.constant 0 : i32
    %dma_start3A_31 = tpu.memref_slice %arg2[%dma_start3A_29, %dma_start3A_30] : memref<10112x64xf32, #tpu.memory_space<hbm>> -> memref<10112x64xf32, #tpu.memory_space<hbm>>
    tpu.enqueue_indirect_dma source(%dma_start3A_31 : memref<10112x64xf32, #tpu.memory_space<hbm>>) target(%arg10 : memref<128x64xf32, #tpu.memory_space<vmem>>) offsets(%dma_start3A_28 : memref<128xi32, #tpu.memory_space<vmem>>) semaphore(%arg19 : memref<!tpu.dma_semaphore, #tpu.memory_space<semaphore_mem>>)
    %dma_start3A_32 = arith.constant 3 : i32
    %dma_start3A_33 = arith.constant 0 : i32
    %dma_start3A_34 = tpu.memref_slice %arg6[%dma_start3A_32, %dma_start3A_33] : memref<80x128xi32, #tpu.memory_space<vmem>> -> memref<1x128xi32, #tpu.memory_space<vmem>>
    %dma_start3A_35 = tpu.memref_squeeze %dma_start3A_34 : memref<1x128xi32, #tpu.memory_space<vmem>> -> memref<128xi32, #tpu.memory_space<vmem>>
    %dma_start3A_36 = arith.constant 0 : i32
    %dma_start3A_37 = arith.constant 0 : i32
    %dma_start3A_38 = tpu.memref_slice %arg2[%dma_start3A_36, %dma_start3A_37] : memref<10112x64xf32, #tpu.memory_space<hbm>> -> memref<10112x64xf32, #tpu.memory_space<hbm>>
    tpu.enqueue_indirect_dma source(%dma_start3A_38 : memref<10112x64xf32, #tpu.memory_space<hbm>>) target(%arg11 : memref<128x64xf32, #tpu.memory_space<vmem>>) offsets(%dma_start3A_35 : memref<128xi32, #tpu.memory_space<vmem>>) semaphore(%arg20 : memref<!tpu.dma_semaphore, #tpu.memory_space<semaphore_mem>>)
    %dma_start3A_39 = arith.constant 4 : i32
    %dma_start3A_40 = arith.constant 0 : i32
    %dma_start3A_41 = tpu.memref_slice %arg6[%dma_start3A_39, %dma_start3A_40] : memref<80x128xi32, #tpu.memory_space<vmem>> -> memref<1x128xi32, #tpu.memory_space<vmem>>
    %dma_start3A_42 = tpu.memref_squeeze %dma_start3A_41 : memref<1x128xi32, #tpu.memory_space<vmem>> -> memref<128xi32, #tpu.memory_space<vmem>>
    %dma_start3A_43 = arith.constant 0 : i32
    %dma_start3A_44 = arith.constant 0 : i32
    %dma_start3A_45 = tpu.memref_slice %arg2[%dma_start3A_43, %dma_start3A_44] : memref<10112x64xf32, #tpu.memory_space<hbm>> -> memref<10112x64xf32, #tpu.memory_space<hbm>>
    tpu.enqueue_indirect_dma source(%dma_start3A_45 : memref<10112x64xf32, #tpu.memory_space<hbm>>) target(%arg12 : memref<128x64xf32, #tpu.memory_space<vmem>>) offsets(%dma_start3A_42 : memref<128xi32, #tpu.memory_space<vmem>>) semaphore(%arg21 : memref<!tpu.dma_semaphore, #tpu.memory_space<semaphore_mem>>)
    %dma_start3A_46 = arith.constant 5 : i32
    %dma_start3A_47 = arith.constant 0 : i32
    %dma_start3A_48 = tpu.memref_slice %arg6[%dma_start3A_46, %dma_start3A_47] : memref<80x128xi32, #tpu.memory_space<vmem>> -> memref<1x128xi32, #tpu.memory_space<vmem>>
    %dma_start3A_49 = tpu.memref_squeeze %dma_start3A_48 : memref<1x128xi32, #tpu.memory_space<vmem>> -> memref<128xi32, #tpu.memory_space<vmem>>
    %dma_start3A_50 = arith.constant 0 : i32
    %dma_start3A_51 = arith.constant 0 : i32
    %dma_start3A_52 = tpu.memref_slice %arg2[%dma_start3A_50, %dma_start3A_51] : memref<10112x64xf32, #tpu.memory_space<hbm>> -> memref<10112x64xf32, #tpu.memory_space<hbm>>
    tpu.enqueue_indirect_dma source(%dma_start3A_52 : memref<10112x64xf32, #tpu.memory_space<hbm>>) target(%arg13 : memref<128x64xf32, #tpu.memory_space<vmem>>) offsets(%dma_start3A_49 : memref<128xi32, #tpu.memory_space<vmem>>) semaphore(%arg22 : memref<!tpu.dma_semaphore, #tpu.memory_space<semaphore_mem>>)
    %dma_start3A_53 = arith.constant 6 : i32
    %dma_start3A_54 = arith.constant 0 : i32
    %dma_start3A_55 = tpu.memref_slice %arg6[%dma_start3A_53, %dma_start3A_54] : memref<80x128xi32, #tpu.memory_space<vmem>> -> memref<1x128xi32, #tpu.memory_space<vmem>>
    %dma_start3A_56 = tpu.memref_squeeze %dma_start3A_55 : memref<1x128xi32, #tpu.memory_space<vmem>> -> memref<128xi32, #tpu.memory_space<vmem>>
    %dma_start3A_57 = arith.constant 0 : i32
    %dma_start3A_58 = arith.constant 0 : i32
    %dma_start3A_59 = tpu.memref_slice %arg2[%dma_start3A_57, %dma_start3A_58] : memref<10112x64xf32, #tpu.memory_space<hbm>> -> memref<10112x64xf32, #tpu.memory_space<hbm>>
    tpu.enqueue_indirect_dma source(%dma_start3A_59 : memref<10112x64xf32, #tpu.memory_space<hbm>>) target(%arg14 : memref<128x64xf32, #tpu.memory_space<vmem>>) offsets(%dma_start3A_56 : memref<128xi32, #tpu.memory_space<vmem>>) semaphore(%arg23 : memref<!tpu.dma_semaphore, #tpu.memory_space<semaphore_mem>>)
    %dma_start3A_60 = arith.constant 7 : i32
    %dma_start3A_61 = arith.constant 0 : i32
    %dma_start3A_62 = tpu.memref_slice %arg6[%dma_start3A_60, %dma_start3A_61] : memref<80x128xi32, #tpu.memory_space<vmem>> -> memref<1x128xi32, #tpu.memory_space<vmem>>
    %dma_start3A_63 = tpu.memref_squeeze %dma_start3A_62 : memref<1x128xi32, #tpu.memory_space<vmem>> -> memref<128xi32, #tpu.memory_space<vmem>>
    %dma_start3A_64 = arith.constant 0 : i32
    %dma_start3A_65 = arith.constant 0 : i32
    %dma_start3A_66 = tpu.memref_slice %arg2[%dma_start3A_64, %dma_start3A_65] : memref<10112x64xf32, #tpu.memory_space<hbm>> -> memref<10112x64xf32, #tpu.memory_space<hbm>>
    tpu.enqueue_indirect_dma source(%dma_start3A_66 : memref<10112x64xf32, #tpu.memory_space<hbm>>) target(%arg15 : memref<128x64xf32, #tpu.memory_space<vmem>>) offsets(%dma_start3A_63 : memref<128xi32, #tpu.memory_space<vmem>>) semaphore(%arg24 : memref<!tpu.dma_semaphore, #tpu.memory_space<semaphore_mem>>)
    %scan3A_67 = arith.constant 0 : i32
    %scan3A_68 = arith.constant 10 : i32
    %scan3A_69 = arith.addi %scan3A_67, %scan3A_68 : i32
    %scan3A_70 = arith.constant 1 : i32
    scf.for %scan3A_75 = %scan3A_67 to %scan3A_69 step %scan3A_70  : i32 {
      %mul3A_76 = arith.constant 8 : i32
      %mul3A_77 = arith.muli %scan3A_75, %mul3A_76 : i32
      %add3A_78 = arith.constant 0 : i32
      %add3A_79 = arith.addi %add3A_78, %mul3A_77 : i32
      %add3A_80 = arith.constant 0 : i32
      %add3A_81 = arith.addi %add3A_79, %add3A_80 : i32
      %dma_wait3A = arith.constant 0 : i32
      %dma_wait3A_82 = tpu.memref_slice %arg6[%add3A_81, %dma_wait3A] : memref<80x128xi32, #tpu.memory_space<vmem>> -> memref<1x128xi32, #tpu.memory_space<vmem>>
      %dma_wait3A_83 = tpu.memref_squeeze %dma_wait3A_82 : memref<1x128xi32, #tpu.memory_space<vmem>> -> memref<128xi32, #tpu.memory_space<vmem>>
      %dma_wait3A_84 = arith.constant 0 : i32
      %dma_wait3A_85 = arith.constant 0 : i32
      %dma_wait3A_86 = tpu.memref_slice %arg2[%dma_wait3A_84, %dma_wait3A_85] : memref<10112x64xf32, #tpu.memory_space<hbm>> -> memref<10112x64xf32, #tpu.memory_space<hbm>>
      tpu.wait_indirect_dma semaphore(%arg17 : memref<!tpu.dma_semaphore, #tpu.memory_space<semaphore_mem>>) src(%dma_wait3A_86 : memref<10112x64xf32, #tpu.memory_space<hbm>>) dst(%arg8 : memref<128x64xf32, #tpu.memory_space<vmem>>)
      %add3A_87 = arith.constant 0 : i32
      %add3A_88 = arith.addi %add3A_79, %add3A_87 : i32
      %dma_start3A_89 = arith.constant 0 : i32
      %dma_start3A_90 = tpu.memref_slice %arg7[%add3A_88, %dma_start3A_89] : memref<80x128xi32, #tpu.memory_space<vmem>> -> memref<1x128xi32, #tpu.memory_space<vmem>>
      %dma_start3A_91 = tpu.memref_squeeze %dma_start3A_90 : memref<1x128xi32, #tpu.memory_space<vmem>> -> memref<128xi32, #tpu.memory_space<vmem>>
      %dma_start3A_92 = arith.constant 0 : i32
      %dma_start3A_93 = arith.constant 0 : i32
      %dma_start3A_94 = tpu.memref_slice %arg16[%dma_start3A_92, %dma_start3A_93] : memref<10112x64xf32, #tpu.memory_space<vmem_shared>> -> memref<10112x64xf32, #tpu.memory_space<vmem_shared>>
      tpu.enqueue_indirect_dma source(%arg8 : memref<128x64xf32, #tpu.memory_space<vmem>>) target(%dma_start3A_94 : memref<10112x64xf32, #tpu.memory_space<vmem_shared>>) offsets(%dma_start3A_91 : memref<128xi32, #tpu.memory_space<vmem>>) semaphore(%arg25 : memref<!tpu.dma_semaphore, #tpu.memory_space<semaphore_mem>>) {add = true}
      %add3A_95 = arith.constant 1 : i32
      %add3A_96 = arith.addi %add3A_79, %add3A_95 : i32
      %dma_wait3A_97 = arith.constant 0 : i32
      %dma_wait3A_98 = tpu.memref_slice %arg6[%add3A_96, %dma_wait3A_97] : memref<80x128xi32, #tpu.memory_space<vmem>> -> memref<1x128xi32, #tpu.memory_space<vmem>>
      %dma_wait3A_99 = tpu.memref_squeeze %dma_wait3A_98 : memref<1x128xi32, #tpu.memory_space<vmem>> -> memref<128xi32, #tpu.memory_space<vmem>>
      %dma_wait3A_100 = arith.constant 0 : i32
      %dma_wait3A_101 = arith.constant 0 : i32
      %dma_wait3A_102 = tpu.memref_slice %arg2[%dma_wait3A_100, %dma_wait3A_101] : memref<10112x64xf32, #tpu.memory_space<hbm>> -> memref<10112x64xf32, #tpu.memory_space<hbm>>
      tpu.wait_indirect_dma semaphore(%arg18 : memref<!tpu.dma_semaphore, #tpu.memory_space<semaphore_mem>>) src(%dma_wait3A_102 : memref<10112x64xf32, #tpu.memory_space<hbm>>) dst(%arg9 : memref<128x64xf32, #tpu.memory_space<vmem>>)
      %add3A_103 = arith.constant 1 : i32
      %add3A_104 = arith.addi %add3A_79, %add3A_103 : i32
      %dma_start3A_105 = arith.constant 0 : i32
      %dma_start3A_106 = tpu.memref_slice %arg7[%add3A_104, %dma_start3A_105] : memref<80x128xi32, #tpu.memory_space<vmem>> -> memref<1x128xi32, #tpu.memory_space<vmem>>
      %dma_start3A_107 = tpu.memref_squeeze %dma_start3A_106 : memref<1x128xi32, #tpu.memory_space<vmem>> -> memref<128xi32, #tpu.memory_space<vmem>>
      %dma_start3A_108 = arith.constant 0 : i32
      %dma_start3A_109 = arith.constant 0 : i32
      %dma_start3A_110 = tpu.memref_slice %arg16[%dma_start3A_108, %dma_start3A_109] : memref<10112x64xf32, #tpu.memory_space<vmem_shared>> -> memref<10112x64xf32, #tpu.memory_space<vmem_shared>>
      tpu.enqueue_indirect_dma source(%arg9 : memref<128x64xf32, #tpu.memory_space<vmem>>) target(%dma_start3A_110 : memref<10112x64xf32, #tpu.memory_space<vmem_shared>>) offsets(%dma_start3A_107 : memref<128xi32, #tpu.memory_space<vmem>>) semaphore(%arg26 : memref<!tpu.dma_semaphore, #tpu.memory_space<semaphore_mem>>) {add = true}
      %add3A_111 = arith.constant 2 : i32
      %add3A_112 = arith.addi %add3A_79, %add3A_111 : i32
      %dma_wait3A_113 = arith.constant 0 : i32
      %dma_wait3A_114 = tpu.memref_slice %arg6[%add3A_112, %dma_wait3A_113] : memref<80x128xi32, #tpu.memory_space<vmem>> -> memref<1x128xi32, #tpu.memory_space<vmem>>
      %dma_wait3A_115 = tpu.memref_squeeze %dma_wait3A_114 : memref<1x128xi32, #tpu.memory_space<vmem>> -> memref<128xi32, #tpu.memory_space<vmem>>
      %dma_wait3A_116 = arith.constant 0 : i32
      %dma_wait3A_117 = arith.constant 0 : i32
      %dma_wait3A_118 = tpu.memref_slice %arg2[%dma_wait3A_116, %dma_wait3A_117] : memref<10112x64xf32, #tpu.memory_space<hbm>> -> memref<10112x64xf32, #tpu.memory_space<hbm>>
      tpu.wait_indirect_dma semaphore(%arg19 : memref<!tpu.dma_semaphore, #tpu.memory_space<semaphore_mem>>) src(%dma_wait3A_118 : memref<10112x64xf32, #tpu.memory_space<hbm>>) dst(%arg10 : memref<128x64xf32, #tpu.memory_space<vmem>>)
      %add3A_119 = arith.constant 2 : i32
      %add3A_120 = arith.addi %add3A_79, %add3A_119 : i32
      %dma_start3A_121 = arith.constant 0 : i32
      %dma_start3A_122 = tpu.memref_slice %arg7[%add3A_120, %dma_start3A_121] : memref<80x128xi32, #tpu.memory_space<vmem>> -> memref<1x128xi32, #tpu.memory_space<vmem>>
      %dma_start3A_123 = tpu.memref_squeeze %dma_start3A_122 : memref<1x128xi32, #tpu.memory_space<vmem>> -> memref<128xi32, #tpu.memory_space<vmem>>
      %dma_start3A_124 = arith.constant 0 : i32
      %dma_start3A_125 = arith.constant 0 : i32
      %dma_start3A_126 = tpu.memref_slice %arg16[%dma_start3A_124, %dma_start3A_125] : memref<10112x64xf32, #tpu.memory_space<vmem_shared>> -> memref<10112x64xf32, #tpu.memory_space<vmem_shared>>
      tpu.enqueue_indirect_dma source(%arg10 : memref<128x64xf32, #tpu.memory_space<vmem>>) target(%dma_start3A_126 : memref<10112x64xf32, #tpu.memory_space<vmem_shared>>) offsets(%dma_start3A_123 : memref<128xi32, #tpu.memory_space<vmem>>) semaphore(%arg27 : memref<!tpu.dma_semaphore, #tpu.memory_space<semaphore_mem>>) {add = true}
      %add3A_127 = arith.constant 3 : i32
      %add3A_128 = arith.addi %add3A_79, %add3A_127 : i32
      %dma_wait3A_129 = arith.constant 0 : i32
      %dma_wait3A_130 = tpu.memref_slice %arg6[%add3A_128, %dma_wait3A_129] : memref<80x128xi32, #tpu.memory_space<vmem>> -> memref<1x128xi32, #tpu.memory_space<vmem>>
      %dma_wait3A_131 = tpu.memref_squeeze %dma_wait3A_130 : memref<1x128xi32, #tpu.memory_space<vmem>> -> memref<128xi32, #tpu.memory_space<vmem>>
      %dma_wait3A_132 = arith.constant 0 : i32
      %dma_wait3A_133 = arith.constant 0 : i32
      %dma_wait3A_134 = tpu.memref_slice %arg2[%dma_wait3A_132, %dma_wait3A_133] : memref<10112x64xf32, #tpu.memory_space<hbm>> -> memref<10112x64xf32, #tpu.memory_space<hbm>>
      tpu.wait_indirect_dma semaphore(%arg20 : memref<!tpu.dma_semaphore, #tpu.memory_space<semaphore_mem>>) src(%dma_wait3A_134 : memref<10112x64xf32, #tpu.memory_space<hbm>>) dst(%arg11 : memref<128x64xf32, #tpu.memory_space<vmem>>)
      %add3A_135 = arith.constant 3 : i32
      %add3A_136 = arith.addi %add3A_79, %add3A_135 : i32
      %dma_start3A_137 = arith.constant 0 : i32
      %dma_start3A_138 = tpu.memref_slice %arg7[%add3A_136, %dma_start3A_137] : memref<80x128xi32, #tpu.memory_space<vmem>> -> memref<1x128xi32, #tpu.memory_space<vmem>>
      %dma_start3A_139 = tpu.memref_squeeze %dma_start3A_138 : memref<1x128xi32, #tpu.memory_space<vmem>> -> memref<128xi32, #tpu.memory_space<vmem>>
      %dma_start3A_140 = arith.constant 0 : i32
      %dma_start3A_141 = arith.constant 0 : i32
      %dma_start3A_142 = tpu.memref_slice %arg16[%dma_start3A_140, %dma_start3A_141] : memref<10112x64xf32, #tpu.memory_space<vmem_shared>> -> memref<10112x64xf32, #tpu.memory_space<vmem_shared>>
      tpu.enqueue_indirect_dma source(%arg11 : memref<128x64xf32, #tpu.memory_space<vmem>>) target(%dma_start3A_142 : memref<10112x64xf32, #tpu.memory_space<vmem_shared>>) offsets(%dma_start3A_139 : memref<128xi32, #tpu.memory_space<vmem>>) semaphore(%arg28 : memref<!tpu.dma_semaphore, #tpu.memory_space<semaphore_mem>>) {add = true}
      %add3A_143 = arith.constant 4 : i32
      %add3A_144 = arith.addi %add3A_79, %add3A_143 : i32
      %dma_wait3A_145 = arith.constant 0 : i32
      %dma_wait3A_146 = tpu.memref_slice %arg6[%add3A_144, %dma_wait3A_145] : memref<80x128xi32, #tpu.memory_space<vmem>> -> memref<1x128xi32, #tpu.memory_space<vmem>>
      %dma_wait3A_147 = tpu.memref_squeeze %dma_wait3A_146 : memref<1x128xi32, #tpu.memory_space<vmem>> -> memref<128xi32, #tpu.memory_space<vmem>>
      %dma_wait3A_148 = arith.constant 0 : i32
      %dma_wait3A_149 = arith.constant 0 : i32
      %dma_wait3A_150 = tpu.memref_slice %arg2[%dma_wait3A_148, %dma_wait3A_149] : memref<10112x64xf32, #tpu.memory_space<hbm>> -> memref<10112x64xf32, #tpu.memory_space<hbm>>
      tpu.wait_indirect_dma semaphore(%arg21 : memref<!tpu.dma_semaphore, #tpu.memory_space<semaphore_mem>>) src(%dma_wait3A_150 : memref<10112x64xf32, #tpu.memory_space<hbm>>) dst(%arg12 : memref<128x64xf32, #tpu.memory_space<vmem>>)
      %add3A_151 = arith.constant 4 : i32
      %add3A_152 = arith.addi %add3A_79, %add3A_151 : i32
      %dma_start3A_153 = arith.constant 0 : i32
      %dma_start3A_154 = tpu.memref_slice %arg7[%add3A_152, %dma_start3A_153] : memref<80x128xi32, #tpu.memory_space<vmem>> -> memref<1x128xi32, #tpu.memory_space<vmem>>
      %dma_start3A_155 = tpu.memref_squeeze %dma_start3A_154 : memref<1x128xi32, #tpu.memory_space<vmem>> -> memref<128xi32, #tpu.memory_space<vmem>>
      %dma_start3A_156 = arith.constant 0 : i32
      %dma_start3A_157 = arith.constant 0 : i32
      %dma_start3A_158 = tpu.memref_slice %arg16[%dma_start3A_156, %dma_start3A_157] : memref<10112x64xf32, #tpu.memory_space<vmem_shared>> -> memref<10112x64xf32, #tpu.memory_space<vmem_shared>>
      tpu.enqueue_indirect_dma source(%arg12 : memref<128x64xf32, #tpu.memory_space<vmem>>) target(%dma_start3A_158 : memref<10112x64xf32, #tpu.memory_space<vmem_shared>>) offsets(%dma_start3A_155 : memref<128xi32, #tpu.memory_space<vmem>>) semaphore(%arg29 : memref<!tpu.dma_semaphore, #tpu.memory_space<semaphore_mem>>) {add = true}
      %add3A_159 = arith.constant 5 : i32
      %add3A_160 = arith.addi %add3A_79, %add3A_159 : i32
      %dma_wait3A_161 = arith.constant 0 : i32
      %dma_wait3A_162 = tpu.memref_slice %arg6[%add3A_160, %dma_wait3A_161] : memref<80x128xi32, #tpu.memory_space<vmem>> -> memref<1x128xi32, #tpu.memory_space<vmem>>
      %dma_wait3A_163 = tpu.memref_squeeze %dma_wait3A_162 : memref<1x128xi32, #tpu.memory_space<vmem>> -> memref<128xi32, #tpu.memory_space<vmem>>
      %dma_wait3A_164 = arith.constant 0 : i32
      %dma_wait3A_165 = arith.constant 0 : i32
      %dma_wait3A_166 = tpu.memref_slice %arg2[%dma_wait3A_164, %dma_wait3A_165] : memref<10112x64xf32, #tpu.memory_space<hbm>> -> memref<10112x64xf32, #tpu.memory_space<hbm>>
      tpu.wait_indirect_dma semaphore(%arg22 : memref<!tpu.dma_semaphore, #tpu.memory_space<semaphore_mem>>) src(%dma_wait3A_166 : memref<10112x64xf32, #tpu.memory_space<hbm>>) dst(%arg13 : memref<128x64xf32, #tpu.memory_space<vmem>>)
      %add3A_167 = arith.constant 5 : i32
      %add3A_168 = arith.addi %add3A_79, %add3A_167 : i32
      %dma_start3A_169 = arith.constant 0 : i32
      %dma_start3A_170 = tpu.memref_slice %arg7[%add3A_168, %dma_start3A_169] : memref<80x128xi32, #tpu.memory_space<vmem>> -> memref<1x128xi32, #tpu.memory_space<vmem>>
      %dma_start3A_171 = tpu.memref_squeeze %dma_start3A_170 : memref<1x128xi32, #tpu.memory_space<vmem>> -> memref<128xi32, #tpu.memory_space<vmem>>
      %dma_start3A_172 = arith.constant 0 : i32
      %dma_start3A_173 = arith.constant 0 : i32
      %dma_start3A_174 = tpu.memref_slice %arg16[%dma_start3A_172, %dma_start3A_173] : memref<10112x64xf32, #tpu.memory_space<vmem_shared>> -> memref<10112x64xf32, #tpu.memory_space<vmem_shared>>
      tpu.enqueue_indirect_dma source(%arg13 : memref<128x64xf32, #tpu.memory_space<vmem>>) target(%dma_start3A_174 : memref<10112x64xf32, #tpu.memory_space<vmem_shared>>) offsets(%dma_start3A_171 : memref<128xi32, #tpu.memory_space<vmem>>) semaphore(%arg30 : memref<!tpu.dma_semaphore, #tpu.memory_space<semaphore_mem>>) {add = true}
      %add3A_175 = arith.constant 6 : i32
      %add3A_176 = arith.addi %add3A_79, %add3A_175 : i32
      %dma_wait3A_177 = arith.constant 0 : i32
      %dma_wait3A_178 = tpu.memref_slice %arg6[%add3A_176, %dma_wait3A_177] : memref<80x128xi32, #tpu.memory_space<vmem>> -> memref<1x128xi32, #tpu.memory_space<vmem>>
      %dma_wait3A_179 = tpu.memref_squeeze %dma_wait3A_178 : memref<1x128xi32, #tpu.memory_space<vmem>> -> memref<128xi32, #tpu.memory_space<vmem>>
      %dma_wait3A_180 = arith.constant 0 : i32
      %dma_wait3A_181 = arith.constant 0 : i32
      %dma_wait3A_182 = tpu.memref_slice %arg2[%dma_wait3A_180, %dma_wait3A_181] : memref<10112x64xf32, #tpu.memory_space<hbm>> -> memref<10112x64xf32, #tpu.memory_space<hbm>>
      tpu.wait_indirect_dma semaphore(%arg23 : memref<!tpu.dma_semaphore, #tpu.memory_space<semaphore_mem>>) src(%dma_wait3A_182 : memref<10112x64xf32, #tpu.memory_space<hbm>>) dst(%arg14 : memref<128x64xf32, #tpu.memory_space<vmem>>)
      %add3A_183 = arith.constant 6 : i32
      %add3A_184 = arith.addi %add3A_79, %add3A_183 : i32
      %dma_start3A_185 = arith.constant 0 : i32
      %dma_start3A_186 = tpu.memref_slice %arg7[%add3A_184, %dma_start3A_185] : memref<80x128xi32, #tpu.memory_space<vmem>> -> memref<1x128xi32, #tpu.memory_space<vmem>>
      %dma_start3A_187 = tpu.memref_squeeze %dma_start3A_186 : memref<1x128xi32, #tpu.memory_space<vmem>> -> memref<128xi32, #tpu.memory_space<vmem>>
      %dma_start3A_188 = arith.constant 0 : i32
      %dma_start3A_189 = arith.constant 0 : i32
      %dma_start3A_190 = tpu.memref_slice %arg16[%dma_start3A_188, %dma_start3A_189] : memref<10112x64xf32, #tpu.memory_space<vmem_shared>> -> memref<10112x64xf32, #tpu.memory_space<vmem_shared>>
      tpu.enqueue_indirect_dma source(%arg14 : memref<128x64xf32, #tpu.memory_space<vmem>>) target(%dma_start3A_190 : memref<10112x64xf32, #tpu.memory_space<vmem_shared>>) offsets(%dma_start3A_187 : memref<128xi32, #tpu.memory_space<vmem>>) semaphore(%arg31 : memref<!tpu.dma_semaphore, #tpu.memory_space<semaphore_mem>>) {add = true}
      %add3A_191 = arith.constant 7 : i32
      %add3A_192 = arith.addi %add3A_79, %add3A_191 : i32
      %dma_wait3A_193 = arith.constant 0 : i32
      %dma_wait3A_194 = tpu.memref_slice %arg6[%add3A_192, %dma_wait3A_193] : memref<80x128xi32, #tpu.memory_space<vmem>> -> memref<1x128xi32, #tpu.memory_space<vmem>>
      %dma_wait3A_195 = tpu.memref_squeeze %dma_wait3A_194 : memref<1x128xi32, #tpu.memory_space<vmem>> -> memref<128xi32, #tpu.memory_space<vmem>>
      %dma_wait3A_196 = arith.constant 0 : i32
      %dma_wait3A_197 = arith.constant 0 : i32
      %dma_wait3A_198 = tpu.memref_slice %arg2[%dma_wait3A_196, %dma_wait3A_197] : memref<10112x64xf32, #tpu.memory_space<hbm>> -> memref<10112x64xf32, #tpu.memory_space<hbm>>
      tpu.wait_indirect_dma semaphore(%arg24 : memref<!tpu.dma_semaphore, #tpu.memory_space<semaphore_mem>>) src(%dma_wait3A_198 : memref<10112x64xf32, #tpu.memory_space<hbm>>) dst(%arg15 : memref<128x64xf32, #tpu.memory_space<vmem>>)
      %add3A_199 = arith.constant 7 : i32
      %add3A_200 = arith.addi %add3A_79, %add3A_199 : i32
      %dma_start3A_201 = arith.constant 0 : i32
      %dma_start3A_202 = tpu.memref_slice %arg7[%add3A_200, %dma_start3A_201] : memref<80x128xi32, #tpu.memory_space<vmem>> -> memref<1x128xi32, #tpu.memory_space<vmem>>
      %dma_start3A_203 = tpu.memref_squeeze %dma_start3A_202 : memref<1x128xi32, #tpu.memory_space<vmem>> -> memref<128xi32, #tpu.memory_space<vmem>>
      %dma_start3A_204 = arith.constant 0 : i32
      %dma_start3A_205 = arith.constant 0 : i32
      %dma_start3A_206 = tpu.memref_slice %arg16[%dma_start3A_204, %dma_start3A_205] : memref<10112x64xf32, #tpu.memory_space<vmem_shared>> -> memref<10112x64xf32, #tpu.memory_space<vmem_shared>>
      tpu.enqueue_indirect_dma source(%arg15 : memref<128x64xf32, #tpu.memory_space<vmem>>) target(%dma_start3A_206 : memref<10112x64xf32, #tpu.memory_space<vmem_shared>>) offsets(%dma_start3A_203 : memref<128xi32, #tpu.memory_space<vmem>>) semaphore(%arg32 : memref<!tpu.dma_semaphore, #tpu.memory_space<semaphore_mem>>) {add = true}
      %add3A_207 = arith.constant 0 : i32
      %add3A_208 = arith.addi %add3A_79, %add3A_207 : i32
      %dma_wait3A_209 = arith.constant 0 : i32
      %dma_wait3A_210 = tpu.memref_slice %arg7[%add3A_208, %dma_wait3A_209] : memref<80x128xi32, #tpu.memory_space<vmem>> -> memref<1x128xi32, #tpu.memory_space<vmem>>
      %dma_wait3A_211 = tpu.memref_squeeze %dma_wait3A_210 : memref<1x128xi32, #tpu.memory_space<vmem>> -> memref<128xi32, #tpu.memory_space<vmem>>
      %dma_wait3A_212 = arith.constant 0 : i32
      %dma_wait3A_213 = arith.constant 0 : i32
      %dma_wait3A_214 = tpu.memref_slice %arg16[%dma_wait3A_212, %dma_wait3A_213] : memref<10112x64xf32, #tpu.memory_space<vmem_shared>> -> memref<10112x64xf32, #tpu.memory_space<vmem_shared>>
      tpu.wait_indirect_dma semaphore(%arg25 : memref<!tpu.dma_semaphore, #tpu.memory_space<semaphore_mem>>) src(%arg8 : memref<128x64xf32, #tpu.memory_space<vmem>>) dst(%dma_wait3A_214 : memref<10112x64xf32, #tpu.memory_space<vmem_shared>>)
      %add3A_215 = arith.constant 8 : i32
      %add3A_216 = arith.addi %add3A_79, %add3A_215 : i32
      %add3A_217 = arith.constant 0 : i32
      %add3A_218 = arith.addi %add3A_216, %add3A_217 : i32
      %lt3A = arith.constant 80 : i32
      %lt3A_219 = arith.cmpi slt, %add3A_218, %lt3A : i32
      %convert_element_type3A = arith.extui %lt3A_219 : i1 to i32
      %cond3A = arith.constant 0 : i32
      %cond3A_220 = arith.cmpi ne, %convert_element_type3A, %cond3A : i32
      scf.if %cond3A_220 {
        %add3A_340 = arith.constant 8 : i32
        %add3A_341 = arith.addi %add3A_79, %add3A_340 : i32
        %add3A_342 = arith.constant 0 : i32
        %add3A_343 = arith.addi %add3A_341, %add3A_342 : i32
        %dma_start3A_344 = arith.constant 0 : i32
        %dma_start3A_345 = tpu.memref_slice %arg6[%add3A_343, %dma_start3A_344] : memref<80x128xi32, #tpu.memory_space<vmem>> -> memref<1x128xi32, #tpu.memory_space<vmem>>
        %dma_start3A_346 = tpu.memref_squeeze %dma_start3A_345 : memref<1x128xi32, #tpu.memory_space<vmem>> -> memref<128xi32, #tpu.memory_space<vmem>>
        %dma_start3A_347 = arith.constant 0 : i32
        %dma_start3A_348 = arith.constant 0 : i32
        %dma_start3A_349 = tpu.memref_slice %arg2[%dma_start3A_347, %dma_start3A_348] : memref<10112x64xf32, #tpu.memory_space<hbm>> -> memref<10112x64xf32, #tpu.memory_space<hbm>>
        tpu.enqueue_indirect_dma source(%dma_start3A_349 : memref<10112x64xf32, #tpu.memory_space<hbm>>) target(%arg8 : memref<128x64xf32, #tpu.memory_space<vmem>>) offsets(%dma_start3A_346 : memref<128xi32, #tpu.memory_space<vmem>>) semaphore(%arg17 : memref<!tpu.dma_semaphore, #tpu.memory_space<semaphore_mem>>)
      } else {
      }
      %add3A_221 = arith.constant 1 : i32
      %add3A_222 = arith.addi %add3A_79, %add3A_221 : i32
      %dma_wait3A_223 = arith.constant 0 : i32
      %dma_wait3A_224 = tpu.memref_slice %arg7[%add3A_222, %dma_wait3A_223] : memref<80x128xi32, #tpu.memory_space<vmem>> -> memref<1x128xi32, #tpu.memory_space<vmem>>
      %dma_wait3A_225 = tpu.memref_squeeze %dma_wait3A_224 : memref<1x128xi32, #tpu.memory_space<vmem>> -> memref<128xi32, #tpu.memory_space<vmem>>
      %dma_wait3A_226 = arith.constant 0 : i32
      %dma_wait3A_227 = arith.constant 0 : i32
      %dma_wait3A_228 = tpu.memref_slice %arg16[%dma_wait3A_226, %dma_wait3A_227] : memref<10112x64xf32, #tpu.memory_space<vmem_shared>> -> memref<10112x64xf32, #tpu.memory_space<vmem_shared>>
      tpu.wait_indirect_dma semaphore(%arg26 : memref<!tpu.dma_semaphore, #tpu.memory_space<semaphore_mem>>) src(%arg9 : memref<128x64xf32, #tpu.memory_space<vmem>>) dst(%dma_wait3A_228 : memref<10112x64xf32, #tpu.memory_space<vmem_shared>>)
      %add3A_229 = arith.constant 8 : i32
      %add3A_230 = arith.addi %add3A_79, %add3A_229 : i32
      %add3A_231 = arith.constant 1 : i32
      %add3A_232 = arith.addi %add3A_230, %add3A_231 : i32
      %lt3A_233 = arith.constant 80 : i32
      %lt3A_234 = arith.cmpi slt, %add3A_232, %lt3A_233 : i32
      %convert_element_type3A_235 = arith.extui %lt3A_234 : i1 to i32
      %cond3A_236 = arith.constant 0 : i32
      %cond3A_237 = arith.cmpi ne, %convert_element_type3A_235, %cond3A_236 : i32
      scf.if %cond3A_237 {
        %add3A_340 = arith.constant 8 : i32
        %add3A_341 = arith.addi %add3A_79, %add3A_340 : i32
        %add3A_342 = arith.constant 1 : i32
        %add3A_343 = arith.addi %add3A_341, %add3A_342 : i32
        %dma_start3A_344 = arith.constant 0 : i32
        %dma_start3A_345 = tpu.memref_slice %arg6[%add3A_343, %dma_start3A_344] : memref<80x128xi32, #tpu.memory_space<vmem>> -> memref<1x128xi32, #tpu.memory_space<vmem>>
        %dma_start3A_346 = tpu.memref_squeeze %dma_start3A_345 : memref<1x128xi32, #tpu.memory_space<vmem>> -> memref<128xi32, #tpu.memory_space<vmem>>
        %dma_start3A_347 = arith.constant 0 : i32
        %dma_start3A_348 = arith.constant 0 : i32
        %dma_start3A_349 = tpu.memref_slice %arg2[%dma_start3A_347, %dma_start3A_348] : memref<10112x64xf32, #tpu.memory_space<hbm>> -> memref<10112x64xf32, #tpu.memory_space<hbm>>
        tpu.enqueue_indirect_dma source(%dma_start3A_349 : memref<10112x64xf32, #tpu.memory_space<hbm>>) target(%arg9 : memref<128x64xf32, #tpu.memory_space<vmem>>) offsets(%dma_start3A_346 : memref<128xi32, #tpu.memory_space<vmem>>) semaphore(%arg18 : memref<!tpu.dma_semaphore, #tpu.memory_space<semaphore_mem>>)
      } else {
      }
      %add3A_238 = arith.constant 2 : i32
      %add3A_239 = arith.addi %add3A_79, %add3A_238 : i32
      %dma_wait3A_240 = arith.constant 0 : i32
      %dma_wait3A_241 = tpu.memref_slice %arg7[%add3A_239, %dma_wait3A_240] : memref<80x128xi32, #tpu.memory_space<vmem>> -> memref<1x128xi32, #tpu.memory_space<vmem>>
      %dma_wait3A_242 = tpu.memref_squeeze %dma_wait3A_241 : memref<1x128xi32, #tpu.memory_space<vmem>> -> memref<128xi32, #tpu.memory_space<vmem>>
      %dma_wait3A_243 = arith.constant 0 : i32
      %dma_wait3A_244 = arith.constant 0 : i32
      %dma_wait3A_245 = tpu.memref_slice %arg16[%dma_wait3A_243, %dma_wait3A_244] : memref<10112x64xf32, #tpu.memory_space<vmem_shared>> -> memref<10112x64xf32, #tpu.memory_space<vmem_shared>>
      tpu.wait_indirect_dma semaphore(%arg27 : memref<!tpu.dma_semaphore, #tpu.memory_space<semaphore_mem>>) src(%arg10 : memref<128x64xf32, #tpu.memory_space<vmem>>) dst(%dma_wait3A_245 : memref<10112x64xf32, #tpu.memory_space<vmem_shared>>)
      %add3A_246 = arith.constant 8 : i32
      %add3A_247 = arith.addi %add3A_79, %add3A_246 : i32
      %add3A_248 = arith.constant 2 : i32
      %add3A_249 = arith.addi %add3A_247, %add3A_248 : i32
      %lt3A_250 = arith.constant 80 : i32
      %lt3A_251 = arith.cmpi slt, %add3A_249, %lt3A_250 : i32
      %convert_element_type3A_252 = arith.extui %lt3A_251 : i1 to i32
      %cond3A_253 = arith.constant 0 : i32
      %cond3A_254 = arith.cmpi ne, %convert_element_type3A_252, %cond3A_253 : i32
      scf.if %cond3A_254 {
        %add3A_340 = arith.constant 8 : i32
        %add3A_341 = arith.addi %add3A_79, %add3A_340 : i32
        %add3A_342 = arith.constant 2 : i32
        %add3A_343 = arith.addi %add3A_341, %add3A_342 : i32
        %dma_start3A_344 = arith.constant 0 : i32
        %dma_start3A_345 = tpu.memref_slice %arg6[%add3A_343, %dma_start3A_344] : memref<80x128xi32, #tpu.memory_space<vmem>> -> memref<1x128xi32, #tpu.memory_space<vmem>>
        %dma_start3A_346 = tpu.memref_squeeze %dma_start3A_345 : memref<1x128xi32, #tpu.memory_space<vmem>> -> memref<128xi32, #tpu.memory_space<vmem>>
        %dma_start3A_347 = arith.constant 0 : i32
        %dma_start3A_348 = arith.constant 0 : i32
        %dma_start3A_349 = tpu.memref_slice %arg2[%dma_start3A_347, %dma_start3A_348] : memref<10112x64xf32, #tpu.memory_space<hbm>> -> memref<10112x64xf32, #tpu.memory_space<hbm>>
        tpu.enqueue_indirect_dma source(%dma_start3A_349 : memref<10112x64xf32, #tpu.memory_space<hbm>>) target(%arg10 : memref<128x64xf32, #tpu.memory_space<vmem>>) offsets(%dma_start3A_346 : memref<128xi32, #tpu.memory_space<vmem>>) semaphore(%arg19 : memref<!tpu.dma_semaphore, #tpu.memory_space<semaphore_mem>>)
      } else {
      }
      %add3A_255 = arith.constant 3 : i32
      %add3A_256 = arith.addi %add3A_79, %add3A_255 : i32
      %dma_wait3A_257 = arith.constant 0 : i32
      %dma_wait3A_258 = tpu.memref_slice %arg7[%add3A_256, %dma_wait3A_257] : memref<80x128xi32, #tpu.memory_space<vmem>> -> memref<1x128xi32, #tpu.memory_space<vmem>>
      %dma_wait3A_259 = tpu.memref_squeeze %dma_wait3A_258 : memref<1x128xi32, #tpu.memory_space<vmem>> -> memref<128xi32, #tpu.memory_space<vmem>>
      %dma_wait3A_260 = arith.constant 0 : i32
      %dma_wait3A_261 = arith.constant 0 : i32
      %dma_wait3A_262 = tpu.memref_slice %arg16[%dma_wait3A_260, %dma_wait3A_261] : memref<10112x64xf32, #tpu.memory_space<vmem_shared>> -> memref<10112x64xf32, #tpu.memory_space<vmem_shared>>
      tpu.wait_indirect_dma semaphore(%arg28 : memref<!tpu.dma_semaphore, #tpu.memory_space<semaphore_mem>>) src(%arg11 : memref<128x64xf32, #tpu.memory_space<vmem>>) dst(%dma_wait3A_262 : memref<10112x64xf32, #tpu.memory_space<vmem_shared>>)
      %add3A_263 = arith.constant 8 : i32
      %add3A_264 = arith.addi %add3A_79, %add3A_263 : i32
      %add3A_265 = arith.constant 3 : i32
      %add3A_266 = arith.addi %add3A_264, %add3A_265 : i32
      %lt3A_267 = arith.constant 80 : i32
      %lt3A_268 = arith.cmpi slt, %add3A_266, %lt3A_267 : i32
      %convert_element_type3A_269 = arith.extui %lt3A_268 : i1 to i32
      %cond3A_270 = arith.constant 0 : i32
      %cond3A_271 = arith.cmpi ne, %convert_element_type3A_269, %cond3A_270 : i32
      scf.if %cond3A_271 {
        %add3A_340 = arith.constant 8 : i32
        %add3A_341 = arith.addi %add3A_79, %add3A_340 : i32
        %add3A_342 = arith.constant 3 : i32
        %add3A_343 = arith.addi %add3A_341, %add3A_342 : i32
        %dma_start3A_344 = arith.constant 0 : i32
        %dma_start3A_345 = tpu.memref_slice %arg6[%add3A_343, %dma_start3A_344] : memref<80x128xi32, #tpu.memory_space<vmem>> -> memref<1x128xi32, #tpu.memory_space<vmem>>
        %dma_start3A_346 = tpu.memref_squeeze %dma_start3A_345 : memref<1x128xi32, #tpu.memory_space<vmem>> -> memref<128xi32, #tpu.memory_space<vmem>>
        %dma_start3A_347 = arith.constant 0 : i32
        %dma_start3A_348 = arith.constant 0 : i32
        %dma_start3A_349 = tpu.memref_slice %arg2[%dma_start3A_347, %dma_start3A_348] : memref<10112x64xf32, #tpu.memory_space<hbm>> -> memref<10112x64xf32, #tpu.memory_space<hbm>>
        tpu.enqueue_indirect_dma source(%dma_start3A_349 : memref<10112x64xf32, #tpu.memory_space<hbm>>) target(%arg11 : memref<128x64xf32, #tpu.memory_space<vmem>>) offsets(%dma_start3A_346 : memref<128xi32, #tpu.memory_space<vmem>>) semaphore(%arg20 : memref<!tpu.dma_semaphore, #tpu.memory_space<semaphore_mem>>)
      } else {
      }
      %add3A_272 = arith.constant 4 : i32
      %add3A_273 = arith.addi %add3A_79, %add3A_272 : i32
      %dma_wait3A_274 = arith.constant 0 : i32
      %dma_wait3A_275 = tpu.memref_slice %arg7[%add3A_273, %dma_wait3A_274] : memref<80x128xi32, #tpu.memory_space<vmem>> -> memref<1x128xi32, #tpu.memory_space<vmem>>
      %dma_wait3A_276 = tpu.memref_squeeze %dma_wait3A_275 : memref<1x128xi32, #tpu.memory_space<vmem>> -> memref<128xi32, #tpu.memory_space<vmem>>
      %dma_wait3A_277 = arith.constant 0 : i32
      %dma_wait3A_278 = arith.constant 0 : i32
      %dma_wait3A_279 = tpu.memref_slice %arg16[%dma_wait3A_277, %dma_wait3A_278] : memref<10112x64xf32, #tpu.memory_space<vmem_shared>> -> memref<10112x64xf32, #tpu.memory_space<vmem_shared>>
      tpu.wait_indirect_dma semaphore(%arg29 : memref<!tpu.dma_semaphore, #tpu.memory_space<semaphore_mem>>) src(%arg12 : memref<128x64xf32, #tpu.memory_space<vmem>>) dst(%dma_wait3A_279 : memref<10112x64xf32, #tpu.memory_space<vmem_shared>>)
      %add3A_280 = arith.constant 8 : i32
      %add3A_281 = arith.addi %add3A_79, %add3A_280 : i32
      %add3A_282 = arith.constant 4 : i32
      %add3A_283 = arith.addi %add3A_281, %add3A_282 : i32
      %lt3A_284 = arith.constant 80 : i32
      %lt3A_285 = arith.cmpi slt, %add3A_283, %lt3A_284 : i32
      %convert_element_type3A_286 = arith.extui %lt3A_285 : i1 to i32
      %cond3A_287 = arith.constant 0 : i32
      %cond3A_288 = arith.cmpi ne, %convert_element_type3A_286, %cond3A_287 : i32
      scf.if %cond3A_288 {
        %add3A_340 = arith.constant 8 : i32
        %add3A_341 = arith.addi %add3A_79, %add3A_340 : i32
        %add3A_342 = arith.constant 4 : i32
        %add3A_343 = arith.addi %add3A_341, %add3A_342 : i32
        %dma_start3A_344 = arith.constant 0 : i32
        %dma_start3A_345 = tpu.memref_slice %arg6[%add3A_343, %dma_start3A_344] : memref<80x128xi32, #tpu.memory_space<vmem>> -> memref<1x128xi32, #tpu.memory_space<vmem>>
        %dma_start3A_346 = tpu.memref_squeeze %dma_start3A_345 : memref<1x128xi32, #tpu.memory_space<vmem>> -> memref<128xi32, #tpu.memory_space<vmem>>
        %dma_start3A_347 = arith.constant 0 : i32
        %dma_start3A_348 = arith.constant 0 : i32
        %dma_start3A_349 = tpu.memref_slice %arg2[%dma_start3A_347, %dma_start3A_348] : memref<10112x64xf32, #tpu.memory_space<hbm>> -> memref<10112x64xf32, #tpu.memory_space<hbm>>
        tpu.enqueue_indirect_dma source(%dma_start3A_349 : memref<10112x64xf32, #tpu.memory_space<hbm>>) target(%arg12 : memref<128x64xf32, #tpu.memory_space<vmem>>) offsets(%dma_start3A_346 : memref<128xi32, #tpu.memory_space<vmem>>) semaphore(%arg21 : memref<!tpu.dma_semaphore, #tpu.memory_space<semaphore_mem>>)
      } else {
      }
      %add3A_289 = arith.constant 5 : i32
      %add3A_290 = arith.addi %add3A_79, %add3A_289 : i32
      %dma_wait3A_291 = arith.constant 0 : i32
      %dma_wait3A_292 = tpu.memref_slice %arg7[%add3A_290, %dma_wait3A_291] : memref<80x128xi32, #tpu.memory_space<vmem>> -> memref<1x128xi32, #tpu.memory_space<vmem>>
      %dma_wait3A_293 = tpu.memref_squeeze %dma_wait3A_292 : memref<1x128xi32, #tpu.memory_space<vmem>> -> memref<128xi32, #tpu.memory_space<vmem>>
      %dma_wait3A_294 = arith.constant 0 : i32
      %dma_wait3A_295 = arith.constant 0 : i32
      %dma_wait3A_296 = tpu.memref_slice %arg16[%dma_wait3A_294, %dma_wait3A_295] : memref<10112x64xf32, #tpu.memory_space<vmem_shared>> -> memref<10112x64xf32, #tpu.memory_space<vmem_shared>>
      tpu.wait_indirect_dma semaphore(%arg30 : memref<!tpu.dma_semaphore, #tpu.memory_space<semaphore_mem>>) src(%arg13 : memref<128x64xf32, #tpu.memory_space<vmem>>) dst(%dma_wait3A_296 : memref<10112x64xf32, #tpu.memory_space<vmem_shared>>)
      %add3A_297 = arith.constant 8 : i32
      %add3A_298 = arith.addi %add3A_79, %add3A_297 : i32
      %add3A_299 = arith.constant 5 : i32
      %add3A_300 = arith.addi %add3A_298, %add3A_299 : i32
      %lt3A_301 = arith.constant 80 : i32
      %lt3A_302 = arith.cmpi slt, %add3A_300, %lt3A_301 : i32
      %convert_element_type3A_303 = arith.extui %lt3A_302 : i1 to i32
      %cond3A_304 = arith.constant 0 : i32
      %cond3A_305 = arith.cmpi ne, %convert_element_type3A_303, %cond3A_304 : i32
      scf.if %cond3A_305 {
        %add3A_340 = arith.constant 8 : i32
        %add3A_341 = arith.addi %add3A_79, %add3A_340 : i32
        %add3A_342 = arith.constant 5 : i32
        %add3A_343 = arith.addi %add3A_341, %add3A_342 : i32
        %dma_start3A_344 = arith.constant 0 : i32
        %dma_start3A_345 = tpu.memref_slice %arg6[%add3A_343, %dma_start3A_344] : memref<80x128xi32, #tpu.memory_space<vmem>> -> memref<1x128xi32, #tpu.memory_space<vmem>>
        %dma_start3A_346 = tpu.memref_squeeze %dma_start3A_345 : memref<1x128xi32, #tpu.memory_space<vmem>> -> memref<128xi32, #tpu.memory_space<vmem>>
        %dma_start3A_347 = arith.constant 0 : i32
        %dma_start3A_348 = arith.constant 0 : i32
        %dma_start3A_349 = tpu.memref_slice %arg2[%dma_start3A_347, %dma_start3A_348] : memref<10112x64xf32, #tpu.memory_space<hbm>> -> memref<10112x64xf32, #tpu.memory_space<hbm>>
        tpu.enqueue_indirect_dma source(%dma_start3A_349 : memref<10112x64xf32, #tpu.memory_space<hbm>>) target(%arg13 : memref<128x64xf32, #tpu.memory_space<vmem>>) offsets(%dma_start3A_346 : memref<128xi32, #tpu.memory_space<vmem>>) semaphore(%arg22 : memref<!tpu.dma_semaphore, #tpu.memory_space<semaphore_mem>>)
      } else {
      }
      %add3A_306 = arith.constant 6 : i32
      %add3A_307 = arith.addi %add3A_79, %add3A_306 : i32
      %dma_wait3A_308 = arith.constant 0 : i32
      %dma_wait3A_309 = tpu.memref_slice %arg7[%add3A_307, %dma_wait3A_308] : memref<80x128xi32, #tpu.memory_space<vmem>> -> memref<1x128xi32, #tpu.memory_space<vmem>>
      %dma_wait3A_310 = tpu.memref_squeeze %dma_wait3A_309 : memref<1x128xi32, #tpu.memory_space<vmem>> -> memref<128xi32, #tpu.memory_space<vmem>>
      %dma_wait3A_311 = arith.constant 0 : i32
      %dma_wait3A_312 = arith.constant 0 : i32
      %dma_wait3A_313 = tpu.memref_slice %arg16[%dma_wait3A_311, %dma_wait3A_312] : memref<10112x64xf32, #tpu.memory_space<vmem_shared>> -> memref<10112x64xf32, #tpu.memory_space<vmem_shared>>
      tpu.wait_indirect_dma semaphore(%arg31 : memref<!tpu.dma_semaphore, #tpu.memory_space<semaphore_mem>>) src(%arg14 : memref<128x64xf32, #tpu.memory_space<vmem>>) dst(%dma_wait3A_313 : memref<10112x64xf32, #tpu.memory_space<vmem_shared>>)
      %add3A_314 = arith.constant 8 : i32
      %add3A_315 = arith.addi %add3A_79, %add3A_314 : i32
      %add3A_316 = arith.constant 6 : i32
      %add3A_317 = arith.addi %add3A_315, %add3A_316 : i32
      %lt3A_318 = arith.constant 80 : i32
      %lt3A_319 = arith.cmpi slt, %add3A_317, %lt3A_318 : i32
      %convert_element_type3A_320 = arith.extui %lt3A_319 : i1 to i32
      %cond3A_321 = arith.constant 0 : i32
      %cond3A_322 = arith.cmpi ne, %convert_element_type3A_320, %cond3A_321 : i32
      scf.if %cond3A_322 {
        %add3A_340 = arith.constant 8 : i32
        %add3A_341 = arith.addi %add3A_79, %add3A_340 : i32
        %add3A_342 = arith.constant 6 : i32
        %add3A_343 = arith.addi %add3A_341, %add3A_342 : i32
        %dma_start3A_344 = arith.constant 0 : i32
        %dma_start3A_345 = tpu.memref_slice %arg6[%add3A_343, %dma_start3A_344] : memref<80x128xi32, #tpu.memory_space<vmem>> -> memref<1x128xi32, #tpu.memory_space<vmem>>
        %dma_start3A_346 = tpu.memref_squeeze %dma_start3A_345 : memref<1x128xi32, #tpu.memory_space<vmem>> -> memref<128xi32, #tpu.memory_space<vmem>>
        %dma_start3A_347 = arith.constant 0 : i32
        %dma_start3A_348 = arith.constant 0 : i32
        %dma_start3A_349 = tpu.memref_slice %arg2[%dma_start3A_347, %dma_start3A_348] : memref<10112x64xf32, #tpu.memory_space<hbm>> -> memref<10112x64xf32, #tpu.memory_space<hbm>>
        tpu.enqueue_indirect_dma source(%dma_start3A_349 : memref<10112x64xf32, #tpu.memory_space<hbm>>) target(%arg14 : memref<128x64xf32, #tpu.memory_space<vmem>>) offsets(%dma_start3A_346 : memref<128xi32, #tpu.memory_space<vmem>>) semaphore(%arg23 : memref<!tpu.dma_semaphore, #tpu.memory_space<semaphore_mem>>)
      } else {
      }
      %add3A_323 = arith.constant 7 : i32
      %add3A_324 = arith.addi %add3A_79, %add3A_323 : i32
      %dma_wait3A_325 = arith.constant 0 : i32
      %dma_wait3A_326 = tpu.memref_slice %arg7[%add3A_324, %dma_wait3A_325] : memref<80x128xi32, #tpu.memory_space<vmem>> -> memref<1x128xi32, #tpu.memory_space<vmem>>
      %dma_wait3A_327 = tpu.memref_squeeze %dma_wait3A_326 : memref<1x128xi32, #tpu.memory_space<vmem>> -> memref<128xi32, #tpu.memory_space<vmem>>
      %dma_wait3A_328 = arith.constant 0 : i32
      %dma_wait3A_329 = arith.constant 0 : i32
      %dma_wait3A_330 = tpu.memref_slice %arg16[%dma_wait3A_328, %dma_wait3A_329] : memref<10112x64xf32, #tpu.memory_space<vmem_shared>> -> memref<10112x64xf32, #tpu.memory_space<vmem_shared>>
      tpu.wait_indirect_dma semaphore(%arg32 : memref<!tpu.dma_semaphore, #tpu.memory_space<semaphore_mem>>) src(%arg15 : memref<128x64xf32, #tpu.memory_space<vmem>>) dst(%dma_wait3A_330 : memref<10112x64xf32, #tpu.memory_space<vmem_shared>>)
      %add3A_331 = arith.constant 8 : i32
      %add3A_332 = arith.addi %add3A_79, %add3A_331 : i32
      %add3A_333 = arith.constant 7 : i32
      %add3A_334 = arith.addi %add3A_332, %add3A_333 : i32
      %lt3A_335 = arith.constant 80 : i32
      %lt3A_336 = arith.cmpi slt, %add3A_334, %lt3A_335 : i32
      %convert_element_type3A_337 = arith.extui %lt3A_336 : i1 to i32
      %cond3A_338 = arith.constant 0 : i32
      %cond3A_339 = arith.cmpi ne, %convert_element_type3A_337, %cond3A_338 : i32
      scf.if %cond3A_339 {
        %add3A_340 = arith.constant 8 : i32
        %add3A_341 = arith.addi %add3A_79, %add3A_340 : i32
        %add3A_342 = arith.constant 7 : i32
        %add3A_343 = arith.addi %add3A_341, %add3A_342 : i32
        %dma_start3A_344 = arith.constant 0 : i32
        %dma_start3A_345 = tpu.memref_slice %arg6[%add3A_343, %dma_start3A_344] : memref<80x128xi32, #tpu.memory_space<vmem>> -> memref<1x128xi32, #tpu.memory_space<vmem>>
        %dma_start3A_346 = tpu.memref_squeeze %dma_start3A_345 : memref<1x128xi32, #tpu.memory_space<vmem>> -> memref<128xi32, #tpu.memory_space<vmem>>
        %dma_start3A_347 = arith.constant 0 : i32
        %dma_start3A_348 = arith.constant 0 : i32
        %dma_start3A_349 = tpu.memref_slice %arg2[%dma_start3A_347, %dma_start3A_348] : memref<10112x64xf32, #tpu.memory_space<hbm>> -> memref<10112x64xf32, #tpu.memory_space<hbm>>
        tpu.enqueue_indirect_dma source(%dma_start3A_349 : memref<10112x64xf32, #tpu.memory_space<hbm>>) target(%arg15 : memref<128x64xf32, #tpu.memory_space<vmem>>) offsets(%dma_start3A_346 : memref<128xi32, #tpu.memory_space<vmem>>) semaphore(%arg24 : memref<!tpu.dma_semaphore, #tpu.memory_space<semaphore_mem>>)
      } else {
      }
    }
    %scan3A_71 = arith.constant 10 : i32
    %barrier3A_72 = arith.constant 0 : index
    tpu.barrier barrier_id(%barrier3A_72)
    %mul3A_73 = arith.constant 632 : i32
    %mul3A_74 = arith.muli %arg1, %mul3A_73 : i32
    "tpu.region"() ({
      %run_scoped3A = tpu.sem_alloc : memref<!tpu.dma_semaphore, #tpu.memory_space<semaphore_mem>>
      %dma_start3A_75 = arith.constant 0 : i32
      %dma_start3A_76 = tpu.memref_slice %arg5[%arg0, %mul3A_74, %dma_start3A_75] : memref<2x10112x64xf32, #tpu.memory_space<hbm>> -> memref<1x632x64xf32, #tpu.memory_space<hbm>>
      %dma_start3A_77 = tpu.memref_squeeze %dma_start3A_76 : memref<1x632x64xf32, #tpu.memory_space<hbm>> -> memref<632x64xf32, #tpu.memory_space<hbm>>
      %dma_start3A_78 = arith.constant 0 : i32
      %dma_start3A_79 = tpu.memref_slice %arg16[%mul3A_74, %dma_start3A_78] : memref<10112x64xf32, #tpu.memory_space<vmem_shared>> -> memref<632x64xf32, #tpu.memory_space<vmem_shared>>
      tpu.enqueue_dma source(%dma_start3A_79 : memref<632x64xf32, #tpu.memory_space<vmem_shared>>) target(%dma_start3A_77 : memref<632x64xf32, #tpu.memory_space<hbm>>) target_semaphore(%run_scoped3A : memref<!tpu.dma_semaphore, #tpu.memory_space<semaphore_mem>>)
      %dma_wait3A = arith.constant 0 : i32
      %dma_wait3A_80 = tpu.memref_slice %arg5[%arg0, %mul3A_74, %dma_wait3A] : memref<2x10112x64xf32, #tpu.memory_space<hbm>> -> memref<1x632x64xf32, #tpu.memory_space<hbm>>
      %dma_wait3A_81 = tpu.memref_squeeze %dma_wait3A_80 : memref<1x632x64xf32, #tpu.memory_space<hbm>> -> memref<632x64xf32, #tpu.memory_space<hbm>>
      %dma_wait3A_82 = arith.constant 0 : i32
      %dma_wait3A_83 = tpu.memref_slice %arg16[%mul3A_74, %dma_wait3A_82] : memref<10112x64xf32, #tpu.memory_space<vmem_shared>> -> memref<632x64xf32, #tpu.memory_space<vmem_shared>>
      tpu.wait_dma2 semaphore(%run_scoped3A : memref<!tpu.dma_semaphore, #tpu.memory_space<semaphore_mem>>) src(%dma_wait3A_83 : memref<632x64xf32, #tpu.memory_space<vmem_shared>>) dst(%dma_wait3A_81 : memref<632x64xf32, #tpu.memory_space<hbm>>)
      tpu.yield
    }) : () -> ()
    return
  }
}

module attributes {stable_mosaic.version = 14 : i64} {
  func.func @_tc1_body(%arg0: memref<10000x128xf32, #tpu.memory_space<vmem>>, %arg1: memref<128x64xf32, #tpu.memory_space<vmem>>, %arg2: memref<2x10112x8xf32, #tpu.memory_space<vmem>>, %arg3: memref<10112x64xf32, #tpu.memory_space<vmem>>) attributes {dimension_semantics = [], scalar_prefetch = 0 : i64, scratch_operands = 0 : i64, tpu.core_type = #tpu.core_type<tc>} {
    %get3A = arith.constant 0 : index
    %get3A_0 = arith.constant 0 : index
    %get3A_1 = arith.constant 0 : index
    %get3A_2 = vector.load %arg2[%get3A, %get3A_0, %get3A_1] : memref<2x10112x8xf32, #tpu.memory_space<vmem>>, vector<2x10112x8xf32>
    %slice3A = vector.extract_strided_slice %get3A_2 {offsets = [0, 0, 0], sizes = [1, 10112, 8], strides = [1, 1, 1]} : vector<2x10112x8xf32> to vector<1x10112x8xf32>
    %squeeze3A = vector.shape_cast %slice3A : vector<1x10112x8xf32> to vector<10112x8xf32>
    %slice3A_3 = vector.extract_strided_slice %get3A_2 {offsets = [1, 0, 0], sizes = [1, 10112, 8], strides = [1, 1, 1]} : vector<2x10112x8xf32> to vector<1x10112x8xf32>
    %squeeze3A_4 = vector.shape_cast %slice3A_3 : vector<1x10112x8xf32> to vector<10112x8xf32>
    %add3A = arith.addf %squeeze3A, %squeeze3A_4 : vector<10112x8xf32>
    %gt3A = arith.constant 0.000000e+00 : f32
    %gt3A_5 = vector.broadcast %gt3A : f32 to vector<10112x8xf32>
    %gt3A_6 = arith.cmpf ogt, %add3A, %gt3A_5 : vector<10112x8xf32>
    %max3A = arith.constant 9.99999996E-13 : f32
    %max3A_7 = vector.broadcast %max3A : f32 to vector<10112x8xf32>
    %max3A_8 = arith.maximumf %add3A, %max3A_7 : vector<10112x8xf32>
    %rsqrt3A = math.rsqrt %max3A_8 : vector<10112x8xf32>
    %jit3A = arith.constant 0.000000e+00 : f32
    %broadcast_in_dim3A = vector.broadcast %jit3A : f32 to vector<10112x8xf32>
    %select_n3A = arith.select %gt3A_6, %rsqrt3A, %broadcast_in_dim3A : vector<10112x8xi1>, vector<10112x8xf32>
    %slice3A_9 = vector.extract_strided_slice %select_n3A {offsets = [0, 0], sizes = [10112, 1], strides = [1, 1]} : vector<10112x8xf32> to vector<10112x1xf32>
    %get3A_10 = arith.constant 0 : index
    %get3A_11 = arith.constant 0 : index
    %get3A_12 = vector.load %arg0[%get3A_10, %get3A_11] : memref<10000x128xf32, #tpu.memory_space<vmem>>, vector<10000x128xf32>
    %get3A_13 = arith.constant 0 : index
    %get3A_14 = arith.constant 0 : index
    %get3A_15 = vector.load %arg1[%get3A_13, %get3A_14] : memref<128x64xf32, #tpu.memory_space<vmem>>, vector<128x64xf32>
    %dot_general3A = arith.constant dense<0.000000e+00> : vector<10000x64xf32>
    %dot_general3A_16 = tpu.matmul %get3A_12, %get3A_15, %dot_general3A {dimension_numbers = #tpu.dot_dimension_numbers<[1], [0], [0], [1], [0, 0, 1, 1], [], []>, transpose_lhs_hint = false} : vector<10000x128xf32>, vector<128x64xf32>, vector<10000x64xf32> -> vector<10000x64xf32>
    %broadcast_in_dim3A_17 = arith.constant 0.000000e+00 : f32
    %broadcast_in_dim3A_18 = vector.broadcast %broadcast_in_dim3A_17 : f32 to vector<112x64xf32>
    %concatenate3A = tpu.concatenate %dot_general3A_16, %broadcast_in_dim3A_18 in 0 : vector<10000x64xf32>, vector<112x64xf32> -> vector<10112x64xf32>
    %mul3A = vector.broadcast %slice3A_9 : vector<10112x1xf32> to vector<10112x64xf32>
    %mul3A_19 = arith.mulf %concatenate3A, %mul3A : vector<10112x64xf32>
    %swap3A = arith.constant 0 : index
    %swap3A_20 = arith.constant 0 : index
    %swap3A_21 = vector.load %arg3[%swap3A, %swap3A_20] : memref<10112x64xf32, #tpu.memory_space<vmem>>, vector<10112x64xf32>
    tpu.vector_store %arg3[%swap3A, %swap3A_20], %mul3A_19 {strides = array<i32>} : memref<10112x64xf32, #tpu.memory_space<vmem>>, vector<10112x64xf32>,
    return
  }
}

module attributes {stable_mosaic.version = 14 : i64} {
  func.func @_tc2_body(%arg0: memref<2x10112x64xf32, #tpu.memory_space<vmem>>, %arg1: memref<2x10112x8xf32, #tpu.memory_space<vmem>>, %arg2: memref<1x64xf32, #tpu.memory_space<vmem>>, %arg3: memref<64x64xf32, #tpu.memory_space<vmem>>, %arg4: memref<10112x64xf32, #tpu.memory_space<vmem>>) attributes {dimension_semantics = [], scalar_prefetch = 0 : i64, scratch_operands = 0 : i64, tpu.core_type = #tpu.core_type<tc>} {
    %get3A = arith.constant 0 : index
    %get3A_0 = arith.constant 0 : index
    %get3A_1 = arith.constant 0 : index
    %get3A_2 = vector.load %arg1[%get3A, %get3A_0, %get3A_1] : memref<2x10112x8xf32, #tpu.memory_space<vmem>>, vector<2x10112x8xf32>
    %slice3A = vector.extract_strided_slice %get3A_2 {offsets = [0, 0, 0], sizes = [1, 10112, 8], strides = [1, 1, 1]} : vector<2x10112x8xf32> to vector<1x10112x8xf32>
    %squeeze3A = vector.shape_cast %slice3A : vector<1x10112x8xf32> to vector<10112x8xf32>
    %slice3A_3 = vector.extract_strided_slice %get3A_2 {offsets = [1, 0, 0], sizes = [1, 10112, 8], strides = [1, 1, 1]} : vector<2x10112x8xf32> to vector<1x10112x8xf32>
    %squeeze3A_4 = vector.shape_cast %slice3A_3 : vector<1x10112x8xf32> to vector<10112x8xf32>
    %add3A = arith.addf %squeeze3A, %squeeze3A_4 : vector<10112x8xf32>
    %gt3A = arith.constant 0.000000e+00 : f32
    %gt3A_5 = vector.broadcast %gt3A : f32 to vector<10112x8xf32>
    %gt3A_6 = arith.cmpf ogt, %add3A, %gt3A_5 : vector<10112x8xf32>
    %max3A = arith.constant 9.99999996E-13 : f32
    %max3A_7 = vector.broadcast %max3A : f32 to vector<10112x8xf32>
    %max3A_8 = arith.maximumf %add3A, %max3A_7 : vector<10112x8xf32>
    %rsqrt3A = math.rsqrt %max3A_8 : vector<10112x8xf32>
    %jit3A = arith.constant 0.000000e+00 : f32
    %broadcast_in_dim3A = vector.broadcast %jit3A : f32 to vector<10112x8xf32>
    %select_n3A = arith.select %gt3A_6, %rsqrt3A, %broadcast_in_dim3A : vector<10112x8xi1>, vector<10112x8xf32>
    %slice3A_9 = vector.extract_strided_slice %select_n3A {offsets = [0, 0], sizes = [10112, 1], strides = [1, 1]} : vector<10112x8xf32> to vector<10112x1xf32>
    %get3A_10 = arith.constant 0 : index
    %get3A_11 = arith.constant 0 : index
    %get3A_12 = arith.constant 0 : index
    %get3A_13 = vector.load %arg0[%get3A_10, %get3A_11, %get3A_12] : memref<2x10112x64xf32, #tpu.memory_space<vmem>>, vector<2x10112x64xf32>
    %slice3A_14 = vector.extract_strided_slice %get3A_13 {offsets = [0, 0, 0], sizes = [1, 10112, 64], strides = [1, 1, 1]} : vector<2x10112x64xf32> to vector<1x10112x64xf32>
    %squeeze3A_15 = vector.shape_cast %slice3A_14 : vector<1x10112x64xf32> to vector<10112x64xf32>
    %slice3A_16 = vector.extract_strided_slice %get3A_13 {offsets = [1, 0, 0], sizes = [1, 10112, 64], strides = [1, 1, 1]} : vector<2x10112x64xf32> to vector<1x10112x64xf32>
    %squeeze3A_17 = vector.shape_cast %slice3A_16 : vector<1x10112x64xf32> to vector<10112x64xf32>
    %add3A_18 = arith.addf %squeeze3A_15, %squeeze3A_17 : vector<10112x64xf32>
    %mul3A = vector.broadcast %slice3A_9 : vector<10112x1xf32> to vector<10112x64xf32>
    %mul3A_19 = arith.mulf %mul3A, %add3A_18 : vector<10112x64xf32>
    %get3A_20 = arith.constant 0 : index
    %get3A_21 = arith.constant 0 : index
    %get3A_22 = vector.load %arg2[%get3A_20, %get3A_21] : memref<1x64xf32, #tpu.memory_space<vmem>>, vector<1x64xf32>
    %add3A_23 = vector.broadcast %get3A_22 : vector<1x64xf32> to vector<10112x64xf32>
    %add3A_24 = arith.addf %mul3A_19, %add3A_23 : vector<10112x64xf32>
    %max3A_25 = arith.constant 0.000000e+00 : f32
    %max3A_26 = vector.broadcast %max3A_25 : f32 to vector<10112x64xf32>
    %max3A_27 = arith.maximumf %add3A_24, %max3A_26 : vector<10112x64xf32>
    %get3A_28 = arith.constant 0 : index
    %get3A_29 = arith.constant 0 : index
    %get3A_30 = vector.load %arg3[%get3A_28, %get3A_29] : memref<64x64xf32, #tpu.memory_space<vmem>>, vector<64x64xf32>
    %dot_general3A = arith.constant dense<0.000000e+00> : vector<10112x64xf32>
    %dot_general3A_31 = tpu.matmul %max3A_27, %get3A_30, %dot_general3A {dimension_numbers = #tpu.dot_dimension_numbers<[1], [0], [0], [1], [0, 0, 1, 1], [], []>, transpose_lhs_hint = false} : vector<10112x64xf32>, vector<64x64xf32>, vector<10112x64xf32> -> vector<10112x64xf32>
    %mul3A_32 = vector.broadcast %slice3A_9 : vector<10112x1xf32> to vector<10112x64xf32>
    %mul3A_33 = arith.mulf %dot_general3A_31, %mul3A_32 : vector<10112x64xf32>
    %swap3A = arith.constant 0 : index
    %swap3A_34 = arith.constant 0 : index
    %swap3A_35 = vector.load %arg4[%swap3A, %swap3A_34] : memref<10112x64xf32, #tpu.memory_space<vmem>>, vector<10112x64xf32>
    tpu.vector_store %arg4[%swap3A, %swap3A_34], %mul3A_33 {strides = array<i32>} : memref<10112x64xf32, #tpu.memory_space<vmem>>, vector<10112x64xf32>,
    return
  }
}

module attributes {stable_mosaic.version = 14 : i64} {
  func.func @_tc3_body(%arg0: memref<2x10112x64xf32, #tpu.memory_space<vmem>>, %arg1: memref<2x10112x8xf32, #tpu.memory_space<vmem>>, %arg2: memref<1x64xf32, #tpu.memory_space<vmem>>, %arg3: memref<1x10112xi32, #tpu.memory_space<vmem>>, %arg4: memref<64x10xf32, #tpu.memory_space<vmem>>, %arg5: memref<1x10xf32, #tpu.memory_space<vmem>>, %arg6: memref<64x10xf32, #tpu.memory_space<vmem>>) attributes {dimension_semantics = [], scalar_prefetch = 0 : i64, scratch_operands = 0 : i64, tpu.core_type = #tpu.core_type<tc>} {
    %get3A = arith.constant 0 : index
    %get3A_0 = arith.constant 0 : index
    %get3A_1 = arith.constant 0 : index
    %get3A_2 = vector.load %arg1[%get3A, %get3A_0, %get3A_1] : memref<2x10112x8xf32, #tpu.memory_space<vmem>>, vector<2x10112x8xf32>
    %slice3A = vector.extract_strided_slice %get3A_2 {offsets = [0, 0, 0], sizes = [1, 10112, 8], strides = [1, 1, 1]} : vector<2x10112x8xf32> to vector<1x10112x8xf32>
    %squeeze3A = vector.shape_cast %slice3A : vector<1x10112x8xf32> to vector<10112x8xf32>
    %slice3A_3 = vector.extract_strided_slice %get3A_2 {offsets = [1, 0, 0], sizes = [1, 10112, 8], strides = [1, 1, 1]} : vector<2x10112x8xf32> to vector<1x10112x8xf32>
    %squeeze3A_4 = vector.shape_cast %slice3A_3 : vector<1x10112x8xf32> to vector<10112x8xf32>
    %add3A = arith.addf %squeeze3A, %squeeze3A_4 : vector<10112x8xf32>
    %gt3A = arith.constant 0.000000e+00 : f32
    %gt3A_5 = vector.broadcast %gt3A : f32 to vector<10112x8xf32>
    %gt3A_6 = arith.cmpf ogt, %add3A, %gt3A_5 : vector<10112x8xf32>
    %max3A = arith.constant 9.99999996E-13 : f32
    %max3A_7 = vector.broadcast %max3A : f32 to vector<10112x8xf32>
    %max3A_8 = arith.maximumf %add3A, %max3A_7 : vector<10112x8xf32>
    %rsqrt3A = math.rsqrt %max3A_8 : vector<10112x8xf32>
    %jit3A = arith.constant 0.000000e+00 : f32
    %broadcast_in_dim3A = vector.broadcast %jit3A : f32 to vector<10112x8xf32>
    %select_n3A = arith.select %gt3A_6, %rsqrt3A, %broadcast_in_dim3A : vector<10112x8xi1>, vector<10112x8xf32>
    %slice3A_9 = vector.extract_strided_slice %select_n3A {offsets = [0, 0], sizes = [10112, 1], strides = [1, 1]} : vector<10112x8xf32> to vector<10112x1xf32>
    %get3A_10 = arith.constant 0 : index
    %get3A_11 = arith.constant 0 : index
    %get3A_12 = arith.constant 0 : index
    %get3A_13 = vector.load %arg0[%get3A_10, %get3A_11, %get3A_12] : memref<2x10112x64xf32, #tpu.memory_space<vmem>>, vector<2x10112x64xf32>
    %slice3A_14 = vector.extract_strided_slice %get3A_13 {offsets = [0, 0, 0], sizes = [1, 10112, 64], strides = [1, 1, 1]} : vector<2x10112x64xf32> to vector<1x10112x64xf32>
    %squeeze3A_15 = vector.shape_cast %slice3A_14 : vector<1x10112x64xf32> to vector<10112x64xf32>
    %slice3A_16 = vector.extract_strided_slice %get3A_13 {offsets = [1, 0, 0], sizes = [1, 10112, 64], strides = [1, 1, 1]} : vector<2x10112x64xf32> to vector<1x10112x64xf32>
    %squeeze3A_17 = vector.shape_cast %slice3A_16 : vector<1x10112x64xf32> to vector<10112x64xf32>
    %add3A_18 = arith.addf %squeeze3A_15, %squeeze3A_17 : vector<10112x64xf32>
    %mul3A = vector.broadcast %slice3A_9 : vector<10112x1xf32> to vector<10112x64xf32>
    %mul3A_19 = arith.mulf %mul3A, %add3A_18 : vector<10112x64xf32>
    %get3A_20 = arith.constant 0 : index
    %get3A_21 = arith.constant 0 : index
    %get3A_22 = vector.load %arg2[%get3A_20, %get3A_21] : memref<1x64xf32, #tpu.memory_space<vmem>>, vector<1x64xf32>
    %add3A_23 = vector.broadcast %get3A_22 : vector<1x64xf32> to vector<10112x64xf32>
    %add3A_24 = arith.addf %mul3A_19, %add3A_23 : vector<10112x64xf32>
    %max3A_25 = arith.constant 0.000000e+00 : f32
    %max3A_26 = vector.broadcast %max3A_25 : f32 to vector<10112x64xf32>
    %max3A_27 = arith.maximumf %add3A_24, %max3A_26 : vector<10112x64xf32>
    %iota3A = tpu.iota {dimensions = array<i32: 0>} : vector<64x10112xi32>
    %get3A_28 = arith.constant 0 : index
    %get3A_29 = arith.constant 0 : index
    %get3A_30 = vector.load %arg3[%get3A_28, %get3A_29] : memref<1x10112xi32, #tpu.memory_space<vmem>>, vector<1x10112xi32>
    %eq3A = vector.broadcast %get3A_30 : vector<1x10112xi32> to vector<64x10112xi32>
    %eq3A_31 = arith.cmpi eq, %iota3A, %eq3A : vector<64x10112xi32>
    %convert_element_type3A = arith.extui %eq3A_31 : vector<64x10112xi1> to vector<64x10112xi32>
    %convert_element_type3A_32 = arith.sitofp %convert_element_type3A : vector<64x10112xi32> to vector<64x10112xf32>
    %dot_general3A = arith.constant dense<0.000000e+00> : vector<64x64xf32>
    %dot_general3A_33 = tpu.matmul %convert_element_type3A_32, %max3A_27, %dot_general3A {dimension_numbers = #tpu.dot_dimension_numbers<[1], [0], [0], [1], [0, 0, 1, 1], [], []>, transpose_lhs_hint = false} : vector<64x10112xf32>, vector<10112x64xf32>, vector<64x64xf32> -> vector<64x64xf32>
    %get3A_34 = arith.constant 0 : index
    %get3A_35 = arith.constant 0 : index
    %get3A_36 = vector.load %arg4[%get3A_34, %get3A_35] : memref<64x10xf32, #tpu.memory_space<vmem>>, vector<64x10xf32>
    %dot_general3A_37 = arith.constant dense<0.000000e+00> : vector<64x10xf32>
    %dot_general3A_38 = tpu.matmul %dot_general3A_33, %get3A_36, %dot_general3A_37 {dimension_numbers = #tpu.dot_dimension_numbers<[1], [0], [0], [1], [0, 0, 1, 1], [], []>, transpose_lhs_hint = false} : vector<64x64xf32>, vector<64x10xf32>, vector<64x10xf32> -> vector<64x10xf32>
    %get3A_39 = arith.constant 0 : index
    %get3A_40 = arith.constant 0 : index
    %get3A_41 = vector.load %arg5[%get3A_39, %get3A_40] : memref<1x10xf32, #tpu.memory_space<vmem>>, vector<1x10xf32>
    %add3A_42 = vector.broadcast %get3A_41 : vector<1x10xf32> to vector<64x10xf32>
    %add3A_43 = arith.addf %dot_general3A_38, %add3A_42 : vector<64x10xf32>
    %reduce_max3A = arith.constant dense<0xFF800000> : vector<64xf32>
    %reduce_max3A_44 = vector.multi_reduction <maximumf>, %add3A_43, %reduce_max3A [1] : vector<64x10xf32> to vector<64xf32>
    %broadcast_in_dim3A_45 = vector.shape_cast %reduce_max3A_44 : vector<64xf32> to vector<64x1xf32>
    %sub3A = vector.broadcast %broadcast_in_dim3A_45 : vector<64x1xf32> to vector<64x10xf32>
    %sub3A_46 = arith.subf %add3A_43, %sub3A : vector<64x10xf32>
    %exp3A = math.exp %sub3A_46 : vector<64x10xf32>
    %reduce_sum3A = arith.constant dense<0.000000e+00> : vector<64xf32>
    %reduce_sum3A_47 = vector.multi_reduction <add>, %exp3A, %reduce_sum3A [1] : vector<64x10xf32> to vector<64xf32>
    %broadcast_in_dim3A_48 = vector.shape_cast %reduce_sum3A_47 : vector<64xf32> to vector<64x1xf32>
    %log3A = math.log %broadcast_in_dim3A_48 : vector<64x1xf32>
    %sub3A_49 = vector.broadcast %log3A : vector<64x1xf32> to vector<64x10xf32>
    %sub3A_50 = arith.subf %sub3A_46, %sub3A_49 : vector<64x10xf32>
    %swap3A = arith.constant 0 : index
    %swap3A_51 = arith.constant 0 : index
    %swap3A_52 = vector.load %arg6[%swap3A, %swap3A_51] : memref<64x10xf32, #tpu.memory_space<vmem>>, vector<64x10xf32>
    tpu.vector_store %arg6[%swap3A, %swap3A_51], %sub3A_50 {strides = array<i32>} : memref<64x10xf32, #tpu.memory_space<vmem>>, vector<64x10xf32>,
    return
  }
}

</mosaic_0001>

<sc_bundles>
// kernel: kernel.11.cloned.1.call-start
scs
__scs_entry_jumppad:
0x0: {  	(pc) =	sbr.rel $0x88, $3  }
0x1: {  	(tag) =	ssettag $0x0;
	lr =	simm.s32 $0x1  }
0x2: {  	[smem:$0x3F98] =	sst lr;
	_ =	strace $0xD0000000  }
0x3: {  	_ = 	snop  }
0x4: {  	_ = 	snop  }
0x5: {  	_ = 	snop  }
0x6: {  	_ = 	snop  }
0x7: {  	_ = 	snop  }
__scs_overlays_trampoline_lowered:
0x8: {  	[smem:$0x3FA7] =	sst s0  }
0x9: {  	[smem:$0x3FA8] =	sst s1  }
0xa: {  	[smem:$0x3FA9] =	sst s2  }
0xb: {  	[smem:$0x3FAA] =	sst s3  }
0xc: {  	[smem:$0x3FAB] =	sst s4  }
0xd: {  	[smem:$0x3FAC] =	sst s5  }
0xe: {  	[smem:$0x3FAD] =	sst s6  }
0xf: {  	[smem:$0x3FAE] =	sst s7  }
0x10: {  	[smem:$0x3FAF] =	sst s8  }
0x11: {  	[smem:$0x3FB0] =	sst s9;
	s0 =	simm.s32 @!p0 $0x0  }
0x12: {  	s1 =	sld [smem:$0x3F96];
	s0 =	simm.s32 @p0 $0x1  }
0x13: {  	[smem:$0x3FB1] =	sst s0;
	s0 =	simm.s32 @!p1 $0x0  }
0x14: {  	s2 =	sld [smem:$0x3F95];
	s0 =	simm.s32 @p1 $0x1  }
0x15: {  	[smem:$0x3FB2] =	sst s0;
	s0 =	simm.s32 @!p2 $0x0  }
0x16: {  	s3 =	sld [smem:$0x3FDB];
	s0 =	simm.s32 @p2 $0x1  }
0x17: {  	s4 =	simm.s32 $0x1BF5;
	[smem:$0x3FB4] =	sst s0  }
0x18: {  	s0 =	sld [smem:$0x3F97];
	_ =	swait.ge [sflag:s4], $0x0  }
0x19: {  	s7 =	sld [smem:$0x3F98]  }
0x1a: {  	s8 =	sadd.s32 $0xFFFFE003, lr  }
0x1b: {  	s9 =	sadd.s32 $0xFFFFFEF7, lr;
	s5 =	simm.s32 $0xFFFFFFFF;
	p2 =	slt.u32 s8, $0xFFFFF086  }
0x1c: {  	p1 =	slt.u32 s9, $0xF7A;
	s5 =	simm.s32 @!p2 $0x0  }
0x1d: {  	s5 =	simm.s32 @p1 $0x1;
	p0 =	seq.s32 s7, s2  }
0x1e: {  	s7 =	smul.u32 @!p0 $0xF7A, s2;
	p2 =	seq.s32 @!p0 s5, $0x0  }
0x1f: {  	s9 =	smul.u32 $0xF7A, s1;
	s8 =	simm.s32 @!p0 $0x1BF5;
	p2 =	por !p2, p0  }
0x20: {  	[sflag:s8] =	ssyncset.s32 @!p0 $0xFFFFF086;
	s6 =	sadd.s32 @!p0 s3, s7;
	s7 =	simm.s32 @!p0 $0x108  }
0x21: {  	s3 =	sadd.s32 s3, s9;
	s6 =	sadd.s32 @!p0 $0x88, s6;
	s7 =	simm.s32 @p2 $0x1082  }
0x22: {  	[simem:s7], [sflag:s8] =	dma.local @!p0 [hbm:s6], $0xF7A  }
0x23: {  	s9 =	sor.u32 $0xD0000000, s2;
	s6 =	simm.s32 $0x108;
	_ =	swait.ge @!p0 [sflag:s8], $0x0  }
0x24: {  	s3 =	sadd.s32 $0x88, s3;
	s6 =	simm.s32 @!p1 $0x1082;
	[sflag:s4] =	ssyncset.s32 $0xFFFFF086  }
0x25: {  	[simem:s6], [sflag:s4] =	dma.local [hbm:s3], $0xF7A  }
0x26: {  	[smem:$0x3F98] =	sst s1;
	(tag) =	ssettag s2;
	_ =	strace s9  }
0x27: {  	s1 =	sld [smem:$0x3FA8]  }
0x28: {  	s2 =	sld [smem:$0x3FA9]  }
0x29: {  	s4 =	sld [smem:$0x3FAB]  }
0x2a: {  	p0 =	seq.s32 s5, $0x0;
	s5 =	sld [smem:$0x3FAC]  }
0x2b: {  	s6 =	sld [smem:$0x3FAD]  }
0x2c: {  	s7 =	sld [smem:$0x3FAE]  }
0x2d: {  	s3 =	simm.s32 $0x108;
	s8 =	sld [smem:$0x3FAF]  }
0x2e: {  	s3 =	simm.s32 @!p0 $0x1082;
	s9 =	sld [smem:$0x3FB0]  }
0x2f: {  	lr =	sadd.s32 s0, s3;
	s0 =	sld [smem:$0x3FA7]  }
0x30: {  	s3 =	sld [smem:$0x3FAA]  }
0x31: {  	[smem:$0x3FB3] =	sst s10  }
0x32: {  	s10 =	sld [smem:$0x3FB1];
	_ =	sdelay $0x3  }
0x33: {  	p0 =	seq.s32 s10, $0x1;
	s10 =	sld [smem:$0x3FB3];
	_ =	sdelay $0x3  }
0x34: {  	[smem:$0x3FB3] =	sst s10  }
0x35: {  	s10 =	sld [smem:$0x3FB2];
	_ =	sdelay $0x3  }
0x36: {  	p1 =	seq.s32 s10, $0x1;
	s10 =	sld [smem:$0x3FB3];
	_ =	sdelay $0x3  }
0x37: {  	[smem:$0x3FB3] =	sst s10  }
0x38: {  	s10 =	sld [smem:$0x3FB4]  }
0x39: {  	_ = 	snop;
	(pc) =	sbr.ind lr, $3  }
0x3a: {  	_ = 	snop  }
0x3b: {  	_ = 	snop  }
0x3c: {  	p2 =	seq.s32 s10, $0x1;
	s10 =	sld [smem:$0x3FB3]  }
0x3d: {  	_ =	shalt  }
0x3e: {  	_ =	shalt  }
0x3f: {  	_ =	shalt  }
0x40: {  	_ =	shalt  }
0x41: {  	_ =	shalt  }
0x42: {  	_ =	shalt  }
0x43: {  	_ =	shalt  }
0x44: {  	_ =	shalt  }
0x45: {  	_ =	shalt  }
0x46: {  	_ =	shalt  }
0x47: {  	_ =	shalt  }
0x48: {  	_ =	shalt  }
0x49: {  	_ =	shalt  }
0x4a: {  	_ =	shalt  }
0x4b: {  	_ =	shalt  }
0x4c: {  	_ =	shalt  }
0x4d: {  	_ =	shalt  }
0x4e: {  	_ =	shalt  }
0x4f: {  	_ =	shalt  }
0x50: {  	_ =	shalt  }
0x51: {  	_ =	shalt  }
0x52: {  	_ =	shalt  }
0x53: {  	_ =	shalt  }
0x54: {  	_ =	shalt  }
0x55: {  	_ =	shalt  }
0x56: {  	_ =	shalt  }
0x57: {  	_ =	shalt  }
0x58: {  	_ =	shalt  }
0x59: {  	_ =	shalt  }
0x5a: {  	_ =	shalt  }
0x5b: {  	_ =	shalt  }
0x5c: {  	_ =	shalt  }
0x5d: {  	_ =	shalt  }
0x5e: {  	_ =	shalt  }
0x5f: {  	_ =	shalt  }
0x60: {  	_ =	shalt  }
0x61: {  	_ =	shalt  }
0x62: {  	_ =	shalt  }
0x63: {  	_ =	shalt  }
0x64: {  	_ =	shalt  }
0x65: {  	_ =	shalt  }
0x66: {  	_ =	shalt  }
0x67: {  	_ =	shalt  }
0x68: {  	_ =	shalt  }
0x69: {  	_ =	shalt  }
0x6a: {  	_ =	shalt  }
0x6b: {  	_ =	shalt  }
0x6c: {  	_ =	shalt  }
0x6d: {  	_ =	shalt  }
0x6e: {  	_ =	shalt  }
0x6f: {  	_ =	shalt  }
0x70: {  	_ =	shalt  }
0x71: {  	_ =	shalt  }
0x72: {  	_ =	shalt  }
0x73: {  	_ =	shalt  }
0x74: {  	_ =	shalt  }
0x75: {  	_ =	shalt  }
0x76: {  	_ =	shalt  }
0x77: {  	_ =	shalt  }
0x78: {  	_ =	shalt  }
0x79: {  	_ =	shalt  }
0x7a: {  	_ =	shalt  }
0x7b: {  	_ =	shalt  }
0x7c: {  	_ =	shalt  }
0x7d: {  	_ =	shalt  }
0x7e: {  	_ =	shalt  }
0x7f: {  	_ =	shalt  }
0x80: {  	_ =	shalt  }
0x81: {  	_ =	shalt  }
0x82: {  	_ =	shalt  }
0x83: {  	_ =	shalt  }
0x84: {  	_ =	shalt  }
0x85: {  	_ =	shalt  }
0x86: {  	_ =	shalt  }
0x87: {  	_ =	shalt  }
.Lfunc_end0:
.L_simem_size_0:
called_computation.1_lowered:
.L_overlay_start_0:
0x88: {  	s2 =	sld [smem:$0x3FD9]  }
0x89: {  	s3 =	sld [smem:$0x3FFE];
	_ =	sdelay $0x1  }
0x8a: {  	s1 =	srdreg.scid  }
0x8b: {  	s0 =	sand.u32 $0x1, s1  }
0x8c: {  	s16 =	sshll.u32 s0, $0xA;
	s2 =	sadd.s32 s3, s2  }
0x8d: {  	s2 =	sadd.s32 s2, s16  }
0x8e: {  	[smem:$0x3FBF] =	sst s2  }
0x8f: {  	_ = 	snop  }
0x90: {  	(tm) =	ssettm $0x1  }
0x91: {  	s17 =	sld [smem:$0x3FFB];
	_ =	sdelay $0x3  }
0x92: {  	_ =	strace s17  }
0x93: {  	s2 =	sld [smem:$0x3FFC];
	_ =	sdelay $0x3  }
0x94: {  	_ =	strace s2  }
0x95: {  	s2 =	sld [smem:$0x3FFD];
	_ =	sdelay $0x3  }
0x96: {  	_ =	strace s2  }
0x97: {  	_ =	strace $0x8FFFFFFF  }
0x98: {  	s18 =	sld [smem:$0x3FDB];
	_ =	sdelay $0x1  }
0x99: {  	s19 =	simm.s32 $_scs_section_size  }
0x9a: {  	s4 =	simm.s32 $_size__tile_overlayer_lowered;
	s5 =	simm.s32 $_tile_overlayer_lowered  }
0x9b: {  	s22 =	simm.s32 $0x1BFF;
	s21 =	sshll.u32 s5, $0x1;
	s2 =	sadd.s32 s19, s18  }
0x9c: {  	s6 =	simm.s32 $0x0;
	s20 =	sshll.u32 s4, $0x1;
	s4 =	sadd.s32 s21, s2  }
0x9d: {  	[timem:s6], [sflag:s22] =	dma.local [hbm:s4], s20  }
0x9e: {  	_ =	swait.ge [sflag:s22], s20  }
0x9f: {  	s3 =	ssub.s32 $0x0, s20;
	[sflag:s22] =	ssyncset.done $0x0  }
0xa0: {  	[sflag:s22] =	ssyncadd.s32 s3;
	_ =	sdelay $0x1  }
0xa1: {  	s23 =	simm.s32 $0x1B8B  }
0xa2: {  	_ =	swait.ge [sflag:s23], $0x1  }
0xa3: {  	[sflag:s23] =	ssyncset.done $0x0  }
0xa4: {  	s25 =	simm.s32 $0x1B8E;
	s24 =	sld [smem:$0x3FFE];
	[sflag:s23] =	ssyncadd.s32 $0xFFFFFFFF  }
0xa5: {  	s26 =	simm.s32 $execute0_lowered;
	[smem:$0x3FD2] =	sst s25  }
0xa6: {  	s4 =	sshll.u32 s26, $0x1;
	_ =	strace $0x80000049;
	[dreg:$0x1] =	wrdreg $0xFFFFFFFF  }
0xa7: {  	s28 =	simm.s32 $_size_execute0_lowered;
	s2 =	sadd.s32 s2, s4;
	[dreg:$0x0] =	wrdreg $0x0  }
0xa8: {  	s4 =	sshll.u32 s28, $0x1;
	[dreg:$0x2] =	wrdreg s2  }
0xa9: {  	[dreg:$0x3] =	wrdreg s4  }
0xaa: {  	[dreg:$0x4] =	wrdreg $0xC0  }
0xab: {  	_ =	task [dreg:s6], $0x5FFFF  }
0xac: {  	[dreg:$0x1] =	wrdreg $0xFFFFFFFF  }
0xad: {  	[dreg:$0x0] =	wrdreg $0x60  }
0xae: {  	[dreg:$0x2] =	wrdreg s24  }
0xaf: {  	[dreg:$0x3] =	wrdreg $0x150000  }
0xb0: {  	[dreg:$0x4] =	wrdreg $0x9  }
0xb1: {  	_ =	task.clear_ibuf [dreg:s6], $0x5FFFF;
	_ =	strace $0x90000049  }
0xb2: {  	s29 =	simm.s32 $0x9;
	_ =	strace $0x8000004B  }
0xb3: {  	_ =	swait.ge [sflag:s29], $0x1  }
0xb4: {  	[sflag:s29] =	ssyncadd.s32 $0xFFFFFFFF  }
0xb5: {  	_ =	strace $0x9000004B  }
0xb6: {  	_ =	sfence  }
0xb7: {  	s30 =	sld [smem:$0x0];
	_ =	sdelay $0x2  }
0xb8: {  	s31 =	sshll.u32 s1, $0xD;
	s1 =	sshrl.u32 s1, $0x2  }
0xb9: {  	s3 =	sand.u32 $0x4000, s31;
	s1 =	sadd.s32 s1, s30  }
0xba: {  	s0 =	sor.u32 s3, s0;
	s1 =	sshll.u32 s1, $0x11  }
0xbb: {  	s0 =	sor.u32 s1, s0  }
0xbc: {  	s0 =	sadd.s32 $0x8F2B, s0  }
0xbd: {  	[sflag:s0] =	ssyncadd.remote.s32 $0x1  }
0xbe: {  	_ =	sfence.sel $0xFFFF  }
0xbf: {  	[dreg:$0x0] =	wrdreg $0xFFFFFFFF;
	(pc) =	sbr.abs _section_cstart, $3  }
0xc0: {  	[dreg:$0x1] =	wrdreg $0xFFFFFFFF  }
0xc1: {  	_ =	task.clear_ibuf [dreg:s6], $0x2FFFF;
	_ =	strace $0x9FFFFFFF  }
0xc2: {  	(tm) =	ssettm $0x7FFFFFFF  }
0xc3: {  	_ =	shalt  }
tec
execute0_lowered:
.L_overlay_start_1:
0x0: {  	(tag) =	ssettag $0x1  }
0x1: {  	s0 =	srdreg.scid  }
0x2: {  	s1 =	rddreg [dreg:$0x0];
	s3 =	stileid.u32  }
0x3: {  	s2 =	rddreg [dreg:$0x1];
	s25 =	simm.s32 $0x0;
	s14 =	simm.s32 $0x5000  }
0x4: {  	s15 =	simm.s32 $0x11;
	s28 =	simm.s32 $0xF000;
	s30 =	simm.s32 $0x11000  }
0x5: {  	s29 =	simm.s32 $0x7;
	s31 =	simm.s32 $0x8;
	s5 =	smul.u32 $0x2800, s3  }
0x6: {  	s10 =	simm.s32 $0xD;
	s11 =	simm.s32 $0xE;
	s16 =	smul.u32 $0x9E00, s3  }
0x7: {  	s12 =	simm.s32 $0xF;
	s0 =	sand.u32 $0x1, s0;
	s8 =	smul.u32 $0x27800, s3  }
0x8: {  	s13 =	simm.s32 $0x10;
	[smem:$0x7FF] =	sst s25;
	s4 =	smul.u32 $0x28000, s0  }
0x9: {  	s6 =	smul.u32 $0x9E000, s0;
	_ =	strace $0x8000004A;
	s0 =	ssub.s32 $0x2, s0  }
0xa: {  	s8 =	sshrl.u32 s8, $0x2;
	s9 =	sshrl.u32 s0, $0x1;
	s21 =	sadd.s32 s16, s2  }
0xb: {  	s4 =	sadd.s32 s5, s4;
	s6 =	sadd.s32 s16, s6;
	s17 =	sadd.s32 s8, s2  }
0xc: {  	s0 =	ssub.s32 s0, s9;
	s26 =	sshrl.u32 s21, $0x3;
	s16 =	simm.s32 $0x2  }
0xd: {  	s21 =	simm.s32 $0x4;
	s8 =	simm.s32 $0xB;
	s9 =	simm.s32 $0xC  }
0xe: {  	s7 =	sshrl.u32 s4, $0x3;
	s4 =	sadd.s32 $0x65A00, s1;
	[dreg:$0x4] =	wrdreg s17  }
0xf: {  	s6 =	sshrl.u32 s6, $0x3;
	s18 =	sadd.s32 $0x8000, s17;
	[dreg:$0xd] =	wrdreg s26  }
0x10: {  	s0 =	smax.u32 s0, $0x1;
	s22 =	sadd.s32 $0x2000, s17;
	[dreg:$0x5] =	wrdreg s18  }
0x11: {  	s23 =	sadd.s32 $0x4000, s17;
	s24 =	sadd.s32 $0x6000, s17;
	[dreg:$0x9] =	wrdreg s0  }
0x12: {  	s17 =	simm.s32 $0x80;
	s26 =	simm.s32 $0x6;
	[dreg:$0xa] =	wrdreg s22  }
0x13: {  	s7 =	sadd.s32 s7, s1;
	s1 =	sadd.s32 s6, s1;
	[dreg:$0xb] =	wrdreg s23  }
0x14: {  	[dreg:$0xc] =	wrdreg s24;
	s18 =	simm.s32 $0x7000;
	s22 =	simm.s32 $0xB000  }
.Ltmp0:
0x15: {  	s24 =	simm.s32 $0xD000;
	s19 =	sadd.s32 $0x2A00, s7;
	(pc) =	sbr.rel .LBB2_1-.Ltmp0, $4  }
0x16: {  	s0 =	simm.s32 $0x1;
	s20 =	sadd.s32 $0xCA00, s7;
	[dreg:$0x6] =	wrdreg s19  }
0x17: {  	s23 =	simm.s32 $0x5;
	s1 =	sadd.s32 $0x79600, s1;
	[dreg:$0x7] =	wrdreg s20  }
0x18: {  	s6 =	simm.s32 $0x9;
	s7 =	simm.s32 $0xA;
	[dreg:$0x8] =	wrdreg s1  }
0x19: {  	v0 =	vimm.f32 $0.0e+00;
	s20 =	simm.s32 $0x9000;
	s1 =	simm.s32 $0x13000;
	s19 =	simm.s32 $0x3  }
.LBB2_6:
0x1a: {  	_ =	swait.ge [sflag:s7], $0x2000  }
0x1b: {  	[sflag:s7] =	ssyncset.done $0x0  }
0x1c: {  	[sflag:s7] =	ssyncadd.s32 $0xFFFFE000  }
0x1d: {  	_ =	swait.ge [sflag:s8], $0x2000  }
0x1e: {  	[sflag:s8] =	ssyncset.done $0x0  }
0x1f: {  	[sflag:s8] =	ssyncadd.s32 $0xFFFFE000  }
0x20: {  	_ =	swait.ge [sflag:s9], $0x2000  }
0x21: {  	[sflag:s9] =	ssyncset.done $0x0  }
0x22: {  	[sflag:s9] =	ssyncadd.s32 $0xFFFFE000  }
0x23: {  	_ =	swait.ge [sflag:s10], $0x2000  }
0x24: {  	[sflag:s10] =	ssyncset.done $0x0  }
0x25: {  	[sflag:s10] =	ssyncadd.s32 $0xFFFFE000  }
0x26: {  	_ =	swait.ge [sflag:s11], $0x2000  }
0x27: {  	[sflag:s11] =	ssyncset.done $0x0  }
0x28: {  	[sflag:s11] =	ssyncadd.s32 $0xFFFFE000  }
0x29: {  	_ =	swait.ge [sflag:s12], $0x2000  }
0x2a: {  	[sflag:s12] =	ssyncset.done $0x0  }
0x2b: {  	[sflag:s12] =	ssyncadd.s32 $0xFFFFE000  }
0x2c: {  	_ =	swait.ge [sflag:s13], $0x2000  }
0x2d: {  	[sflag:s13] =	ssyncset.done $0x0  }
0x2e: {  	[sflag:s13] =	ssyncadd.s32 $0xFFFFE000  }
0x2f: {  	s3 =	stileid.u32;
	[bflag:$0x0] =	sbarrier.arrive $0xFFFF  }
0x30: {  	s3 =	sshll.u32 s3, $0x6;
	s5 =	rddreg [dreg:$0x8]  }
0x31: {  	s3 =	sor.u32 $0x1C11, s3;
	s25 =	rddreg [dreg:$0xd]  }
0x32: {  	[hbm:s5], [sflag:s3] =	dma.local [spmem:s25], $0x13C0  }
0x33: {  	_ =	swait.ge [sflag:s15], $0x13C0  }
0x34: {  	s3 =	rddreg [dreg:$0x3]  }
0x35: {  	s5 =	rddreg [dreg:$0x9];
	s25 =	sadd.s32 $0x1, s3  }
0x36: {  	p0 =	sne.s32 s25, s5  }
.Ltmp1:
0x37: {  	_ = 	snop;
	(pc) =	sbr.rel @!p0 .LBB2_7-.Ltmp1, $3  }
0x38: {  	_ =	sdelay $0x1  }
0x39: {  	[sflag:s15] =	ssyncset.done $0x0  }
0x3a: {  	[sflag:s15] =	ssyncadd.s32 $0xFFFFEC40  }
.LBB2_1:
0x3b: {  	[dreg:$0x3] =	wrdreg s25;
	s25 =	simm.s32 $0x100;
	s5 =	simm.s32 $0x0  }
.LBB2_2:
0x3c: {  	p0 =	sne.s32 s25, $0x7F00;
	[tilespmem:s5+$0x5030] =	vst v0;
	s3 =	smov.u32 s25;
	s25 =	sadd.s32 $0x100, s25  }
.Ltmp2:
0x3d: {  	[tilespmem:s5+$0x5020] =	vst v0;
	(pc) =	sbr.rel @p0 .LBB2_2-.Ltmp2, $3  }
0x3e: {  	[tilespmem:s5+$0x5000] =	vst v0  }
0x3f: {  	[tilespmem:s5+$0x5010] =	vst v0;
	_ =	sdelay $0x1  }
0x40: {  	s5 =	sshra.s32 s3, $0x2  }
0x41: {  	[tilespmem:s5+$0x5030] =	vst v0  }
0x42: {  	[tilespmem:s5+$0x5020] =	vst v0  }
0x43: {  	[tilespmem:s5+$0x5000] =	vst v0  }
0x44: {  	[tilespmem:s5+$0x5010] =	vst v0;
	s3 =	rddreg [dreg:$0x4]  }
0x45: {  	[spmem:s3] =	stream.linear.scatter [tilespmem:s14], [sflag:$0x11], $0x2000, $0x38;
	[tilespmem:$0x1EE00] =	vst v63  }
0x46: {  	_ =	swait.ge [sflag:s15], $0x2000  }
0x47: {  	[sflag:s15] =	ssyncset.done $0x0  }
0x48: {  	s5 =	rddreg [dreg:$0xa];
	[sflag:s15] =	ssyncadd.s32 $0xFFFFE000  }
0x49: {  	[spmem:s5] =	stream.linear.scatter [tilespmem:s14], [sflag:$0x11], $0x2000, $0x38;
	[tilespmem:$0x1EE00] =	vst v63  }
0x4a: {  	_ =	swait.ge [sflag:s15], $0x2000  }
0x4b: {  	[sflag:s15] =	ssyncset.done $0x0  }
0x4c: {  	s25 =	rddreg [dreg:$0xb];
	[sflag:s15] =	ssyncadd.s32 $0xFFFFE000  }
0x4d: {  	[spmem:s25] =	stream.linear.scatter [tilespmem:s14], [sflag:$0x11], $0x2000, $0x38;
	[tilespmem:$0x1EE00] =	vst v63  }
0x4e: {  	_ =	swait.ge [sflag:s15], $0x2000  }
0x4f: {  	[sflag:s15] =	ssyncset.done $0x0  }
0x50: {  	s5 =	rddreg [dreg:$0xc];
	[sflag:s15] =	ssyncadd.s32 $0xFFFFE000  }
0x51: {  	[spmem:s5] =	stream.linear.scatter [tilespmem:s14], [sflag:$0x11], $0x2000, $0x38;
	[tilespmem:$0x1EE00] =	vst v63  }
0x52: {  	_ =	swait.ge [sflag:s15], $0x2000  }
0x53: {  	[sflag:s15] =	ssyncset.done $0x0  }
0x54: {  	s25 =	rddreg [dreg:$0x5];
	[sflag:s15] =	ssyncadd.s32 $0xFFFFE000  }
0x55: {  	[spmem:s25] =	stream.linear.scatter [tilespmem:s14], [sflag:$0x11], $0x1E00, $0x38;
	[tilespmem:$0x1EE00] =	vst v63  }
0x56: {  	_ =	swait.ge [sflag:s15], $0x1E00  }
0x57: {  	[sflag:s15] =	ssyncset.done $0x0  }
0x58: {  	s25 =	simm.s32 $0x0;
	s5 =	rddreg [dreg:$0x6];
	[sflag:s15] =	ssyncadd.s32 $0xFFFFE200  }
0x59: {  	[tilespmem:s25], [sflag:$0x11] =	stream.linear.gather [hbm4b:s5+s25], $0x2800, $0x38;
	[tilespmem:$0x1EE00] =	vst v63  }
0x5a: {  	_ =	swait.ge [sflag:s15], $0x2800  }
0x5b: {  	[sflag:s15] =	ssyncset.done $0x0  }
0x5c: {  	s5 =	simm.s32 $0x2800;
	s3 =	rddreg [dreg:$0x7];
	[sflag:s15] =	ssyncadd.s32 $0xFFFFD800  }
0x5d: {  	[tilespmem:s5], [sflag:$0x11] =	stream.linear.gather [hbm4b:s3+s25], $0x2800, $0x38;
	[tilespmem:$0x1EE00] =	vst v63  }
0x5e: {  	_ =	swait.ge [sflag:s15], $0x2800  }
0x5f: {  	[sflag:s15] =	ssyncset.done $0x0  }
0x60: {  	[sflag:s15] =	ssyncadd.s32 $0xFFFFD800  }
0x61: {  	[bflag:$0x0] =	sbarrier.arrive $0xFFFF  }
0x62: {  	[tilespmem:s14], [sflag:$0x1] =	stream.indirect.gather [hbm4b:s4+s17], $0x40, s25, s17, $0xb8;
	[tilespmem:$0x1EE00] =	vst v63  }
0x63: {  	_ = 	snop  }
0x64: {  	[tilespmem:s18], [sflag:$0x2] =	stream.indirect.gather [hbm4b:s4+s17], $0x40, s17, s17, $0xb8;
	[tilespmem:$0x1EE00] =	vst v63  }
0x65: {  	s5 =	simm.s32 $0x100  }
0x66: {  	[tilespmem:s20], [sflag:$0x3] =	stream.indirect.gather [hbm4b:s4+s17], $0x40, s5, s17, $0xb8;
	[tilespmem:$0x1EE00] =	vst v63  }
0x67: {  	s5 =	simm.s32 $0x180  }
0x68: {  	[tilespmem:s22], [sflag:$0x4] =	stream.indirect.gather [hbm4b:s4+s17], $0x40, s5, s17, $0xb8;
	[tilespmem:$0x1EE00] =	vst v63  }
0x69: {  	s5 =	simm.s32 $0x200  }
0x6a: {  	[tilespmem:s24], [sflag:$0x5] =	stream.indirect.gather [hbm4b:s4+s17], $0x40, s5, s17, $0xb8;
	[tilespmem:$0x1EE00] =	vst v63  }
0x6b: {  	s5 =	simm.s32 $0x280  }
0x6c: {  	[tilespmem:s28], [sflag:$0x6] =	stream.indirect.gather [hbm4b:s4+s17], $0x40, s5, s17, $0xb8;
	[tilespmem:$0x1EE00] =	vst v63  }
0x6d: {  	s5 =	simm.s32 $0x300  }
0x6e: {  	[tilespmem:s30], [sflag:$0x7] =	stream.indirect.gather [hbm4b:s4+s17], $0x40, s5, s17, $0xb8;
	[tilespmem:$0x1EE00] =	vst v63  }
0x6f: {  	s5 =	simm.s32 $0x380  }
0x70: {  	[tilespmem:s1], [sflag:$0x8] =	stream.indirect.gather [hbm4b:s4+s17], $0x40, s5, s17, $0xb8;
	[tilespmem:$0x1EE00] =	vst v63  }
.LBB2_4:
0x71: {  	_ =	swait.ge [sflag:s0], $0x2000  }
0x72: {  	s5 =	sshra.s32 s25, $0x2;
	[sflag:s0] =	ssyncset.done $0x0  }
0x73: {  	s3 =	sadd.s32 $0x2800, s5;
	[sflag:s0] =	ssyncadd.s32 $0xFFFFE000  }
0x74: {  	[spmem:s2] =	stream.indirect.scatter.add.f32 [tilespmem:s14], [sflag:$0x9], $0x40, s3, s17, $0xb8;
	[tilespmem:$0x1EE00] =	vst v63  }
0x75: {  	_ =	swait.ge [sflag:s16], $0x2000  }
0x76: {  	[sflag:s16] =	ssyncset.done $0x0  }
0x77: {  	s3 =	sadd.s32 $0x2880, s5;
	[sflag:s16] =	ssyncadd.s32 $0xFFFFE000  }
0x78: {  	[spmem:s2] =	stream.indirect.scatter.add.f32 [tilespmem:s18], [sflag:$0xA], $0x40, s3, s17, $0xb8;
	[tilespmem:$0x1EE00] =	vst v63  }
0x79: {  	_ =	swait.ge [sflag:s19], $0x2000  }
0x7a: {  	[sflag:s19] =	ssyncset.done $0x0  }
0x7b: {  	s3 =	sadd.s32 $0x2900, s5;
	[sflag:s19] =	ssyncadd.s32 $0xFFFFE000  }
0x7c: {  	[spmem:s2] =	stream.indirect.scatter.add.f32 [tilespmem:s20], [sflag:$0xB], $0x40, s3, s17, $0xb8;
	[tilespmem:$0x1EE00] =	vst v63  }
0x7d: {  	_ =	swait.ge [sflag:s21], $0x2000  }
0x7e: {  	[sflag:s21] =	ssyncset.done $0x0  }
0x7f: {  	s3 =	sadd.s32 $0x2980, s5;
	[sflag:s21] =	ssyncadd.s32 $0xFFFFE000  }
0x80: {  	[spmem:s2] =	stream.indirect.scatter.add.f32 [tilespmem:s22], [sflag:$0xC], $0x40, s3, s17, $0xb8;
	[tilespmem:$0x1EE00] =	vst v63  }
0x81: {  	_ =	swait.ge [sflag:s23], $0x2000  }
0x82: {  	[sflag:s23] =	ssyncset.done $0x0  }
0x83: {  	s3 =	sadd.s32 $0x2A00, s5;
	[sflag:s23] =	ssyncadd.s32 $0xFFFFE000  }
0x84: {  	[spmem:s2] =	stream.indirect.scatter.add.f32 [tilespmem:s24], [sflag:$0xD], $0x40, s3, s17, $0xb8;
	[tilespmem:$0x1EE00] =	vst v63  }
0x85: {  	_ =	swait.ge [sflag:s26], $0x2000  }
0x86: {  	[sflag:s26] =	ssyncset.done $0x0  }
0x87: {  	s3 =	sadd.s32 $0x2A80, s5;
	[sflag:s26] =	ssyncadd.s32 $0xFFFFE000  }
0x88: {  	[spmem:s2] =	stream.indirect.scatter.add.f32 [tilespmem:s28], [sflag:$0xE], $0x40, s3, s17, $0xb8;
	[tilespmem:$0x1EE00] =	vst v63  }
0x89: {  	_ =	swait.ge [sflag:s29], $0x2000  }
0x8a: {  	[sflag:s29] =	ssyncset.done $0x0  }
0x8b: {  	s3 =	sadd.s32 $0x2B00, s5;
	[sflag:s29] =	ssyncadd.s32 $0xFFFFE000  }
0x8c: {  	[spmem:s2] =	stream.indirect.scatter.add.f32 [tilespmem:s30], [sflag:$0xF], $0x40, s3, s17, $0xb8;
	[tilespmem:$0x1EE00] =	vst v63  }
0x8d: {  	_ =	swait.ge [sflag:s31], $0x2000  }
0x8e: {  	p0 =	seq.s32 s25, $0x9000;
	[sflag:s31] =	ssyncset.done $0x0  }
.Ltmp3:
0x8f: {  	s3 =	sadd.s32 $0x2B80, s5;
	[sflag:s31] =	ssyncadd.s32 $0xFFFFE000;
	(pc) =	sbr.rel @p0 .LBB2_6-.Ltmp3, $4  }
0x90: {  	[spmem:s2] =	stream.indirect.scatter.add.f32 [tilespmem:s1], [sflag:$0x10], $0x40, s3, s17, $0xb8;
	[tilespmem:$0x1EE00] =	vst v63  }
0x91: {  	_ =	swait.ge [sflag:s6], $0x2000  }
0x92: {  	[sflag:s6] =	ssyncset.done $0x0  }
0x93: {  	[sflag:s6] =	ssyncadd.s32 $0xFFFFE000  }
0x94: {  	s3 =	sadd.s32 $0x400, s5  }
0x95: {  	[tilespmem:s14], [sflag:$0x1] =	stream.indirect.gather [hbm4b:s4+s17], $0x40, s3, s17, $0xb8;
	[tilespmem:$0x1EE00] =	vst v63  }
0x96: {  	_ =	swait.ge [sflag:s7], $0x2000  }
0x97: {  	[sflag:s7] =	ssyncset.done $0x0  }
0x98: {  	s3 =	sadd.s32 $0x480, s5;
	[sflag:s7] =	ssyncadd.s32 $0xFFFFE000  }
0x99: {  	[tilespmem:s18], [sflag:$0x2] =	stream.indirect.gather [hbm4b:s4+s17], $0x40, s3, s17, $0xb8;
	[tilespmem:$0x1EE00] =	vst v63  }
0x9a: {  	_ =	swait.ge [sflag:s8], $0x2000  }
0x9b: {  	[sflag:s8] =	ssyncset.done $0x0  }
0x9c: {  	s3 =	sadd.s32 $0x500, s5;
	[sflag:s8] =	ssyncadd.s32 $0xFFFFE000  }
0x9d: {  	[tilespmem:s20], [sflag:$0x3] =	stream.indirect.gather [hbm4b:s4+s17], $0x40, s3, s17, $0xb8;
	[tilespmem:$0x1EE00] =	vst v63  }
0x9e: {  	_ =	swait.ge [sflag:s9], $0x2000  }
0x9f: {  	[sflag:s9] =	ssyncset.done $0x0  }
0xa0: {  	s3 =	sadd.s32 $0x580, s5;
	[sflag:s9] =	ssyncadd.s32 $0xFFFFE000  }
0xa1: {  	[tilespmem:s22], [sflag:$0x4] =	stream.indirect.gather [hbm4b:s4+s17], $0x40, s3, s17, $0xb8;
	[tilespmem:$0x1EE00] =	vst v63  }
0xa2: {  	_ =	swait.ge [sflag:s10], $0x2000  }
0xa3: {  	[sflag:s10] =	ssyncset.done $0x0  }
0xa4: {  	s3 =	sadd.s32 $0x600, s5;
	[sflag:s10] =	ssyncadd.s32 $0xFFFFE000  }
0xa5: {  	[tilespmem:s24], [sflag:$0x5] =	stream.indirect.gather [hbm4b:s4+s17], $0x40, s3, s17, $0xb8;
	[tilespmem:$0x1EE00] =	vst v63  }
0xa6: {  	_ =	swait.ge [sflag:s11], $0x2000  }
0xa7: {  	[sflag:s11] =	ssyncset.done $0x0  }
0xa8: {  	s3 =	sadd.s32 $0x680, s5;
	[sflag:s11] =	ssyncadd.s32 $0xFFFFE000  }
0xa9: {  	[tilespmem:s28], [sflag:$0x6] =	stream.indirect.gather [hbm4b:s4+s17], $0x40, s3, s17, $0xb8;
	[tilespmem:$0x1EE00] =	vst v63  }
0xaa: {  	_ =	swait.ge [sflag:s12], $0x2000  }
0xab: {  	[sflag:s12] =	ssyncset.done $0x0  }
0xac: {  	s3 =	sadd.s32 $0x700, s5;
	[sflag:s12] =	ssyncadd.s32 $0xFFFFE000  }
0xad: {  	[tilespmem:s30], [sflag:$0x7] =	stream.indirect.gather [hbm4b:s4+s17], $0x40, s3, s17, $0xb8;
	[tilespmem:$0x1EE00] =	vst v63  }
.Ltmp4:
0xae: {  	_ = 	snop;
	(pc) =	sbr.rel .LBB2_4-.Ltmp4, $4  }
0xaf: {  	_ =	swait.ge [sflag:s13], $0x2000  }
0xb0: {  	[sflag:s13] =	ssyncset.done $0x0  }
0xb1: {  	s25 =	sadd.s32 $0x1000, s25;
	s5 =	sadd.s32 $0x780, s5;
	[sflag:s13] =	ssyncadd.s32 $0xFFFFE000  }
0xb2: {  	[tilespmem:s1], [sflag:$0x8] =	stream.indirect.gather [hbm4b:s4+s17], $0x40, s5, s17, $0xb8;
	[tilespmem:$0x1EE00] =	vst v63  }
.LBB2_7:
0xb3: {  	_ =	sfence.sel $0x180000  }
0xb4: {  	[bflag:$0x0] =	sbarrier.arrive $0xFFFF  }
0xb5: {  	_ =	strace $0x9000004A  }
0xb6: {  	s0 =	stileid.u32;
	[bflag:$0x2] =	sbarrier.arrive $0xFFFF  }
0xb7: {  	p0 =	sne.s32 s0, $0x0;
	s0 =	rddreg [dreg:$0x2]  }
0xb8: {  	s0 =	sadd.s32 @!p0 $0x100000, s0  }
0xb9: {  	[sflag:s0] =	ssyncadd.tile.s32 @!p0 $0x1;
	_ =	shalt  }
.Lfunc_end2:
_tile_overlayer_lowered:
.L_overlay_start_2:
0xba: {  	(tag) =	ssettag $0x2  }
0xbb: {  	s0 =	rddreg [dreg:$0x0];
	s2 =	stileid.u32  }
0xbc: {  	s1 =	rddreg [dreg:$0x1];
	p0 =	sne.s32 s2, $0x0  }
0xbd: {  	s3 =	rddreg [dreg:$0x2];
	[bflag:$0x3] =	sbarrier.arrive $0xFFFF;
	s2 =	simm.s32 @!p0 $0x1C11  }
0xbe: {  	[timem:s3], [sflag:s2] =	dma.local @!p0 [hbm:s0], s1  }
0xbf: {  	s0 =	simm.s32 @!p0 $0x11  }
0xc0: {  	_ =	swait.ge @!p0 [sflag:s0], s1  }
0xc1: {  	s1 =	ssub.s32 @!p0 $0x0, s1;
	[sflag:s0] =	ssyncset.done @!p0 $0x0  }
0xc2: {  	[sflag:s0] =	ssyncadd.s32 @!p0 s1  }
0xc3: {  	[bflag:$0x3] =	sbarrier.arrive $0xFFFF  }
0xc4: {  	_ =	shalt  }

// kernel: kernel.14.cloned.1.call-start
scs
__scs_entry_jumppad:
0x0: {  	(pc) =	sbr.rel $0x88, $3  }
0x1: {  	(tag) =	ssettag $0x0;
	lr =	simm.s32 $0x1  }
0x2: {  	[smem:$0x3F98] =	sst lr;
	_ =	strace $0xD0000000  }
0x3: {  	_ = 	snop  }
0x4: {  	_ = 	snop  }
0x5: {  	_ = 	snop  }
0x6: {  	_ = 	snop  }
0x7: {  	_ = 	snop  }
__scs_overlays_trampoline_lowered:
0x8: {  	[smem:$0x3FA7] =	sst s0  }
0x9: {  	[smem:$0x3FA8] =	sst s1  }
0xa: {  	[smem:$0x3FA9] =	sst s2  }
0xb: {  	[smem:$0x3FAA] =	sst s3  }
0xc: {  	[smem:$0x3FAB] =	sst s4  }
0xd: {  	[smem:$0x3FAC] =	sst s5  }
0xe: {  	[smem:$0x3FAD] =	sst s6  }
0xf: {  	[smem:$0x3FAE] =	sst s7  }
0x10: {  	[smem:$0x3FAF] =	sst s8  }
0x11: {  	[smem:$0x3FB0] =	sst s9;
	s0 =	simm.s32 @!p0 $0x0  }
0x12: {  	s1 =	sld [smem:$0x3F96];
	s0 =	simm.s32 @p0 $0x1  }
0x13: {  	[smem:$0x3FB1] =	sst s0;
	s0 =	simm.s32 @!p1 $0x0  }
0x14: {  	s2 =	sld [smem:$0x3F95];
	s0 =	simm.s32 @p1 $0x1  }
0x15: {  	[smem:$0x3FB2] =	sst s0;
	s0 =	simm.s32 @!p2 $0x0  }
0x16: {  	s3 =	sld [smem:$0x3FDB];
	s0 =	simm.s32 @p2 $0x1  }
0x17: {  	s4 =	simm.s32 $0x1BF5;
	[smem:$0x3FB4] =	sst s0  }
0x18: {  	s0 =	sld [smem:$0x3F97];
	_ =	swait.ge [sflag:s4], $0x0  }
0x19: {  	s7 =	sld [smem:$0x3F98]  }
0x1a: {  	s8 =	sadd.s32 $0xFFFFE003, lr  }
0x1b: {  	s9 =	sadd.s32 $0xFFFFFEF7, lr;
	s5 =	simm.s32 $0xFFFFFFFF;
	p2 =	slt.u32 s8, $0xFFFFF086  }
0x1c: {  	p1 =	slt.u32 s9, $0xF7A;
	s5 =	simm.s32 @!p2 $0x0  }
0x1d: {  	s5 =	simm.s32 @p1 $0x1;
	p0 =	seq.s32 s7, s2  }
0x1e: {  	s7 =	smul.u32 @!p0 $0xF7A, s2;
	p2 =	seq.s32 @!p0 s5, $0x0  }
0x1f: {  	s9 =	smul.u32 $0xF7A, s1;
	s8 =	simm.s32 @!p0 $0x1BF5;
	p2 =	por !p2, p0  }
0x20: {  	[sflag:s8] =	ssyncset.s32 @!p0 $0xFFFFF086;
	s6 =	sadd.s32 @!p0 s3, s7;
	s7 =	simm.s32 @!p0 $0x108  }
0x21: {  	s3 =	sadd.s32 s3, s9;
	s6 =	sadd.s32 @!p0 $0x88, s6;
	s7 =	simm.s32 @p2 $0x1082  }
0x22: {  	[simem:s7], [sflag:s8] =	dma.local @!p0 [hbm:s6], $0xF7A  }
0x23: {  	s9 =	sor.u32 $0xD0000000, s2;
	s6 =	simm.s32 $0x108;
	_ =	swait.ge @!p0 [sflag:s8], $0x0  }
0x24: {  	s3 =	sadd.s32 $0x88, s3;
	s6 =	simm.s32 @!p1 $0x1082;
	[sflag:s4] =	ssyncset.s32 $0xFFFFF086  }
0x25: {  	[simem:s6], [sflag:s4] =	dma.local [hbm:s3], $0xF7A  }
0x26: {  	[smem:$0x3F98] =	sst s1;
	(tag) =	ssettag s2;
	_ =	strace s9  }
0x27: {  	s1 =	sld [smem:$0x3FA8]  }
0x28: {  	s2 =	sld [smem:$0x3FA9]  }
0x29: {  	s4 =	sld [smem:$0x3FAB]  }
0x2a: {  	p0 =	seq.s32 s5, $0x0;
	s5 =	sld [smem:$0x3FAC]  }
0x2b: {  	s6 =	sld [smem:$0x3FAD]  }
0x2c: {  	s7 =	sld [smem:$0x3FAE]  }
0x2d: {  	s3 =	simm.s32 $0x108;
	s8 =	sld [smem:$0x3FAF]  }
0x2e: {  	s3 =	simm.s32 @!p0 $0x1082;
	s9 =	sld [smem:$0x3FB0]  }
0x2f: {  	lr =	sadd.s32 s0, s3;
	s0 =	sld [smem:$0x3FA7]  }
0x30: {  	s3 =	sld [smem:$0x3FAA]  }
0x31: {  	[smem:$0x3FB3] =	sst s10  }
0x32: {  	s10 =	sld [smem:$0x3FB1];
	_ =	sdelay $0x3  }
0x33: {  	p0 =	seq.s32 s10, $0x1;
	s10 =	sld [smem:$0x3FB3];
	_ =	sdelay $0x3  }
0x34: {  	[smem:$0x3FB3] =	sst s10  }
0x35: {  	s10 =	sld [smem:$0x3FB2];
	_ =	sdelay $0x3  }
0x36: {  	p1 =	seq.s32 s10, $0x1;
	s10 =	sld [smem:$0x3FB3];
	_ =	sdelay $0x3  }
0x37: {  	[smem:$0x3FB3] =	sst s10  }
0x38: {  	s10 =	sld [smem:$0x3FB4]  }
0x39: {  	_ = 	snop;
	(pc) =	sbr.ind lr, $3  }
0x3a: {  	_ = 	snop  }
0x3b: {  	_ = 	snop  }
0x3c: {  	p2 =	seq.s32 s10, $0x1;
	s10 =	sld [smem:$0x3FB3]  }
0x3d: {  	_ =	shalt  }
0x3e: {  	_ =	shalt  }
0x3f: {  	_ =	shalt  }
0x40: {  	_ =	shalt  }
0x41: {  	_ =	shalt  }
0x42: {  	_ =	shalt  }
0x43: {  	_ =	shalt  }
0x44: {  	_ =	shalt  }
0x45: {  	_ =	shalt  }
0x46: {  	_ =	shalt  }
0x47: {  	_ =	shalt  }
0x48: {  	_ =	shalt  }
0x49: {  	_ =	shalt  }
0x4a: {  	_ =	shalt  }
0x4b: {  	_ =	shalt  }
0x4c: {  	_ =	shalt  }
0x4d: {  	_ =	shalt  }
0x4e: {  	_ =	shalt  }
0x4f: {  	_ =	shalt  }
0x50: {  	_ =	shalt  }
0x51: {  	_ =	shalt  }
0x52: {  	_ =	shalt  }
0x53: {  	_ =	shalt  }
0x54: {  	_ =	shalt  }
0x55: {  	_ =	shalt  }
0x56: {  	_ =	shalt  }
0x57: {  	_ =	shalt  }
0x58: {  	_ =	shalt  }
0x59: {  	_ =	shalt  }
0x5a: {  	_ =	shalt  }
0x5b: {  	_ =	shalt  }
0x5c: {  	_ =	shalt  }
0x5d: {  	_ =	shalt  }
0x5e: {  	_ =	shalt  }
0x5f: {  	_ =	shalt  }
0x60: {  	_ =	shalt  }
0x61: {  	_ =	shalt  }
0x62: {  	_ =	shalt  }
0x63: {  	_ =	shalt  }
0x64: {  	_ =	shalt  }
0x65: {  	_ =	shalt  }
0x66: {  	_ =	shalt  }
0x67: {  	_ =	shalt  }
0x68: {  	_ =	shalt  }
0x69: {  	_ =	shalt  }
0x6a: {  	_ =	shalt  }
0x6b: {  	_ =	shalt  }
0x6c: {  	_ =	shalt  }
0x6d: {  	_ =	shalt  }
0x6e: {  	_ =	shalt  }
0x6f: {  	_ =	shalt  }
0x70: {  	_ =	shalt  }
0x71: {  	_ =	shalt  }
0x72: {  	_ =	shalt  }
0x73: {  	_ =	shalt  }
0x74: {  	_ =	shalt  }
0x75: {  	_ =	shalt  }
0x76: {  	_ =	shalt  }
0x77: {  	_ =	shalt  }
0x78: {  	_ =	shalt  }
0x79: {  	_ =	shalt  }
0x7a: {  	_ =	shalt  }
0x7b: {  	_ =	shalt  }
0x7c: {  	_ =	shalt  }
0x7d: {  	_ =	shalt  }
0x7e: {  	_ =	shalt  }
0x7f: {  	_ =	shalt  }
0x80: {  	_ =	shalt  }
0x81: {  	_ =	shalt  }
0x82: {  	_ =	shalt  }
0x83: {  	_ =	shalt  }
0x84: {  	_ =	shalt  }
0x85: {  	_ =	shalt  }
0x86: {  	_ =	shalt  }
0x87: {  	_ =	shalt  }
.Lfunc_end0:
.L_simem_size_0:
called_computation.2_lowered:
.L_overlay_start_0:
0x88: {  	s2 =	sld [smem:$0x3FD9]  }
0x89: {  	s3 =	sld [smem:$0x3FFE];
	_ =	sdelay $0x1  }
0x8a: {  	s1 =	srdreg.scid  }
0x8b: {  	s0 =	sand.u32 $0x1, s1  }
0x8c: {  	s16 =	sshll.u32 s0, $0xA;
	s2 =	sadd.s32 s3, s2  }
0x8d: {  	s2 =	sadd.s32 s2, s16  }
0x8e: {  	[smem:$0x3FBF] =	sst s2  }
0x8f: {  	_ = 	snop  }
0x90: {  	(tm) =	ssettm $0x1  }
0x91: {  	s17 =	sld [smem:$0x3FFB];
	_ =	sdelay $0x3  }
0x92: {  	_ =	strace s17  }
0x93: {  	s2 =	sld [smem:$0x3FFC];
	_ =	sdelay $0x3  }
0x94: {  	_ =	strace s2  }
0x95: {  	s2 =	sld [smem:$0x3FFD];
	_ =	sdelay $0x3  }
0x96: {  	_ =	strace s2  }
0x97: {  	_ =	strace $0x8FFFFFFF  }
0x98: {  	s18 =	sld [smem:$0x3FDB];
	_ =	sdelay $0x1  }
0x99: {  	s19 =	simm.s32 $_scs_section_size  }
0x9a: {  	s4 =	simm.s32 $_size__tile_overlayer_lowered;
	s5 =	simm.s32 $_tile_overlayer_lowered  }
0x9b: {  	s22 =	simm.s32 $0x1BFF;
	s21 =	sshll.u32 s5, $0x1;
	s2 =	sadd.s32 s19, s18  }
0x9c: {  	s6 =	simm.s32 $0x0;
	s20 =	sshll.u32 s4, $0x1;
	s4 =	sadd.s32 s21, s2  }
0x9d: {  	[timem:s6], [sflag:s22] =	dma.local [hbm:s4], s20  }
0x9e: {  	_ =	swait.ge [sflag:s22], s20  }
0x9f: {  	s3 =	ssub.s32 $0x0, s20;
	[sflag:s22] =	ssyncset.done $0x0  }
0xa0: {  	[sflag:s22] =	ssyncadd.s32 s3;
	_ =	sdelay $0x1  }
0xa1: {  	s23 =	simm.s32 $0x1B8B  }
0xa2: {  	_ =	swait.ge [sflag:s23], $0x1  }
0xa3: {  	[sflag:s23] =	ssyncset.done $0x0  }
0xa4: {  	s25 =	simm.s32 $0x1B8E;
	s24 =	sld [smem:$0x3FFE];
	[sflag:s23] =	ssyncadd.s32 $0xFFFFFFFF  }
0xa5: {  	s26 =	simm.s32 $execute0_lowered;
	[smem:$0x3FD2] =	sst s25  }
0xa6: {  	s4 =	sshll.u32 s26, $0x1;
	_ =	strace $0x8000004C;
	[dreg:$0x1] =	wrdreg $0xFFFFFFFF  }
0xa7: {  	s28 =	simm.s32 $_size_execute0_lowered;
	s2 =	sadd.s32 s2, s4;
	[dreg:$0x0] =	wrdreg $0x0  }
0xa8: {  	s4 =	sshll.u32 s28, $0x1;
	[dreg:$0x2] =	wrdreg s2  }
0xa9: {  	[dreg:$0x3] =	wrdreg s4  }
0xaa: {  	[dreg:$0x4] =	wrdreg $0xC0  }
0xab: {  	_ =	task [dreg:s6], $0x5FFFF  }
0xac: {  	[dreg:$0x1] =	wrdreg $0xFFFFFFFF  }
0xad: {  	[dreg:$0x0] =	wrdreg $0x60  }
0xae: {  	[dreg:$0x2] =	wrdreg s24  }
0xaf: {  	[dreg:$0x3] =	wrdreg $0x150000  }
0xb0: {  	[dreg:$0x4] =	wrdreg $0x9  }
0xb1: {  	_ =	task.clear_ibuf [dreg:s6], $0x5FFFF;
	_ =	strace $0x9000004C  }
0xb2: {  	s29 =	simm.s32 $0x9;
	_ =	strace $0x8000004E  }
0xb3: {  	_ =	swait.ge [sflag:s29], $0x1  }
0xb4: {  	[sflag:s29] =	ssyncadd.s32 $0xFFFFFFFF  }
0xb5: {  	_ =	strace $0x9000004E  }
0xb6: {  	_ =	sfence  }
0xb7: {  	s30 =	sld [smem:$0x0];
	_ =	sdelay $0x2  }
0xb8: {  	s31 =	sshll.u32 s1, $0xD;
	s1 =	sshrl.u32 s1, $0x2  }
0xb9: {  	s3 =	sand.u32 $0x4000, s31;
	s1 =	sadd.s32 s1, s30  }
0xba: {  	s0 =	sor.u32 s3, s0;
	s1 =	sshll.u32 s1, $0x11  }
0xbb: {  	s0 =	sor.u32 s1, s0  }
0xbc: {  	s0 =	sadd.s32 $0x8F2B, s0  }
0xbd: {  	[sflag:s0] =	ssyncadd.remote.s32 $0x1  }
0xbe: {  	_ =	sfence.sel $0xFFFF  }
0xbf: {  	[dreg:$0x0] =	wrdreg $0xFFFFFFFF;
	(pc) =	sbr.abs _section_cstart, $3  }
0xc0: {  	[dreg:$0x1] =	wrdreg $0xFFFFFFFF  }
0xc1: {  	_ =	task.clear_ibuf [dreg:s6], $0x2FFFF;
	_ =	strace $0x9FFFFFFF  }
0xc2: {  	(tm) =	ssettm $0x7FFFFFFF  }
0xc3: {  	_ =	shalt  }
tec
execute0_lowered:
.L_overlay_start_1:
0x0: {  	(tag) =	ssettag $0x1  }
0x1: {  	s0 =	srdreg.scid  }
0x2: {  	s1 =	rddreg [dreg:$0x0];
	s3 =	stileid.u32  }
0x3: {  	s2 =	rddreg [dreg:$0x1];
	s25 =	simm.s32 $0x0;
	s14 =	simm.s32 $0x5000  }
0x4: {  	s15 =	simm.s32 $0x11;
	s28 =	simm.s32 $0xF000;
	s30 =	simm.s32 $0x11000  }
0x5: {  	s29 =	simm.s32 $0x7;
	s31 =	simm.s32 $0x8;
	s5 =	smul.u32 $0x2800, s3  }
0x6: {  	s10 =	simm.s32 $0xD;
	s11 =	simm.s32 $0xE;
	s16 =	smul.u32 $0x9E00, s3  }
0x7: {  	s12 =	simm.s32 $0xF;
	s0 =	sand.u32 $0x1, s0;
	s8 =	smul.u32 $0x27800, s3  }
0x8: {  	s13 =	simm.s32 $0x10;
	[smem:$0x7FF] =	sst s25;
	s4 =	smul.u32 $0x28000, s0  }
0x9: {  	s6 =	smul.u32 $0x9E000, s0;
	_ =	strace $0x8000004D;
	s0 =	ssub.s32 $0x2, s0  }
0xa: {  	s8 =	sshrl.u32 s8, $0x2;
	s9 =	sshrl.u32 s0, $0x1;
	s21 =	sadd.s32 s16, s2  }
0xb: {  	s4 =	sadd.s32 s5, s4;
	s6 =	sadd.s32 s16, s6;
	s17 =	sadd.s32 s8, s2  }
0xc: {  	s0 =	ssub.s32 s0, s9;
	s26 =	sshrl.u32 s21, $0x3;
	s16 =	simm.s32 $0x2  }
0xd: {  	s21 =	simm.s32 $0x4;
	s8 =	simm.s32 $0xB;
	s9 =	simm.s32 $0xC  }
0xe: {  	s7 =	sshrl.u32 s4, $0x3;
	s4 =	sadd.s32 $0x65A00, s1;
	[dreg:$0x4] =	wrdreg s17  }
0xf: {  	s6 =	sshrl.u32 s6, $0x3;
	s18 =	sadd.s32 $0x8000, s17;
	[dreg:$0xd] =	wrdreg s26  }
0x10: {  	s0 =	smax.u32 s0, $0x1;
	s22 =	sadd.s32 $0x2000, s17;
	[dreg:$0x5] =	wrdreg s18  }
0x11: {  	s23 =	sadd.s32 $0x4000, s17;
	s24 =	sadd.s32 $0x6000, s17;
	[dreg:$0x9] =	wrdreg s0  }
0x12: {  	s17 =	simm.s32 $0x80;
	s26 =	simm.s32 $0x6;
	[dreg:$0xa] =	wrdreg s22  }
0x13: {  	s7 =	sadd.s32 s7, s1;
	s1 =	sadd.s32 s6, s1;
	[dreg:$0xb] =	wrdreg s23  }
0x14: {  	[dreg:$0xc] =	wrdreg s24;
	s18 =	simm.s32 $0x7000;
	s22 =	simm.s32 $0xB000  }
.Ltmp0:
0x15: {  	s24 =	simm.s32 $0xD000;
	s19 =	sadd.s32 $0x2A00, s7;
	(pc) =	sbr.rel .LBB2_1-.Ltmp0, $4  }
0x16: {  	s0 =	simm.s32 $0x1;
	s20 =	sadd.s32 $0xCA00, s7;
	[dreg:$0x6] =	wrdreg s19  }
0x17: {  	s23 =	simm.s32 $0x5;
	s1 =	sadd.s32 $0x79600, s1;
	[dreg:$0x7] =	wrdreg s20  }
0x18: {  	s6 =	simm.s32 $0x9;
	s7 =	simm.s32 $0xA;
	[dreg:$0x8] =	wrdreg s1  }
0x19: {  	v0 =	vimm.f32 $0.0e+00;
	s20 =	simm.s32 $0x9000;
	s1 =	simm.s32 $0x13000;
	s19 =	simm.s32 $0x3  }
.LBB2_6:
0x1a: {  	_ =	swait.ge [sflag:s7], $0x2000  }
0x1b: {  	[sflag:s7] =	ssyncset.done $0x0  }
0x1c: {  	[sflag:s7] =	ssyncadd.s32 $0xFFFFE000  }
0x1d: {  	_ =	swait.ge [sflag:s8], $0x2000  }
0x1e: {  	[sflag:s8] =	ssyncset.done $0x0  }
0x1f: {  	[sflag:s8] =	ssyncadd.s32 $0xFFFFE000  }
0x20: {  	_ =	swait.ge [sflag:s9], $0x2000  }
0x21: {  	[sflag:s9] =	ssyncset.done $0x0  }
0x22: {  	[sflag:s9] =	ssyncadd.s32 $0xFFFFE000  }
0x23: {  	_ =	swait.ge [sflag:s10], $0x2000  }
0x24: {  	[sflag:s10] =	ssyncset.done $0x0  }
0x25: {  	[sflag:s10] =	ssyncadd.s32 $0xFFFFE000  }
0x26: {  	_ =	swait.ge [sflag:s11], $0x2000  }
0x27: {  	[sflag:s11] =	ssyncset.done $0x0  }
0x28: {  	[sflag:s11] =	ssyncadd.s32 $0xFFFFE000  }
0x29: {  	_ =	swait.ge [sflag:s12], $0x2000  }
0x2a: {  	[sflag:s12] =	ssyncset.done $0x0  }
0x2b: {  	[sflag:s12] =	ssyncadd.s32 $0xFFFFE000  }
0x2c: {  	_ =	swait.ge [sflag:s13], $0x2000  }
0x2d: {  	[sflag:s13] =	ssyncset.done $0x0  }
0x2e: {  	[sflag:s13] =	ssyncadd.s32 $0xFFFFE000  }
0x2f: {  	s3 =	stileid.u32;
	[bflag:$0x0] =	sbarrier.arrive $0xFFFF  }
0x30: {  	s3 =	sshll.u32 s3, $0x6;
	s5 =	rddreg [dreg:$0x8]  }
0x31: {  	s3 =	sor.u32 $0x1C11, s3;
	s25 =	rddreg [dreg:$0xd]  }
0x32: {  	[hbm:s5], [sflag:s3] =	dma.local [spmem:s25], $0x13C0  }
0x33: {  	_ =	swait.ge [sflag:s15], $0x13C0  }
0x34: {  	s3 =	rddreg [dreg:$0x3]  }
0x35: {  	s5 =	rddreg [dreg:$0x9];
	s25 =	sadd.s32 $0x1, s3  }
0x36: {  	p0 =	sne.s32 s25, s5  }
.Ltmp1:
0x37: {  	_ = 	snop;
	(pc) =	sbr.rel @!p0 .LBB2_7-.Ltmp1, $3  }
0x38: {  	_ =	sdelay $0x1  }
0x39: {  	[sflag:s15] =	ssyncset.done $0x0  }
0x3a: {  	[sflag:s15] =	ssyncadd.s32 $0xFFFFEC40  }
.LBB2_1:
0x3b: {  	[dreg:$0x3] =	wrdreg s25;
	s25 =	simm.s32 $0x100;
	s5 =	simm.s32 $0x0  }
.LBB2_2:
0x3c: {  	p0 =	sne.s32 s25, $0x7F00;
	[tilespmem:s5+$0x5030] =	vst v0;
	s3 =	smov.u32 s25;
	s25 =	sadd.s32 $0x100, s25  }
.Ltmp2:
0x3d: {  	[tilespmem:s5+$0x5020] =	vst v0;
	(pc) =	sbr.rel @p0 .LBB2_2-.Ltmp2, $3  }
0x3e: {  	[tilespmem:s5+$0x5000] =	vst v0  }
0x3f: {  	[tilespmem:s5+$0x5010] =	vst v0;
	_ =	sdelay $0x1  }
0x40: {  	s5 =	sshra.s32 s3, $0x2  }
0x41: {  	[tilespmem:s5+$0x5030] =	vst v0  }
0x42: {  	[tilespmem:s5+$0x5020] =	vst v0  }
0x43: {  	[tilespmem:s5+$0x5000] =	vst v0  }
0x44: {  	[tilespmem:s5+$0x5010] =	vst v0;
	s3 =	rddreg [dreg:$0x4]  }
0x45: {  	[spmem:s3] =	stream.linear.scatter [tilespmem:s14], [sflag:$0x11], $0x2000, $0x38;
	[tilespmem:$0x1EE00] =	vst v63  }
0x46: {  	_ =	swait.ge [sflag:s15], $0x2000  }
0x47: {  	[sflag:s15] =	ssyncset.done $0x0  }
0x48: {  	s5 =	rddreg [dreg:$0xa];
	[sflag:s15] =	ssyncadd.s32 $0xFFFFE000  }
0x49: {  	[spmem:s5] =	stream.linear.scatter [tilespmem:s14], [sflag:$0x11], $0x2000, $0x38;
	[tilespmem:$0x1EE00] =	vst v63  }
0x4a: {  	_ =	swait.ge [sflag:s15], $0x2000  }
0x4b: {  	[sflag:s15] =	ssyncset.done $0x0  }
0x4c: {  	s25 =	rddreg [dreg:$0xb];
	[sflag:s15] =	ssyncadd.s32 $0xFFFFE000  }
0x4d: {  	[spmem:s25] =	stream.linear.scatter [tilespmem:s14], [sflag:$0x11], $0x2000, $0x38;
	[tilespmem:$0x1EE00] =	vst v63  }
0x4e: {  	_ =	swait.ge [sflag:s15], $0x2000  }
0x4f: {  	[sflag:s15] =	ssyncset.done $0x0  }
0x50: {  	s5 =	rddreg [dreg:$0xc];
	[sflag:s15] =	ssyncadd.s32 $0xFFFFE000  }
0x51: {  	[spmem:s5] =	stream.linear.scatter [tilespmem:s14], [sflag:$0x11], $0x2000, $0x38;
	[tilespmem:$0x1EE00] =	vst v63  }
0x52: {  	_ =	swait.ge [sflag:s15], $0x2000  }
0x53: {  	[sflag:s15] =	ssyncset.done $0x0  }
0x54: {  	s25 =	rddreg [dreg:$0x5];
	[sflag:s15] =	ssyncadd.s32 $0xFFFFE000  }
0x55: {  	[spmem:s25] =	stream.linear.scatter [tilespmem:s14], [sflag:$0x11], $0x1E00, $0x38;
	[tilespmem:$0x1EE00] =	vst v63  }
0x56: {  	_ =	swait.ge [sflag:s15], $0x1E00  }
0x57: {  	[sflag:s15] =	ssyncset.done $0x0  }
0x58: {  	s25 =	simm.s32 $0x0;
	s5 =	rddreg [dreg:$0x6];
	[sflag:s15] =	ssyncadd.s32 $0xFFFFE200  }
0x59: {  	[tilespmem:s25], [sflag:$0x11] =	stream.linear.gather [hbm4b:s5+s25], $0x2800, $0x38;
	[tilespmem:$0x1EE00] =	vst v63  }
0x5a: {  	_ =	swait.ge [sflag:s15], $0x2800  }
0x5b: {  	[sflag:s15] =	ssyncset.done $0x0  }
0x5c: {  	s5 =	simm.s32 $0x2800;
	s3 =	rddreg [dreg:$0x7];
	[sflag:s15] =	ssyncadd.s32 $0xFFFFD800  }
0x5d: {  	[tilespmem:s5], [sflag:$0x11] =	stream.linear.gather [hbm4b:s3+s25], $0x2800, $0x38;
	[tilespmem:$0x1EE00] =	vst v63  }
0x5e: {  	_ =	swait.ge [sflag:s15], $0x2800  }
0x5f: {  	[sflag:s15] =	ssyncset.done $0x0  }
0x60: {  	[sflag:s15] =	ssyncadd.s32 $0xFFFFD800  }
0x61: {  	[bflag:$0x0] =	sbarrier.arrive $0xFFFF  }
0x62: {  	[tilespmem:s14], [sflag:$0x1] =	stream.indirect.gather [hbm4b:s4+s17], $0x40, s25, s17, $0xb8;
	[tilespmem:$0x1EE00] =	vst v63  }
0x63: {  	_ = 	snop  }
0x64: {  	[tilespmem:s18], [sflag:$0x2] =	stream.indirect.gather [hbm4b:s4+s17], $0x40, s17, s17, $0xb8;
	[tilespmem:$0x1EE00] =	vst v63  }
0x65: {  	s5 =	simm.s32 $0x100  }
0x66: {  	[tilespmem:s20], [sflag:$0x3] =	stream.indirect.gather [hbm4b:s4+s17], $0x40, s5, s17, $0xb8;
	[tilespmem:$0x1EE00] =	vst v63  }
0x67: {  	s5 =	simm.s32 $0x180  }
0x68: {  	[tilespmem:s22], [sflag:$0x4] =	stream.indirect.gather [hbm4b:s4+s17], $0x40, s5, s17, $0xb8;
	[tilespmem:$0x1EE00] =	vst v63  }
0x69: {  	s5 =	simm.s32 $0x200  }
0x6a: {  	[tilespmem:s24], [sflag:$0x5] =	stream.indirect.gather [hbm4b:s4+s17], $0x40, s5, s17, $0xb8;
	[tilespmem:$0x1EE00] =	vst v63  }
0x6b: {  	s5 =	simm.s32 $0x280  }
0x6c: {  	[tilespmem:s28], [sflag:$0x6] =	stream.indirect.gather [hbm4b:s4+s17], $0x40, s5, s17, $0xb8;
	[tilespmem:$0x1EE00] =	vst v63  }
0x6d: {  	s5 =	simm.s32 $0x300  }
0x6e: {  	[tilespmem:s30], [sflag:$0x7] =	stream.indirect.gather [hbm4b:s4+s17], $0x40, s5, s17, $0xb8;
	[tilespmem:$0x1EE00] =	vst v63  }
0x6f: {  	s5 =	simm.s32 $0x380  }
0x70: {  	[tilespmem:s1], [sflag:$0x8] =	stream.indirect.gather [hbm4b:s4+s17], $0x40, s5, s17, $0xb8;
	[tilespmem:$0x1EE00] =	vst v63  }
.LBB2_4:
0x71: {  	_ =	swait.ge [sflag:s0], $0x2000  }
0x72: {  	s5 =	sshra.s32 s25, $0x2;
	[sflag:s0] =	ssyncset.done $0x0  }
0x73: {  	s3 =	sadd.s32 $0x2800, s5;
	[sflag:s0] =	ssyncadd.s32 $0xFFFFE000  }
0x74: {  	[spmem:s2] =	stream.indirect.scatter.add.f32 [tilespmem:s14], [sflag:$0x9], $0x40, s3, s17, $0xb8;
	[tilespmem:$0x1EE00] =	vst v63  }
0x75: {  	_ =	swait.ge [sflag:s16], $0x2000  }
0x76: {  	[sflag:s16] =	ssyncset.done $0x0  }
0x77: {  	s3 =	sadd.s32 $0x2880, s5;
	[sflag:s16] =	ssyncadd.s32 $0xFFFFE000  }
0x78: {  	[spmem:s2] =	stream.indirect.scatter.add.f32 [tilespmem:s18], [sflag:$0xA], $0x40, s3, s17, $0xb8;
	[tilespmem:$0x1EE00] =	vst v63  }
0x79: {  	_ =	swait.ge [sflag:s19], $0x2000  }
0x7a: {  	[sflag:s19] =	ssyncset.done $0x0  }
0x7b: {  	s3 =	sadd.s32 $0x2900, s5;
	[sflag:s19] =	ssyncadd.s32 $0xFFFFE000  }
0x7c: {  	[spmem:s2] =	stream.indirect.scatter.add.f32 [tilespmem:s20], [sflag:$0xB], $0x40, s3, s17, $0xb8;
	[tilespmem:$0x1EE00] =	vst v63  }
0x7d: {  	_ =	swait.ge [sflag:s21], $0x2000  }
0x7e: {  	[sflag:s21] =	ssyncset.done $0x0  }
0x7f: {  	s3 =	sadd.s32 $0x2980, s5;
	[sflag:s21] =	ssyncadd.s32 $0xFFFFE000  }
0x80: {  	[spmem:s2] =	stream.indirect.scatter.add.f32 [tilespmem:s22], [sflag:$0xC], $0x40, s3, s17, $0xb8;
	[tilespmem:$0x1EE00] =	vst v63  }
0x81: {  	_ =	swait.ge [sflag:s23], $0x2000  }
0x82: {  	[sflag:s23] =	ssyncset.done $0x0  }
0x83: {  	s3 =	sadd.s32 $0x2A00, s5;
	[sflag:s23] =	ssyncadd.s32 $0xFFFFE000  }
0x84: {  	[spmem:s2] =	stream.indirect.scatter.add.f32 [tilespmem:s24], [sflag:$0xD], $0x40, s3, s17, $0xb8;
	[tilespmem:$0x1EE00] =	vst v63  }
0x85: {  	_ =	swait.ge [sflag:s26], $0x2000  }
0x86: {  	[sflag:s26] =	ssyncset.done $0x0  }
0x87: {  	s3 =	sadd.s32 $0x2A80, s5;
	[sflag:s26] =	ssyncadd.s32 $0xFFFFE000  }
0x88: {  	[spmem:s2] =	stream.indirect.scatter.add.f32 [tilespmem:s28], [sflag:$0xE], $0x40, s3, s17, $0xb8;
	[tilespmem:$0x1EE00] =	vst v63  }
0x89: {  	_ =	swait.ge [sflag:s29], $0x2000  }
0x8a: {  	[sflag:s29] =	ssyncset.done $0x0  }
0x8b: {  	s3 =	sadd.s32 $0x2B00, s5;
	[sflag:s29] =	ssyncadd.s32 $0xFFFFE000  }
0x8c: {  	[spmem:s2] =	stream.indirect.scatter.add.f32 [tilespmem:s30], [sflag:$0xF], $0x40, s3, s17, $0xb8;
	[tilespmem:$0x1EE00] =	vst v63  }
0x8d: {  	_ =	swait.ge [sflag:s31], $0x2000  }
0x8e: {  	p0 =	seq.s32 s25, $0x9000;
	[sflag:s31] =	ssyncset.done $0x0  }
.Ltmp3:
0x8f: {  	s3 =	sadd.s32 $0x2B80, s5;
	[sflag:s31] =	ssyncadd.s32 $0xFFFFE000;
	(pc) =	sbr.rel @p0 .LBB2_6-.Ltmp3, $4  }
0x90: {  	[spmem:s2] =	stream.indirect.scatter.add.f32 [tilespmem:s1], [sflag:$0x10], $0x40, s3, s17, $0xb8;
	[tilespmem:$0x1EE00] =	vst v63  }
0x91: {  	_ =	swait.ge [sflag:s6], $0x2000  }
0x92: {  	[sflag:s6] =	ssyncset.done $0x0  }
0x93: {  	[sflag:s6] =	ssyncadd.s32 $0xFFFFE000  }
0x94: {  	s3 =	sadd.s32 $0x400, s5  }
0x95: {  	[tilespmem:s14], [sflag:$0x1] =	stream.indirect.gather [hbm4b:s4+s17], $0x40, s3, s17, $0xb8;
	[tilespmem:$0x1EE00] =	vst v63  }
0x96: {  	_ =	swait.ge [sflag:s7], $0x2000  }
0x97: {  	[sflag:s7] =	ssyncset.done $0x0  }
0x98: {  	s3 =	sadd.s32 $0x480, s5;
	[sflag:s7] =	ssyncadd.s32 $0xFFFFE000  }
0x99: {  	[tilespmem:s18], [sflag:$0x2] =	stream.indirect.gather [hbm4b:s4+s17], $0x40, s3, s17, $0xb8;
	[tilespmem:$0x1EE00] =	vst v63  }
0x9a: {  	_ =	swait.ge [sflag:s8], $0x2000  }
0x9b: {  	[sflag:s8] =	ssyncset.done $0x0  }
0x9c: {  	s3 =	sadd.s32 $0x500, s5;
	[sflag:s8] =	ssyncadd.s32 $0xFFFFE000  }
0x9d: {  	[tilespmem:s20], [sflag:$0x3] =	stream.indirect.gather [hbm4b:s4+s17], $0x40, s3, s17, $0xb8;
	[tilespmem:$0x1EE00] =	vst v63  }
0x9e: {  	_ =	swait.ge [sflag:s9], $0x2000  }
0x9f: {  	[sflag:s9] =	ssyncset.done $0x0  }
0xa0: {  	s3 =	sadd.s32 $0x580, s5;
	[sflag:s9] =	ssyncadd.s32 $0xFFFFE000  }
0xa1: {  	[tilespmem:s22], [sflag:$0x4] =	stream.indirect.gather [hbm4b:s4+s17], $0x40, s3, s17, $0xb8;
	[tilespmem:$0x1EE00] =	vst v63  }
0xa2: {  	_ =	swait.ge [sflag:s10], $0x2000  }
0xa3: {  	[sflag:s10] =	ssyncset.done $0x0  }
0xa4: {  	s3 =	sadd.s32 $0x600, s5;
	[sflag:s10] =	ssyncadd.s32 $0xFFFFE000  }
0xa5: {  	[tilespmem:s24], [sflag:$0x5] =	stream.indirect.gather [hbm4b:s4+s17], $0x40, s3, s17, $0xb8;
	[tilespmem:$0x1EE00] =	vst v63  }
0xa6: {  	_ =	swait.ge [sflag:s11], $0x2000  }
0xa7: {  	[sflag:s11] =	ssyncset.done $0x0  }
0xa8: {  	s3 =	sadd.s32 $0x680, s5;
	[sflag:s11] =	ssyncadd.s32 $0xFFFFE000  }
0xa9: {  	[tilespmem:s28], [sflag:$0x6] =	stream.indirect.gather [hbm4b:s4+s17], $0x40, s3, s17, $0xb8;
	[tilespmem:$0x1EE00] =	vst v63  }
0xaa: {  	_ =	swait.ge [sflag:s12], $0x2000  }
0xab: {  	[sflag:s12] =	ssyncset.done $0x0  }
0xac: {  	s3 =	sadd.s32 $0x700, s5;
	[sflag:s12] =	ssyncadd.s32 $0xFFFFE000  }
0xad: {  	[tilespmem:s30], [sflag:$0x7] =	stream.indirect.gather [hbm4b:s4+s17], $0x40, s3, s17, $0xb8;
	[tilespmem:$0x1EE00] =	vst v63  }
.Ltmp4:
0xae: {  	_ = 	snop;
	(pc) =	sbr.rel .LBB2_4-.Ltmp4, $4  }
0xaf: {  	_ =	swait.ge [sflag:s13], $0x2000  }
0xb0: {  	[sflag:s13] =	ssyncset.done $0x0  }
0xb1: {  	s25 =	sadd.s32 $0x1000, s25;
	s5 =	sadd.s32 $0x780, s5;
	[sflag:s13] =	ssyncadd.s32 $0xFFFFE000  }
0xb2: {  	[tilespmem:s1], [sflag:$0x8] =	stream.indirect.gather [hbm4b:s4+s17], $0x40, s5, s17, $0xb8;
	[tilespmem:$0x1EE00] =	vst v63  }
.LBB2_7:
0xb3: {  	_ =	sfence.sel $0x180000  }
0xb4: {  	[bflag:$0x0] =	sbarrier.arrive $0xFFFF  }
0xb5: {  	_ =	strace $0x9000004D  }
0xb6: {  	s0 =	stileid.u32;
	[bflag:$0x2] =	sbarrier.arrive $0xFFFF  }
0xb7: {  	p0 =	sne.s32 s0, $0x0;
	s0 =	rddreg [dreg:$0x2]  }
0xb8: {  	s0 =	sadd.s32 @!p0 $0x100000, s0  }
0xb9: {  	[sflag:s0] =	ssyncadd.tile.s32 @!p0 $0x1;
	_ =	shalt  }
.Lfunc_end2:
_tile_overlayer_lowered:
.L_overlay_start_2:
0xba: {  	(tag) =	ssettag $0x2  }
0xbb: {  	s0 =	rddreg [dreg:$0x0];
	s2 =	stileid.u32  }
0xbc: {  	s1 =	rddreg [dreg:$0x1];
	p0 =	sne.s32 s2, $0x0  }
0xbd: {  	s3 =	rddreg [dreg:$0x2];
	[bflag:$0x3] =	sbarrier.arrive $0xFFFF;
	s2 =	simm.s32 @!p0 $0x1C11  }
0xbe: {  	[timem:s3], [sflag:s2] =	dma.local @!p0 [hbm:s0], s1  }
0xbf: {  	s0 =	simm.s32 @!p0 $0x11  }
0xc0: {  	_ =	swait.ge @!p0 [sflag:s0], s1  }
0xc1: {  	s1 =	ssub.s32 @!p0 $0x0, s1;
	[sflag:s0] =	ssyncset.done @!p0 $0x0  }
0xc2: {  	[sflag:s0] =	ssyncadd.s32 @!p0 s1  }
0xc3: {  	[bflag:$0x3] =	sbarrier.arrive $0xFFFF  }
0xc4: {  	_ =	shalt  }

// kernel: kernel.8.cloned.1.call-start
scs
__scs_entry_jumppad:
0x0: {  	(pc) =	sbr.rel $0x88, $3  }
0x1: {  	(tag) =	ssettag $0x0;
	lr =	simm.s32 $0x1  }
0x2: {  	[smem:$0x3F98] =	sst lr;
	_ =	strace $0xD0000000  }
0x3: {  	_ = 	snop  }
0x4: {  	_ = 	snop  }
0x5: {  	_ = 	snop  }
0x6: {  	_ = 	snop  }
0x7: {  	_ = 	snop  }
__scs_overlays_trampoline_lowered:
0x8: {  	[smem:$0x3FA7] =	sst s0  }
0x9: {  	[smem:$0x3FA8] =	sst s1  }
0xa: {  	[smem:$0x3FA9] =	sst s2  }
0xb: {  	[smem:$0x3FAA] =	sst s3  }
0xc: {  	[smem:$0x3FAB] =	sst s4  }
0xd: {  	[smem:$0x3FAC] =	sst s5  }
0xe: {  	[smem:$0x3FAD] =	sst s6  }
0xf: {  	[smem:$0x3FAE] =	sst s7  }
0x10: {  	[smem:$0x3FAF] =	sst s8  }
0x11: {  	[smem:$0x3FB0] =	sst s9;
	s0 =	simm.s32 @!p0 $0x0  }
0x12: {  	s1 =	sld [smem:$0x3F96];
	s0 =	simm.s32 @p0 $0x1  }
0x13: {  	[smem:$0x3FB1] =	sst s0;
	s0 =	simm.s32 @!p1 $0x0  }
0x14: {  	s2 =	sld [smem:$0x3F95];
	s0 =	simm.s32 @p1 $0x1  }
0x15: {  	[smem:$0x3FB2] =	sst s0;
	s0 =	simm.s32 @!p2 $0x0  }
0x16: {  	s3 =	sld [smem:$0x3FDB];
	s0 =	simm.s32 @p2 $0x1  }
0x17: {  	s4 =	simm.s32 $0x1BF5;
	[smem:$0x3FB4] =	sst s0  }
0x18: {  	s0 =	sld [smem:$0x3F97];
	_ =	swait.ge [sflag:s4], $0x0  }
0x19: {  	s7 =	sld [smem:$0x3F98]  }
0x1a: {  	s8 =	sadd.s32 $0xFFFFE003, lr  }
0x1b: {  	s9 =	sadd.s32 $0xFFFFFEF7, lr;
	s5 =	simm.s32 $0xFFFFFFFF;
	p2 =	slt.u32 s8, $0xFFFFF086  }
0x1c: {  	p1 =	slt.u32 s9, $0xF7A;
	s5 =	simm.s32 @!p2 $0x0  }
0x1d: {  	s5 =	simm.s32 @p1 $0x1;
	p0 =	seq.s32 s7, s2  }
0x1e: {  	s7 =	smul.u32 @!p0 $0xF7A, s2;
	p2 =	seq.s32 @!p0 s5, $0x0  }
0x1f: {  	s9 =	smul.u32 $0xF7A, s1;
	s8 =	simm.s32 @!p0 $0x1BF5;
	p2 =	por !p2, p0  }
0x20: {  	[sflag:s8] =	ssyncset.s32 @!p0 $0xFFFFF086;
	s6 =	sadd.s32 @!p0 s3, s7;
	s7 =	simm.s32 @!p0 $0x108  }
0x21: {  	s3 =	sadd.s32 s3, s9;
	s6 =	sadd.s32 @!p0 $0x88, s6;
	s7 =	simm.s32 @p2 $0x1082  }
0x22: {  	[simem:s7], [sflag:s8] =	dma.local @!p0 [hbm:s6], $0xF7A  }
0x23: {  	s9 =	sor.u32 $0xD0000000, s2;
	s6 =	simm.s32 $0x108;
	_ =	swait.ge @!p0 [sflag:s8], $0x0  }
0x24: {  	s3 =	sadd.s32 $0x88, s3;
	s6 =	simm.s32 @!p1 $0x1082;
	[sflag:s4] =	ssyncset.s32 $0xFFFFF086  }
0x25: {  	[simem:s6], [sflag:s4] =	dma.local [hbm:s3], $0xF7A  }
0x26: {  	[smem:$0x3F98] =	sst s1;
	(tag) =	ssettag s2;
	_ =	strace s9  }
0x27: {  	s1 =	sld [smem:$0x3FA8]  }
0x28: {  	s2 =	sld [smem:$0x3FA9]  }
0x29: {  	s4 =	sld [smem:$0x3FAB]  }
0x2a: {  	p0 =	seq.s32 s5, $0x0;
	s5 =	sld [smem:$0x3FAC]  }
0x2b: {  	s6 =	sld [smem:$0x3FAD]  }
0x2c: {  	s7 =	sld [smem:$0x3FAE]  }
0x2d: {  	s3 =	simm.s32 $0x108;
	s8 =	sld [smem:$0x3FAF]  }
0x2e: {  	s3 =	simm.s32 @!p0 $0x1082;
	s9 =	sld [smem:$0x3FB0]  }
0x2f: {  	lr =	sadd.s32 s0, s3;
	s0 =	sld [smem:$0x3FA7]  }
0x30: {  	s3 =	sld [smem:$0x3FAA]  }
0x31: {  	[smem:$0x3FB3] =	sst s10  }
0x32: {  	s10 =	sld [smem:$0x3FB1];
	_ =	sdelay $0x3  }
0x33: {  	p0 =	seq.s32 s10, $0x1;
	s10 =	sld [smem:$0x3FB3];
	_ =	sdelay $0x3  }
0x34: {  	[smem:$0x3FB3] =	sst s10  }
0x35: {  	s10 =	sld [smem:$0x3FB2];
	_ =	sdelay $0x3  }
0x36: {  	p1 =	seq.s32 s10, $0x1;
	s10 =	sld [smem:$0x3FB3];
	_ =	sdelay $0x3  }
0x37: {  	[smem:$0x3FB3] =	sst s10  }
0x38: {  	s10 =	sld [smem:$0x3FB4]  }
0x39: {  	_ = 	snop;
	(pc) =	sbr.ind lr, $3  }
0x3a: {  	_ = 	snop  }
0x3b: {  	_ = 	snop  }
0x3c: {  	p2 =	seq.s32 s10, $0x1;
	s10 =	sld [smem:$0x3FB3]  }
0x3d: {  	_ =	shalt  }
0x3e: {  	_ =	shalt  }
0x3f: {  	_ =	shalt  }
0x40: {  	_ =	shalt  }
0x41: {  	_ =	shalt  }
0x42: {  	_ =	shalt  }
0x43: {  	_ =	shalt  }
0x44: {  	_ =	shalt  }
0x45: {  	_ =	shalt  }
0x46: {  	_ =	shalt  }
0x47: {  	_ =	shalt  }
0x48: {  	_ =	shalt  }
0x49: {  	_ =	shalt  }
0x4a: {  	_ =	shalt  }
0x4b: {  	_ =	shalt  }
0x4c: {  	_ =	shalt  }
0x4d: {  	_ =	shalt  }
0x4e: {  	_ =	shalt  }
0x4f: {  	_ =	shalt  }
0x50: {  	_ =	shalt  }
0x51: {  	_ =	shalt  }
0x52: {  	_ =	shalt  }
0x53: {  	_ =	shalt  }
0x54: {  	_ =	shalt  }
0x55: {  	_ =	shalt  }
0x56: {  	_ =	shalt  }
0x57: {  	_ =	shalt  }
0x58: {  	_ =	shalt  }
0x59: {  	_ =	shalt  }
0x5a: {  	_ =	shalt  }
0x5b: {  	_ =	shalt  }
0x5c: {  	_ =	shalt  }
0x5d: {  	_ =	shalt  }
0x5e: {  	_ =	shalt  }
0x5f: {  	_ =	shalt  }
0x60: {  	_ =	shalt  }
0x61: {  	_ =	shalt  }
0x62: {  	_ =	shalt  }
0x63: {  	_ =	shalt  }
0x64: {  	_ =	shalt  }
0x65: {  	_ =	shalt  }
0x66: {  	_ =	shalt  }
0x67: {  	_ =	shalt  }
0x68: {  	_ =	shalt  }
0x69: {  	_ =	shalt  }
0x6a: {  	_ =	shalt  }
0x6b: {  	_ =	shalt  }
0x6c: {  	_ =	shalt  }
0x6d: {  	_ =	shalt  }
0x6e: {  	_ =	shalt  }
0x6f: {  	_ =	shalt  }
0x70: {  	_ =	shalt  }
0x71: {  	_ =	shalt  }
0x72: {  	_ =	shalt  }
0x73: {  	_ =	shalt  }
0x74: {  	_ =	shalt  }
0x75: {  	_ =	shalt  }
0x76: {  	_ =	shalt  }
0x77: {  	_ =	shalt  }
0x78: {  	_ =	shalt  }
0x79: {  	_ =	shalt  }
0x7a: {  	_ =	shalt  }
0x7b: {  	_ =	shalt  }
0x7c: {  	_ =	shalt  }
0x7d: {  	_ =	shalt  }
0x7e: {  	_ =	shalt  }
0x7f: {  	_ =	shalt  }
0x80: {  	_ =	shalt  }
0x81: {  	_ =	shalt  }
0x82: {  	_ =	shalt  }
0x83: {  	_ =	shalt  }
0x84: {  	_ =	shalt  }
0x85: {  	_ =	shalt  }
0x86: {  	_ =	shalt  }
0x87: {  	_ =	shalt  }
.Lfunc_end0:
.L_simem_size_0:
called_computation_lowered:
.L_overlay_start_0:
0x88: {  	s2 =	sld [smem:$0x3FD9]  }
0x89: {  	s3 =	sld [smem:$0x3FFE];
	_ =	sdelay $0x1  }
0x8a: {  	s1 =	srdreg.scid  }
0x8b: {  	s0 =	sand.u32 $0x1, s1  }
0x8c: {  	s16 =	sshll.u32 s0, $0xA;
	s2 =	sadd.s32 s3, s2  }
0x8d: {  	s2 =	sadd.s32 s2, s16  }
0x8e: {  	[smem:$0x3FBF] =	sst s2  }
0x8f: {  	_ = 	snop  }
0x90: {  	(tm) =	ssettm $0x1  }
0x91: {  	s17 =	sld [smem:$0x3FFB];
	_ =	sdelay $0x3  }
0x92: {  	_ =	strace s17  }
0x93: {  	s2 =	sld [smem:$0x3FFC];
	_ =	sdelay $0x3  }
0x94: {  	_ =	strace s2  }
0x95: {  	s2 =	sld [smem:$0x3FFD];
	_ =	sdelay $0x3  }
0x96: {  	_ =	strace s2  }
0x97: {  	_ =	strace $0x8FFFFFFF  }
0x98: {  	s18 =	sld [smem:$0x3FDB];
	_ =	sdelay $0x1  }
0x99: {  	s19 =	simm.s32 $_scs_section_size  }
0x9a: {  	s4 =	simm.s32 $_size__tile_overlayer_lowered;
	s5 =	simm.s32 $_tile_overlayer_lowered  }
0x9b: {  	s22 =	simm.s32 $0x1BFF;
	s21 =	sshll.u32 s5, $0x1;
	s2 =	sadd.s32 s19, s18  }
0x9c: {  	s6 =	simm.s32 $0x0;
	s20 =	sshll.u32 s4, $0x1;
	s4 =	sadd.s32 s21, s2  }
0x9d: {  	[timem:s6], [sflag:s22] =	dma.local [hbm:s4], s20  }
0x9e: {  	_ =	swait.ge [sflag:s22], s20  }
0x9f: {  	s3 =	ssub.s32 $0x0, s20;
	[sflag:s22] =	ssyncset.done $0x0  }
0xa0: {  	[sflag:s22] =	ssyncadd.s32 s3;
	_ =	sdelay $0x1  }
0xa1: {  	s23 =	simm.s32 $0x1B8B  }
0xa2: {  	_ =	swait.ge [sflag:s23], $0x1  }
0xa3: {  	[sflag:s23] =	ssyncset.done $0x0  }
0xa4: {  	s25 =	simm.s32 $0x1B8E;
	s24 =	sld [smem:$0x3FFE];
	[sflag:s23] =	ssyncadd.s32 $0xFFFFFFFF  }
0xa5: {  	s26 =	simm.s32 $execute0_lowered;
	[smem:$0x3FD2] =	sst s25  }
0xa6: {  	s4 =	sshll.u32 s26, $0x1;
	_ =	strace $0x80000046;
	[dreg:$0x1] =	wrdreg $0xFFFFFFFF  }
0xa7: {  	s28 =	simm.s32 $_size_execute0_lowered;
	s2 =	sadd.s32 s2, s4;
	[dreg:$0x0] =	wrdreg $0x0  }
0xa8: {  	s4 =	sshll.u32 s28, $0x1;
	[dreg:$0x2] =	wrdreg s2  }
0xa9: {  	[dreg:$0x3] =	wrdreg s4  }
0xaa: {  	[dreg:$0x4] =	wrdreg $0xC0  }
0xab: {  	_ =	task [dreg:s6], $0x5FFFF  }
0xac: {  	[dreg:$0x1] =	wrdreg $0xFFFFFFFF  }
0xad: {  	[dreg:$0x0] =	wrdreg $0x60  }
0xae: {  	[dreg:$0x2] =	wrdreg s24  }
0xaf: {  	[dreg:$0x3] =	wrdreg $0x30000  }
0xb0: {  	[dreg:$0x4] =	wrdreg $0x9  }
0xb1: {  	_ =	task.clear_ibuf [dreg:s6], $0x5FFFF;
	_ =	strace $0x90000046  }
0xb2: {  	s29 =	simm.s32 $0x9;
	_ =	strace $0x80000048  }
0xb3: {  	_ =	swait.ge [sflag:s29], $0x1  }
0xb4: {  	[sflag:s29] =	ssyncadd.s32 $0xFFFFFFFF  }
0xb5: {  	_ =	strace $0x90000048  }
0xb6: {  	_ =	sfence  }
0xb7: {  	s30 =	sld [smem:$0x0];
	_ =	sdelay $0x2  }
0xb8: {  	s31 =	sshll.u32 s1, $0xD;
	s1 =	sshrl.u32 s1, $0x2  }
0xb9: {  	s3 =	sand.u32 $0x4000, s31;
	s1 =	sadd.s32 s1, s30  }
0xba: {  	s0 =	sor.u32 s3, s0;
	s1 =	sshll.u32 s1, $0x11  }
0xbb: {  	s0 =	sor.u32 s1, s0  }
0xbc: {  	s0 =	sadd.s32 $0x8F2B, s0  }
0xbd: {  	[sflag:s0] =	ssyncadd.remote.s32 $0x1  }
0xbe: {  	_ =	sfence.sel $0xFFFF  }
0xbf: {  	[dreg:$0x0] =	wrdreg $0xFFFFFFFF;
	(pc) =	sbr.abs _section_cstart, $3  }
0xc0: {  	[dreg:$0x1] =	wrdreg $0xFFFFFFFF  }
0xc1: {  	_ =	task.clear_ibuf [dreg:s6], $0x2FFFF;
	_ =	strace $0x9FFFFFFF  }
0xc2: {  	(tm) =	ssettm $0x7FFFFFFF  }
0xc3: {  	_ =	shalt  }
tec
execute0_lowered:
.L_overlay_start_1:
0x0: {  	(tag) =	ssettag $0x1  }
0x1: {  	s0 =	srdreg.scid;
	s4 =	rddreg [dreg:$0x0]  }
0x2: {  	s2 =	rddreg [dreg:$0x1];
	s5 =	sand.u32 $0x1, s0  }
0x3: {  	s0 =	stileid.u32;
	s6 =	smul.u32 $0x28000, s5  }
0x4: {  	s1 =	rddreg [dreg:$0x2];
	s3 =	simm.s32 $0x0;
	s7 =	smul.u32 $0x2800, s0  }
0x5: {  	s12 =	simm.s32 $0x2800;
	s13 =	simm.s32 $0x2;
	s8 =	smul.u32 $0x13C00, s5  }
0x6: {  	s14 =	simm.s32 $0x80;
	s15 =	simm.s32 $0x1;
	s28 =	smul.u32 $0x13C0, s0  }
0x7: {  	[smem:$0x7FF] =	sst s3;
	s9 =	smul.u32 $0x9E00, s0;
	s5 =	ssub.s32 $0x2, s5  }
0x8: {  	_ =	strace $0x80000047;
	s16 =	sshll.u32 s0, $0x6;
	s30 =	sshrl.u32 s5, $0x1  }
0x9: {  	s6 =	sadd.s32 s7, s6;
	s7 =	sadd.s32 s28, s8;
	s29 =	sshrl.u32 s9, $0x2  }
0xa: {  	s31 =	ssub.s32 s5, s30;
	s6 =	sshrl.u32 s6, $0x3;
	s7 =	sshrl.u32 s7, $0x3  }
0xb: {  	s6 =	sadd.s32 s6, s4;
	s7 =	sadd.s32 s7, s4;
	s4 =	sadd.s32 s29, s2  }
0xc: {  	s16 =	sor.u32 $0x1C02, s16;
	s8 =	smax.u32 s31, $0x1;
	s5 =	sadd.s32 $0x2000, s4  }
0xd: {  	s6 =	sadd.s32 $0xCA00, s6;
	s7 =	sadd.s32 $0x16A00, s7;
	s9 =	sadd.s32 $0x800, s4  }
0xe: {  	v0 =	vimm.f32 $0.0e+00;
	v1 =	vimm.f32 $1.000000000e+00;
	s10 =	sadd.s32 $0x1000, s4;
	s11 =	sadd.s32 $0x1800, s4;
	s17 =	sshrl.u32 s4, $0x3  }
.LBB2_1:
0xf: {  	s18 =	simm.s32 $0x40;
	s19 =	simm.s32 $0x0  }
.LBB2_2:
0x10: {  	p0 =	sne.s32 s18, $0x1FC0;
	[tilespmem:s19+$0x2800] =	vst v0;
	s19 =	smov.u32 s18;
	s18 =	sadd.s32 $0x40, s18  }
.Ltmp0:
0x11: {  	(pc) =	sbr.rel @p0 .LBB2_2-.Ltmp0, $2  }
0x12: {  	_ =	sdelay $0x2  }
0x13: {  	s19 =	sshra.s32 s19, $0x2  }
0x14: {  	[tilespmem:s19+$0x2800] =	vst v0  }
0x15: {  	[spmem:s4] =	stream.linear.scatter [tilespmem:s12], [sflag:$0x2], $0x800, $0x38;
	[tilespmem:$0x5780] =	vst v63  }
0x16: {  	_ =	swait.ge [sflag:s13], $0x800  }
0x17: {  	[sflag:s13] =	ssyncset.done $0x0  }
0x18: {  	[sflag:s13] =	ssyncadd.s32 $0xFFFFF800  }
0x19: {  	[spmem:s9] =	stream.linear.scatter [tilespmem:s12], [sflag:$0x2], $0x800, $0x38;
	[tilespmem:$0x5780] =	vst v63  }
0x1a: {  	_ =	swait.ge [sflag:s13], $0x800  }
0x1b: {  	[sflag:s13] =	ssyncset.done $0x0  }
0x1c: {  	[sflag:s13] =	ssyncadd.s32 $0xFFFFF800  }
0x1d: {  	[spmem:s10] =	stream.linear.scatter [tilespmem:s12], [sflag:$0x2], $0x800, $0x38;
	[tilespmem:$0x5780] =	vst v63  }
0x1e: {  	_ =	swait.ge [sflag:s13], $0x800  }
0x1f: {  	[sflag:s13] =	ssyncset.done $0x0  }
0x20: {  	[sflag:s13] =	ssyncadd.s32 $0xFFFFF800  }
0x21: {  	[spmem:s11] =	stream.linear.scatter [tilespmem:s12], [sflag:$0x2], $0x800, $0x38;
	[tilespmem:$0x5780] =	vst v63  }
0x22: {  	_ =	swait.ge [sflag:s13], $0x800  }
0x23: {  	[sflag:s13] =	ssyncset.done $0x0  }
0x24: {  	[sflag:s13] =	ssyncadd.s32 $0xFFFFF800  }
0x25: {  	[spmem:s5] =	stream.linear.scatter [tilespmem:s12], [sflag:$0x2], $0x780, $0x38;
	[tilespmem:$0x5780] =	vst v63  }
0x26: {  	_ =	swait.ge [sflag:s13], $0x780  }
0x27: {  	[sflag:s13] =	ssyncset.done $0x0  }
0x28: {  	s18 =	simm.s32 $0x40;
	s19 =	simm.s32 $0x0;
	[sflag:s13] =	ssyncadd.s32 $0xFFFFF880  }
.LBB2_4:
0x29: {  	p0 =	sne.s32 s18, $0x1FC0;
	[tilespmem:s19+$0x2800] =	vst v1;
	s19 =	smov.u32 s18;
	s18 =	sadd.s32 $0x40, s18  }
.Ltmp1:
0x2a: {  	(pc) =	sbr.rel @p0 .LBB2_4-.Ltmp1, $2  }
0x2b: {  	_ =	sdelay $0x2  }
0x2c: {  	s19 =	sshra.s32 s19, $0x2  }
0x2d: {  	[tilespmem:s19+$0x2800] =	vst v1;
	s18 =	simm.s32 $0x0  }
0x2e: {  	[tilespmem:s18], [sflag:$0x2] =	stream.linear.gather [hbm4b:s6+s18], $0x2800, $0x38;
	[tilespmem:$0x5780] =	vst v63  }
0x2f: {  	_ =	swait.ge [sflag:s13], $0x2800  }
0x30: {  	[sflag:s13] =	ssyncset.done $0x0  }
0x31: {  	[sflag:s13] =	ssyncadd.s32 $0xFFFFD800  }
0x32: {  	[bflag:$0x0] =	sbarrier.arrive $0xFFFF  }
.LBB2_6:
0x33: {  	p0 =	sne.s32 s18, $0x9E00  }
.Ltmp2:
0x34: {  	_ = 	snop;
	(pc) =	sbr.rel @p0 .LBB2_6-.Ltmp2, $3  }
0x35: {  	_ =	sdelay $0x1  }
0x36: {  	s19 =	sshra.s32 s18, $0x2;
	s18 =	sadd.s32 $0x200, s18  }
0x37: {  	[spmem:s2] =	stream.indirect.scatter.add.f32 [tilespmem:s12], [sflag:$0x1], $0x10, s19, s14, $0xb8;
	[tilespmem:$0x5780] =	vst v63  }
0x38: {  	_ =	swait.ge [sflag:s15], $0x800  }
0x39: {  	s18 =	simm.s32 $0x4F;
	[sflag:s15] =	ssyncset.done $0x0  }
.LBB2_8:
0x3a: {  	p0 =	sne.s32 s18, $0x1;
	s18 =	sadd.s32 $0xFFFFFFFF, s18;
	[sflag:s15] =	ssyncadd.s32 $0xFFFFF800  }
.Ltmp3:
0x3b: {  	(pc) =	sbr.rel @p0 .LBB2_8-.Ltmp3, $3  }
0x3c: {  	_ =	sdelay $0x1  }
0x3d: {  	_ =	swait.ge [sflag:s15], $0x800  }
0x3e: {  	[sflag:s15] =	ssyncset.done $0x0  }
0x3f: {  	s3 =	sadd.s32 $0x1, s3  }
0x40: {  	[sflag:s15] =	ssyncadd.s32 $0xFFFFF800;
	p0 =	sne.s32 s3, s8  }
.Ltmp4:
0x41: {  	[bflag:$0x0] =	sbarrier.arrive $0xFFFF;
	(pc) =	sbr.rel @p0 .LBB2_1-.Ltmp4, $4  }
0x42: {  	[hbm:s7@s15], [sflag:s16] =	dma.strided [spmem:s17@s13], $0x278, s15, $0x1   }
0x43: {  	_ =	swait.ge [sflag:s13], $0x278  }
0x44: {  	[sflag:s13] =	ssyncset.done $0x0  }
0x45: {  	[sflag:s13] =	ssyncadd.s32 $0xFFFFFD88  }
0x46: {  	_ =	sfence.sel $0x180000  }
0x47: {  	[bflag:$0x0] =	sbarrier.arrive $0xFFFF  }
0x48: {  	p0 =	sne.s32 s0, $0x0;
	_ =	strace $0x90000047  }
0x49: {  	s0 =	sadd.s32 @!p0 $0x100000, s1;
	[bflag:$0x2] =	sbarrier.arrive $0xFFFF  }
0x4a: {  	[sflag:s0] =	ssyncadd.tile.s32 @!p0 $0x1;
	_ =	shalt  }
.Lfunc_end2:
_tile_overlayer_lowered:
.L_overlay_start_2:
0x4b: {  	(tag) =	ssettag $0x2  }
0x4c: {  	s0 =	rddreg [dreg:$0x0];
	s2 =	stileid.u32  }
0x4d: {  	s1 =	rddreg [dreg:$0x1];
	p0 =	sne.s32 s2, $0x0  }
0x4e: {  	s3 =	rddreg [dreg:$0x2];
	[bflag:$0x3] =	sbarrier.arrive $0xFFFF;
	s2 =	simm.s32 @!p0 $0x1C02  }
0x4f: {  	[timem:s3], [sflag:s2] =	dma.local @!p0 [hbm:s0], s1  }
0x50: {  	s0 =	simm.s32 @!p0 $0x2  }
0x51: {  	_ =	swait.ge @!p0 [sflag:s0], s1  }
0x52: {  	s1 =	ssub.s32 @!p0 $0x0, s1;
	[sflag:s0] =	ssyncset.done @!p0 $0x0  }
0x53: {  	[sflag:s0] =	ssyncadd.s32 @!p0 s1  }
0x54: {  	[bflag:$0x3] =	sbarrier.arrive $0xFFFF  }
0x55: {  	_ =	shalt  }

</sc_bundles>
